<compile_context>
chip_gen: v7x
topology: tpu7x:2x2x1
jax: 0.10.2.dev20260603
libtpu: 0.0.44.dev20260713+nightly
codegen_flags: <defaults>
</compile_context>

<pallas_src>
import functools

import jax
import jax.numpy as jnp
from jax import lax
from jax.experimental import pallas as pl
from jax.experimental.pallas import tpu as pltpu
from jax.experimental.pallas import tpu_sc as plsc

N = 10000
D = 128
TILES = 16
RPT = 640
NPAD = TILES * RPT
CHUNK = 128
IDXB = 8
NBUF = 2


def _round_up(x, m):
    return (x + m - 1) // m * m


@functools.lru_cache(maxsize=None)
def _make_sc_pass(e_pad, with_deg):
    chunks = e_pad // (TILES * CHUNK)
    nblk = chunks // IDXB

    mesh = plsc.VectorSubcoreMesh(core_axis_name="c", subcore_axis_name="s")
    h_ty = jax.ShapeDtypeStruct((2 * NPAD, D), jnp.float32)
    deg_ty = jax.ShapeDtypeStruct((2 * NPAD,), jnp.float32)

    @functools.partial(
        pl.kernel,
        mesh=mesh,
        out_type=(h_ty, deg_ty) if with_deg else h_ty,
        scratch_types=[
            pltpu.VMEM((2, IDXB, CHUNK), jnp.int32),
            pltpu.VMEM((2, IDXB, CHUNK), jnp.int32),
        ] + [pltpu.VMEM((CHUNK, D), jnp.float32) for _ in range(NBUF)] + [
            pltpu.VMEM((CHUNK,), jnp.float32),
            pltpu.VMEM((RPT,), jnp.float32),
            pltpu.VMEM_SHARED((NPAD, D), jnp.float32),
            pltpu.VMEM_SHARED((NPAD,), jnp.float32),
        ] + [pltpu.SemaphoreType.DMA for _ in range(2 * NBUF)] + [
            pltpu.SemaphoreType.DMA,
            pltpu.SemaphoreType.DMA,
        ],
    )
    def sc_pass(x_hbm, z_hbm, src_hbm, dst_hbm, *rest):
        if with_deg:
            h_out, deg_out = rest[0], rest[1]
            scratch = rest[2:]
        else:
            h_out, deg_out = rest[0], None
            scratch = rest[1:]
        idx_s, idx_d = scratch[0], scratch[1]
        rowbufs = scratch[2:2 + NBUF]
        ones_v, zvec, h_sh, deg_sh = scratch[2 + NBUF:6 + NBUF]
        sg = scratch[6 + NBUF:6 + 2 * NBUF]
        ss = scratch[6 + 2 * NBUF:6 + 3 * NBUF]
        semi, semz = scratch[6 + 3 * NBUF], scratch[7 + 3 * NBUF]

        cid = lax.axis_index("c")
        sid = lax.axis_index("s")
        row_base = sid * RPT

        pltpu.make_async_copy(z_hbm.at[pl.ds(row_base, RPT)],
                              h_sh.at[pl.ds(row_base, RPT)], semz).start()
        pltpu.make_async_copy(src_hbm.at[cid, sid, 0], idx_s.at[0],
                              semi).start()
        pltpu.make_async_copy(dst_hbm.at[cid, sid, 0], idx_d.at[0],
                              semi).start()

        z16 = jnp.zeros((16,), jnp.float32)
        o16 = jnp.ones((16,), jnp.float32)
        for j in range(CHUNK // 16):
            ones_v[pl.ds(j * 16, 16)] = o16

        def zero_v(i, c):
            zvec[pl.ds(i * 16, 16)] = z16
            return c
        lax.fori_loop(0, RPT // 16, zero_v, 0)
        if with_deg:
            pltpu.sync_copy(zvec, deg_sh.at[pl.ds(row_base, RPT)])

        pltpu.make_async_copy(src_hbm.at[cid, sid, 0], idx_s.at[0],
                              semi).wait()
        pltpu.make_async_copy(dst_hbm.at[cid, sid, 0], idx_d.at[0],
                              semi).wait()
        for j in range(NBUF):
            pltpu.make_async_copy(x_hbm.at[idx_s.at[0, j]], rowbufs[j],
                                  sg[j]).start()
        pltpu.make_async_copy(z_hbm.at[pl.ds(row_base, RPT)],
                              h_sh.at[pl.ds(row_base, RPT)], semz).wait()
        plsc.subcore_barrier()

        def process_block(b, slot):
            nxt = 1 - slot

            @pl.when(b < nblk - 1)
            def _():
                pltpu.make_async_copy(src_hbm.at[cid, sid, b + 1],
                                      idx_s.at[nxt], semi).start()
                pltpu.make_async_copy(dst_hbm.at[cid, sid, b + 1],
                                      idx_d.at[nxt], semi).start()

            for j in range(IDXB):
                rb = rowbufs[j % NBUF]
                sem = sg[j % NBUF]
                pltpu.make_async_copy(x_hbm.at[idx_s.at[slot, j]],
                                      rb, sem).wait()
                if False:
                    pltpu.sync_copy(rb, h_sh.at[idx_d.at[slot, j]], add=True)
                if with_deg:
                    pltpu.sync_copy(ones_v, deg_sh.at[idx_d.at[slot, j]],
                                    add=True)
                if j < IDXB - NBUF:
                    pltpu.make_async_copy(x_hbm.at[idx_s.at[slot, j + NBUF]],
                                          rb, sem).start()
                else:
                    @pl.when(b < nblk - 1)
                    def _():
                        if j == IDXB - NBUF:
                            pltpu.make_async_copy(src_hbm.at[cid, sid, b + 1],
                                                  idx_s.at[nxt], semi).wait()
                            pltpu.make_async_copy(dst_hbm.at[cid, sid, b + 1],
                                                  idx_d.at[nxt], semi).wait()
                        pltpu.make_async_copy(
                            x_hbm.at[idx_s.at[nxt, j - (IDXB - NBUF)]],
                            rb, sem).start()

        def body(b, c):
            @pl.when(b % 2 == 0)
            def _():
                process_block(b, 0)

            @pl.when(b % 2 == 1)
            def _():
                process_block(b, 1)
            return c
        lax.fori_loop(0, nblk, body, 0)

        plsc.subcore_barrier()

        out_base = cid * NPAD + row_base
        pltpu.sync_copy(h_sh.at[pl.ds(row_base, RPT)],
                        h_out.at[pl.ds(out_base, RPT)])
        if with_deg:
            pltpu.sync_copy(deg_sh.at[pl.ds(row_base, RPT)],
                            deg_out.at[pl.ds(out_base, RPT)])

    return sc_pass


def _normalize_call(x):
    r = x.shape[0]
    blk = 1280

    def body(x_ref, o_ref):
        v = x_ref[...]
        norm = jnp.sqrt(jnp.sum(v * v, axis=1, keepdims=True))
        o_ref[...] = v / jnp.maximum(norm, 1e-12)

    return pl.pallas_call(
        body,
        grid=(r // blk,),
        in_specs=[pl.BlockSpec((blk, D), lambda i: (i, 0))],
        out_specs=pl.BlockSpec((blk, D), lambda i: (i, 0)),
        out_shape=jax.ShapeDtypeStruct((r, D), jnp.float32),
    )(x)


def _dense_call(h, deg, w, b):
    r = h.shape[0]
    blk = 1280

    def body(h_ref, d_ref, w_ref, b_ref, o_ref):
        inv = 1.0 / jnp.maximum(d_ref[...], 1.0)
        y = jnp.dot(h_ref[...] * inv, w_ref[...],
                    preferred_element_type=jnp.float32) + b_ref[...]
        o_ref[...] = jnp.maximum(y, 0.0)

    return pl.pallas_call(
        body,
        grid=(r // blk,),
        in_specs=[
            pl.BlockSpec((blk, D), lambda i: (i, 0)),
            pl.BlockSpec((blk, 1), lambda i: (i, 0)),
            pl.BlockSpec((D, D), lambda i: (0, 0)),
            pl.BlockSpec((1, D), lambda i: (0, 0)),
        ],
        out_specs=pl.BlockSpec((blk, D), lambda i: (i, 0)),
        out_shape=jax.ShapeDtypeStruct((r, D), jnp.float32),
    )(h, deg, w, b)


def kernel(match_node_embeddings, ref_node_embeddings, match_weights,
           match_biases, match_edge_tensor, ref_edge_tensor):
    em = match_edge_tensor.astype(jnp.int32)
    er = ref_edge_tensor.astype(jnp.int32)
    e_pad = _round_up(max(em.shape[1], er.shape[1]), TILES * CHUNK * IDXB)
    chunks = e_pad // (TILES * CHUNK)

    def prep(e, off):
        pad = e_pad - e.shape[1]
        src = jnp.pad(e[0], (0, pad)) + off
        dst = jnp.pad(e[1], (0, pad), constant_values=N)
        return src, dst

    s0, d0 = prep(em, 0)
    s1, d1 = prep(er, NPAD)
    src_all = jnp.stack([s0, s1]).reshape(2, TILES, chunks // IDXB, IDXB, CHUNK)
    dst_all = jnp.stack([d0, d1]).reshape(2, TILES, chunks // IDXB, IDXB, CHUNK)

    x = jnp.concatenate([
        jnp.pad(match_node_embeddings, ((0, NPAD - N), (0, 0))),
        jnp.pad(ref_node_embeddings, ((0, NPAD - N), (0, 0))),
    ], axis=0)
    zeros = jnp.zeros((NPAD, D), jnp.float32)

    sc1 = _make_sc_pass(e_pad, True)
    sc2 = _make_sc_pass(e_pad, False)
    w = match_weights
    b2 = match_biases.reshape(1, D)

    x = _normalize_call(x)
    h, deg = sc1(x, zeros, src_all, dst_all)
    deg2 = deg.reshape(2 * NPAD, 1)
    x = _dense_call(h, deg2, w, b2)
    h2 = sc2(x, zeros, src_all, dst_all)
    out = _dense_call(h2, deg2, w, b2)

    return (out[:N], out[NPAD:NPAD + N])

# --- scband reference (transcript-rebuilt; emitter-appended) ---
"""Pipeline reference for scband-gcnalign-7610682048666 (READ-ONLY COPY).

The authoritative reference and input builder live on the scoring server;
editing this copy changes nothing except your own understanding.
"""

import jax, jax.numpy as jnp
import numpy as np

NUM_MATCH_NODES = 10000
NUM_REF_NODES = 10000
EMBED_DIM = 128
N_EDGES = 320000
N_LAYERS = 2


def _make_edges(seed, n_nodes, n_edges):
    rng = np.random.RandomState(seed)
    e = rng.randint(0, n_nodes, size=(2, n_edges)).astype(np.int64)
    # torch.unique(edge_tensor, dim=1): deduplicate edges
    e = np.unique(e, axis=1)
    return jnp.asarray(e)


def setup_inputs(seed: int = 0) -> dict:
    key = jax.random.key(seed)
    k1, k2, k3 = jax.random.split(key, 3)
    total = NUM_MATCH_NODES + NUM_REF_NODES
    std = 1.0 / np.sqrt(total)
    # truncated-normal-ish init for node embeddings (std = 1/sqrt(total_num_nodes))
    match_emb = jax.random.truncated_normal(k1, -2.0, 2.0, (NUM_MATCH_NODES, EMBED_DIM), dtype=jnp.float32) * std
    ref_emb = jax.random.truncated_normal(k2, -2.0, 2.0, (NUM_REF_NODES, EMBED_DIM), dtype=jnp.float32) * std
    # xavier_uniform_ for shared conv weight
    limit = np.sqrt(6.0 / (EMBED_DIM + EMBED_DIM))
    W = jax.random.uniform(k3, (EMBED_DIM, EMBED_DIM), dtype=jnp.float32, minval=-limit, maxval=limit)
    b = jnp.zeros((EMBED_DIM,), dtype=jnp.float32)
    match_edges = _make_edges(1, NUM_MATCH_NODES, N_EDGES)
    ref_edges = _make_edges(2, NUM_REF_NODES, N_EDGES)
    return {
        "match_node_embeddings": match_emb,
        "ref_node_embeddings": ref_emb,
        "match_weights": W,
        "match_biases": b,
        "match_edge_tensor": match_edges,
        "ref_edge_tensor": ref_edges,
    }


def _run_branch(emb, edges, W, b):
    src = edges[0]
    dst = edges[1]
    n = emb.shape[0]
    # inverse in-degree edge weights (buffer computed at construction)
    deg = jnp.zeros((n,), dtype=emb.dtype).at[dst].add(1.0)
    ew = (1.0 / deg[dst])[:, None]
    # functional.normalize(p=2, dim=1), eps=1e-12
    norm = jnp.linalg.norm(emb, axis=1, keepdims=True)
    x = emb / jnp.maximum(norm, 1e-12)
    for _ in range(N_LAYERS):
        msg = jnp.take(x, src, axis=0) * ew          # gather
        hidden = jnp.zeros_like(x).at[dst].add(msg)   # scatter-add (index_add)
        hidden = hidden @ W + b                       # vertical-shared conv weight
        x = jax.nn.relu(hidden)
    return x


def reference(match_node_embeddings, ref_node_embeddings, match_weights, match_biases, match_edge_tensor, ref_edge_tensor):
    out_match = _run_branch(match_node_embeddings, match_edge_tensor, match_weights, match_biases)
    out_ref = _run_branch(ref_node_embeddings, ref_edge_tensor, match_weights, match_biases)
    return (out_match, out_ref)

if __name__ == "__main__":
    import jax
    _d = setup_inputs()
    print(jax.jit(kernel)(*tuple(_d.values())))

</pallas_src>

<mosaic_0001>
#map = affine_map<(d0, d1) -> (0, 0)>
#map1 = affine_map<(d0, d1) -> (0, 0, 0, 0, 0)>
#map2 = affine_map<(d0, d1) -> (0)>
module attributes {stable_mosaic.version = 14 : i64} {
  func.func @sc_pass(%arg0: i32, %arg1: i32, %arg2: memref<20480x128xf32, #tpu.memory_space<hbm>>, %arg3: memref<10240x128xf32, #tpu.memory_space<hbm>>, %arg4: memref<2x16x20x8x128xi32, #tpu.memory_space<hbm>>, %arg5: memref<2x16x20x8x128xi32, #tpu.memory_space<hbm>>, %arg6: memref<20480x128xf32, #tpu.memory_space<hbm>>, %arg7: memref<20480xf32, #tpu.memory_space<hbm>>, %arg8: memref<2x8x128xi32, #tpu.memory_space<vmem>>, %arg9: memref<2x8x128xi32, #tpu.memory_space<vmem>>, %arg10: memref<128x128xf32, #tpu.memory_space<vmem>>, %arg11: memref<128x128xf32, #tpu.memory_space<vmem>>, %arg12: memref<128xf32, #tpu.memory_space<vmem>>, %arg13: memref<640xf32, #tpu.memory_space<vmem>>, %arg14: memref<10240x128xf32, #tpu.memory_space<vmem_shared>>, %arg15: memref<10240xf32, #tpu.memory_space<vmem_shared>>, %arg16: memref<!tpu.dma_semaphore, #tpu.memory_space<semaphore_mem>>, %arg17: memref<!tpu.dma_semaphore, #tpu.memory_space<semaphore_mem>>, %arg18: memref<!tpu.dma_semaphore, #tpu.memory_space<semaphore_mem>>, %arg19: memref<!tpu.dma_semaphore, #tpu.memory_space<semaphore_mem>>, %arg20: memref<!tpu.dma_semaphore, #tpu.memory_space<semaphore_mem>>, %arg21: memref<!tpu.dma_semaphore, #tpu.memory_space<semaphore_mem>>) attributes {dimension_semantics = [#tpu.dimension_semantics<core_parallel>, #tpu.dimension_semantics<subcore_parallel>], iteration_bounds = array<i64: 2, 16>, scalar_prefetch = 0 : i64, scratch_operands = 14 : i64, tpu.core_type = #tpu.core_type<sc_vector_subcore>, window_params = [{transform_indices = #map}, {transform_indices = #map}, {transform_indices = #map1}, {transform_indices = #map1}, {transform_indices = #map}, {transform_indices = #map2}]} {
    %mul3A = arith.constant 640 : i32
    %mul3A_0 = arith.muli %arg1, %mul3A : i32
    %dma_start3A = arith.constant 0 : i32
    %dma_start3A_1 = tpu.memref_slice %arg14[%mul3A_0, %dma_start3A] : memref<10240x128xf32, #tpu.memory_space<vmem_shared>> -> memref<640x128xf32, #tpu.memory_space<vmem_shared>>
    %dma_start3A_2 = arith.constant 0 : i32
    %dma_start3A_3 = tpu.memref_slice %arg3[%mul3A_0, %dma_start3A_2] : memref<10240x128xf32, #tpu.memory_space<hbm>> -> memref<640x128xf32, #tpu.memory_space<hbm>>
    tpu.enqueue_dma source(%dma_start3A_3 : memref<640x128xf32, #tpu.memory_space<hbm>>) target(%dma_start3A_1 : memref<640x128xf32, #tpu.memory_space<vmem_shared>>) target_semaphore(%arg21 : memref<!tpu.dma_semaphore, #tpu.memory_space<semaphore_mem>>)
    %dma_start3A_4 = arith.constant 0 : i32
    %dma_start3A_5 = arith.constant 0 : i32
    %dma_start3A_6 = arith.constant 0 : i32
    %dma_start3A_7 = arith.constant 0 : i32
    %dma_start3A_8 = tpu.memref_slice %arg8[%dma_start3A_5, %dma_start3A_6, %dma_start3A_7] : memref<2x8x128xi32, #tpu.memory_space<vmem>> -> memref<1x8x128xi32, #tpu.memory_space<vmem>>
    %dma_start3A_9 = tpu.memref_squeeze %dma_start3A_8 : memref<1x8x128xi32, #tpu.memory_space<vmem>> -> memref<8x128xi32, #tpu.memory_space<vmem>>
    %dma_start3A_10 = arith.constant 0 : i32
    %dma_start3A_11 = arith.constant 0 : i32
    %dma_start3A_12 = tpu.memref_slice %arg4[%arg0, %arg1, %dma_start3A_4, %dma_start3A_10, %dma_start3A_11] : memref<2x16x20x8x128xi32, #tpu.memory_space<hbm>> -> memref<1x1x1x8x128xi32, #tpu.memory_space<hbm>>
    %dma_start3A_13 = tpu.memref_squeeze %dma_start3A_12 : memref<1x1x1x8x128xi32, #tpu.memory_space<hbm>> -> memref<8x128xi32, #tpu.memory_space<hbm>>
    %dma_start3A_14 = arith.constant 0 : i32
    %dma_start3A_15 = arith.constant 0 : i32
    %dma_start3A_16 = tpu.memref_slice %arg8[%dma_start3A_5, %dma_start3A_14, %dma_start3A_15] : memref<2x8x128xi32, #tpu.memory_space<vmem>> -> memref<1x8x128xi32, #tpu.memory_space<vmem>>
    %dma_start3A_17 = tpu.memref_squeeze %dma_start3A_16 : memref<1x8x128xi32, #tpu.memory_space<vmem>> -> memref<8x128xi32, #tpu.memory_space<vmem>>
    %dma_start3A_18 = arith.constant 0 : i32
    %dma_start3A_19 = arith.constant 0 : i32
    %dma_start3A_20 = tpu.memref_slice %arg4[%arg0, %arg1, %dma_start3A_4, %dma_start3A_18, %dma_start3A_19] : memref<2x16x20x8x128xi32, #tpu.memory_space<hbm>> -> memref<1x1x1x8x128xi32, #tpu.memory_space<hbm>>
    %dma_start3A_21 = tpu.memref_squeeze %dma_start3A_20 : memref<1x1x1x8x128xi32, #tpu.memory_space<hbm>> -> memref<8x128xi32, #tpu.memory_space<hbm>>
    tpu.enqueue_dma source(%dma_start3A_21 : memref<8x128xi32, #tpu.memory_space<hbm>>) target(%dma_start3A_17 : memref<8x128xi32, #tpu.memory_space<vmem>>) target_semaphore(%arg20 : memref<!tpu.dma_semaphore, #tpu.memory_space<semaphore_mem>>)
    %dma_start3A_22 = arith.constant 0 : i32
    %dma_start3A_23 = arith.constant 0 : i32
    %dma_start3A_24 = arith.constant 0 : i32
    %dma_start3A_25 = arith.constant 0 : i32
    %dma_start3A_26 = tpu.memref_slice %arg9[%dma_start3A_23, %dma_start3A_24, %dma_start3A_25] : memref<2x8x128xi32, #tpu.memory_space<vmem>> -> memref<1x8x128xi32, #tpu.memory_space<vmem>>
    %dma_start3A_27 = tpu.memref_squeeze %dma_start3A_26 : memref<1x8x128xi32, #tpu.memory_space<vmem>> -> memref<8x128xi32, #tpu.memory_space<vmem>>
    %dma_start3A_28 = arith.constant 0 : i32
    %dma_start3A_29 = arith.constant 0 : i32
    %dma_start3A_30 = tpu.memref_slice %arg5[%arg0, %arg1, %dma_start3A_22, %dma_start3A_28, %dma_start3A_29] : memref<2x16x20x8x128xi32, #tpu.memory_space<hbm>> -> memref<1x1x1x8x128xi32, #tpu.memory_space<hbm>>
    %dma_start3A_31 = tpu.memref_squeeze %dma_start3A_30 : memref<1x1x1x8x128xi32, #tpu.memory_space<hbm>> -> memref<8x128xi32, #tpu.memory_space<hbm>>
    %dma_start3A_32 = arith.constant 0 : i32
    %dma_start3A_33 = arith.constant 0 : i32
    %dma_start3A_34 = tpu.memref_slice %arg9[%dma_start3A_23, %dma_start3A_32, %dma_start3A_33] : memref<2x8x128xi32, #tpu.memory_space<vmem>> -> memref<1x8x128xi32, #tpu.memory_space<vmem>>
    %dma_start3A_35 = tpu.memref_squeeze %dma_start3A_34 : memref<1x8x128xi32, #tpu.memory_space<vmem>> -> memref<8x128xi32, #tpu.memory_space<vmem>>
    %dma_start3A_36 = arith.constant 0 : i32
    %dma_start3A_37 = arith.constant 0 : i32
    %dma_start3A_38 = tpu.memref_slice %arg5[%arg0, %arg1, %dma_start3A_22, %dma_start3A_36, %dma_start3A_37] : memref<2x16x20x8x128xi32, #tpu.memory_space<hbm>> -> memref<1x1x1x8x128xi32, #tpu.memory_space<hbm>>
    %dma_start3A_39 = tpu.memref_squeeze %dma_start3A_38 : memref<1x1x1x8x128xi32, #tpu.memory_space<hbm>> -> memref<8x128xi32, #tpu.memory_space<hbm>>
    tpu.enqueue_dma source(%dma_start3A_39 : memref<8x128xi32, #tpu.memory_space<hbm>>) target(%dma_start3A_35 : memref<8x128xi32, #tpu.memory_space<vmem>>) target_semaphore(%arg20 : memref<!tpu.dma_semaphore, #tpu.memory_space<semaphore_mem>>)
    %broadcast_in_dim3A = arith.constant 0.000000e+00 : f32
    %broadcast_in_dim3A_40 = vector.broadcast %broadcast_in_dim3A : f32 to vector<16xf32>
    %broadcast_in_dim3A_41 = arith.constant 1.000000e+00 : f32
    %broadcast_in_dim3A_42 = vector.broadcast %broadcast_in_dim3A_41 : f32 to vector<16xf32>
    %swap3A = arith.constant 0 : index
    %swap3A_43 = tpu.vector_load %arg12[%swap3A] {strides = array<i32>} : memref<128xf32, #tpu.memory_space<vmem>>, vector<16xf32>,
    %swap3A_44 = vector.shape_cast %swap3A_43 : vector<16xf32> to vector<16xf32>
    %swap3A_45 = vector.shape_cast %broadcast_in_dim3A_42 : vector<16xf32> to vector<16xf32>
    tpu.vector_store %arg12[%swap3A], %swap3A_45 {strides = array<i32>} : memref<128xf32, #tpu.memory_space<vmem>>, vector<16xf32>,
    %swap3A_46 = arith.constant 16 : index
    %swap3A_47 = tpu.vector_load %arg12[%swap3A_46] {strides = array<i32>} : memref<128xf32, #tpu.memory_space<vmem>>, vector<16xf32>,
    %swap3A_48 = vector.shape_cast %swap3A_47 : vector<16xf32> to vector<16xf32>
    %swap3A_49 = vector.shape_cast %broadcast_in_dim3A_42 : vector<16xf32> to vector<16xf32>
    tpu.vector_store %arg12[%swap3A_46], %swap3A_49 {strides = array<i32>} : memref<128xf32, #tpu.memory_space<vmem>>, vector<16xf32>,
    %swap3A_50 = arith.constant 32 : index
    %swap3A_51 = tpu.vector_load %arg12[%swap3A_50] {strides = array<i32>} : memref<128xf32, #tpu.memory_space<vmem>>, vector<16xf32>,
    %swap3A_52 = vector.shape_cast %swap3A_51 : vector<16xf32> to vector<16xf32>
    %swap3A_53 = vector.shape_cast %broadcast_in_dim3A_42 : vector<16xf32> to vector<16xf32>
    tpu.vector_store %arg12[%swap3A_50], %swap3A_53 {strides = array<i32>} : memref<128xf32, #tpu.memory_space<vmem>>, vector<16xf32>,
    %swap3A_54 = arith.constant 48 : index
    %swap3A_55 = tpu.vector_load %arg12[%swap3A_54] {strides = array<i32>} : memref<128xf32, #tpu.memory_space<vmem>>, vector<16xf32>,
    %swap3A_56 = vector.shape_cast %swap3A_55 : vector<16xf32> to vector<16xf32>
    %swap3A_57 = vector.shape_cast %broadcast_in_dim3A_42 : vector<16xf32> to vector<16xf32>
    tpu.vector_store %arg12[%swap3A_54], %swap3A_57 {strides = array<i32>} : memref<128xf32, #tpu.memory_space<vmem>>, vector<16xf32>,
    %swap3A_58 = arith.constant 64 : index
    %swap3A_59 = tpu.vector_load %arg12[%swap3A_58] {strides = array<i32>} : memref<128xf32, #tpu.memory_space<vmem>>, vector<16xf32>,
    %swap3A_60 = vector.shape_cast %swap3A_59 : vector<16xf32> to vector<16xf32>
    %swap3A_61 = vector.shape_cast %broadcast_in_dim3A_42 : vector<16xf32> to vector<16xf32>
    tpu.vector_store %arg12[%swap3A_58], %swap3A_61 {strides = array<i32>} : memref<128xf32, #tpu.memory_space<vmem>>, vector<16xf32>,
    %swap3A_62 = arith.constant 80 : index
    %swap3A_63 = tpu.vector_load %arg12[%swap3A_62] {strides = array<i32>} : memref<128xf32, #tpu.memory_space<vmem>>, vector<16xf32>,
    %swap3A_64 = vector.shape_cast %swap3A_63 : vector<16xf32> to vector<16xf32>
    %swap3A_65 = vector.shape_cast %broadcast_in_dim3A_42 : vector<16xf32> to vector<16xf32>
    tpu.vector_store %arg12[%swap3A_62], %swap3A_65 {strides = array<i32>} : memref<128xf32, #tpu.memory_space<vmem>>, vector<16xf32>,
    %swap3A_66 = arith.constant 96 : index
    %swap3A_67 = tpu.vector_load %arg12[%swap3A_66] {strides = array<i32>} : memref<128xf32, #tpu.memory_space<vmem>>, vector<16xf32>,
    %swap3A_68 = vector.shape_cast %swap3A_67 : vector<16xf32> to vector<16xf32>
    %swap3A_69 = vector.shape_cast %broadcast_in_dim3A_42 : vector<16xf32> to vector<16xf32>
    tpu.vector_store %arg12[%swap3A_66], %swap3A_69 {strides = array<i32>} : memref<128xf32, #tpu.memory_space<vmem>>, vector<16xf32>,
    %swap3A_70 = arith.constant 112 : index
    %swap3A_71 = tpu.vector_load %arg12[%swap3A_70] {strides = array<i32>} : memref<128xf32, #tpu.memory_space<vmem>>, vector<16xf32>,
    %swap3A_72 = vector.shape_cast %swap3A_71 : vector<16xf32> to vector<16xf32>
    %swap3A_73 = vector.shape_cast %broadcast_in_dim3A_42 : vector<16xf32> to vector<16xf32>
    tpu.vector_store %arg12[%swap3A_70], %swap3A_73 {strides = array<i32>} : memref<128xf32, #tpu.memory_space<vmem>>, vector<16xf32>,
    %scan3A = arith.constant 0 : i32
    %scan3A_74 = arith.constant 0 : i32
    %scan3A_75 = arith.constant 40 : i32
    %scan3A_76 = arith.addi %scan3A_74, %scan3A_75 : i32
    %scan3A_77 = arith.constant 1 : i32
    scf.for %scan3A_143 = %scan3A_74 to %scan3A_76 step %scan3A_77  : i32 {
      %mul3A_144 = arith.constant 16 : i32
      %mul3A_145 = arith.muli %scan3A_143, %mul3A_144 : i32
      %swap3A_146 = arith.index_cast %mul3A_145 : i32 to index
      %swap3A_147 = tpu.vector_load %arg13[%swap3A_146] {strides = array<i32>} : memref<640xf32, #tpu.memory_space<vmem>>, vector<16xf32>,
      %swap3A_148 = vector.shape_cast %swap3A_147 : vector<16xf32> to vector<16xf32>
      %swap3A_149 = vector.shape_cast %broadcast_in_dim3A_40 : vector<16xf32> to vector<16xf32>
      tpu.vector_store %arg13[%swap3A_146], %swap3A_149 {strides = array<i32>} : memref<640xf32, #tpu.memory_space<vmem>>, vector<16xf32>,
    }
    %scan3A_78 = arith.constant 40 : i32
    "tpu.region"() ({
      %run_scoped3A = tpu.sem_alloc : memref<!tpu.dma_semaphore, #tpu.memory_space<semaphore_mem>>
      %dma_start3A_143 = tpu.memref_slice %arg15[%mul3A_0] : memref<10240xf32, #tpu.memory_space<vmem_shared>> -> memref<640xf32, #tpu.memory_space<vmem_shared>>
      %dma_start3A_144 = tpu.memref_slice %arg15[%mul3A_0] : memref<10240xf32, #tpu.memory_space<vmem_shared>> -> memref<640xf32, #tpu.memory_space<vmem_shared>>
      tpu.enqueue_dma source(%arg13 : memref<640xf32, #tpu.memory_space<vmem>>) target(%dma_start3A_144 : memref<640xf32, #tpu.memory_space<vmem_shared>>) target_semaphore(%run_scoped3A : memref<!tpu.dma_semaphore, #tpu.memory_space<semaphore_mem>>)
      %dma_wait3A_145 = tpu.memref_slice %arg15[%mul3A_0] : memref<10240xf32, #tpu.memory_space<vmem_shared>> -> memref<640xf32, #tpu.memory_space<vmem_shared>>
      %dma_wait3A_146 = tpu.memref_slice %arg15[%mul3A_0] : memref<10240xf32, #tpu.memory_space<vmem_shared>> -> memref<640xf32, #tpu.memory_space<vmem_shared>>
      tpu.wait_dma2 semaphore(%run_scoped3A : memref<!tpu.dma_semaphore, #tpu.memory_space<semaphore_mem>>) src(%arg13 : memref<640xf32, #tpu.memory_space<vmem>>) dst(%dma_wait3A_146 : memref<640xf32, #tpu.memory_space<vmem_shared>>)
      tpu.yield
    }) : () -> ()
    %dma_wait3A = arith.constant 0 : i32
    %dma_wait3A_79 = arith.constant 0 : i32
    %dma_wait3A_80 = arith.constant 0 : i32
    %dma_wait3A_81 = arith.constant 0 : i32
    %dma_wait3A_82 = tpu.memref_slice %arg8[%dma_wait3A_79, %dma_wait3A_80, %dma_wait3A_81] : memref<2x8x128xi32, #tpu.memory_space<vmem>> -> memref<1x8x128xi32, #tpu.memory_space<vmem>>
    %dma_wait3A_83 = tpu.memref_squeeze %dma_wait3A_82 : memref<1x8x128xi32, #tpu.memory_space<vmem>> -> memref<8x128xi32, #tpu.memory_space<vmem>>
    %dma_wait3A_84 = arith.constant 0 : i32
    %dma_wait3A_85 = arith.constant 0 : i32
    %dma_wait3A_86 = tpu.memref_slice %arg4[%arg0, %arg1, %dma_wait3A, %dma_wait3A_84, %dma_wait3A_85] : memref<2x16x20x8x128xi32, #tpu.memory_space<hbm>> -> memref<1x1x1x8x128xi32, #tpu.memory_space<hbm>>
    %dma_wait3A_87 = tpu.memref_squeeze %dma_wait3A_86 : memref<1x1x1x8x128xi32, #tpu.memory_space<hbm>> -> memref<8x128xi32, #tpu.memory_space<hbm>>
    %dma_wait3A_88 = arith.constant 0 : i32
    %dma_wait3A_89 = arith.constant 0 : i32
    %dma_wait3A_90 = tpu.memref_slice %arg8[%dma_wait3A_79, %dma_wait3A_88, %dma_wait3A_89] : memref<2x8x128xi32, #tpu.memory_space<vmem>> -> memref<1x8x128xi32, #tpu.memory_space<vmem>>
    %dma_wait3A_91 = tpu.memref_squeeze %dma_wait3A_90 : memref<1x8x128xi32, #tpu.memory_space<vmem>> -> memref<8x128xi32, #tpu.memory_space<vmem>>
    %dma_wait3A_92 = arith.constant 0 : i32
    %dma_wait3A_93 = arith.constant 0 : i32
    %dma_wait3A_94 = tpu.memref_slice %arg4[%arg0, %arg1, %dma_wait3A, %dma_wait3A_92, %dma_wait3A_93] : memref<2x16x20x8x128xi32, #tpu.memory_space<hbm>> -> memref<1x1x1x8x128xi32, #tpu.memory_space<hbm>>
    %dma_wait3A_95 = tpu.memref_squeeze %dma_wait3A_94 : memref<1x1x1x8x128xi32, #tpu.memory_space<hbm>> -> memref<8x128xi32, #tpu.memory_space<hbm>>
    tpu.wait_dma2 semaphore(%arg20 : memref<!tpu.dma_semaphore, #tpu.memory_space<semaphore_mem>>) src(%dma_wait3A_95 : memref<8x128xi32, #tpu.memory_space<hbm>>) dst(%dma_wait3A_91 : memref<8x128xi32, #tpu.memory_space<vmem>>)
    %dma_wait3A_96 = arith.constant 0 : i32
    %dma_wait3A_97 = arith.constant 0 : i32
    %dma_wait3A_98 = arith.constant 0 : i32
    %dma_wait3A_99 = arith.constant 0 : i32
    %dma_wait3A_100 = tpu.memref_slice %arg9[%dma_wait3A_97, %dma_wait3A_98, %dma_wait3A_99] : memref<2x8x128xi32, #tpu.memory_space<vmem>> -> memref<1x8x128xi32, #tpu.memory_space<vmem>>
    %dma_wait3A_101 = tpu.memref_squeeze %dma_wait3A_100 : memref<1x8x128xi32, #tpu.memory_space<vmem>> -> memref<8x128xi32, #tpu.memory_space<vmem>>
    %dma_wait3A_102 = arith.constant 0 : i32
    %dma_wait3A_103 = arith.constant 0 : i32
    %dma_wait3A_104 = tpu.memref_slice %arg5[%arg0, %arg1, %dma_wait3A_96, %dma_wait3A_102, %dma_wait3A_103] : memref<2x16x20x8x128xi32, #tpu.memory_space<hbm>> -> memref<1x1x1x8x128xi32, #tpu.memory_space<hbm>>
    %dma_wait3A_105 = tpu.memref_squeeze %dma_wait3A_104 : memref<1x1x1x8x128xi32, #tpu.memory_space<hbm>> -> memref<8x128xi32, #tpu.memory_space<hbm>>
    %dma_wait3A_106 = arith.constant 0 : i32
    %dma_wait3A_107 = arith.constant 0 : i32
    %dma_wait3A_108 = tpu.memref_slice %arg9[%dma_wait3A_97, %dma_wait3A_106, %dma_wait3A_107] : memref<2x8x128xi32, #tpu.memory_space<vmem>> -> memref<1x8x128xi32, #tpu.memory_space<vmem>>
    %dma_wait3A_109 = tpu.memref_squeeze %dma_wait3A_108 : memref<1x8x128xi32, #tpu.memory_space<vmem>> -> memref<8x128xi32, #tpu.memory_space<vmem>>
    %dma_wait3A_110 = arith.constant 0 : i32
    %dma_wait3A_111 = arith.constant 0 : i32
    %dma_wait3A_112 = tpu.memref_slice %arg5[%arg0, %arg1, %dma_wait3A_96, %dma_wait3A_110, %dma_wait3A_111] : memref<2x16x20x8x128xi32, #tpu.memory_space<hbm>> -> memref<1x1x1x8x128xi32, #tpu.memory_space<hbm>>
    %dma_wait3A_113 = tpu.memref_squeeze %dma_wait3A_112 : memref<1x1x1x8x128xi32, #tpu.memory_space<hbm>> -> memref<8x128xi32, #tpu.memory_space<hbm>>
    tpu.wait_dma2 semaphore(%arg20 : memref<!tpu.dma_semaphore, #tpu.memory_space<semaphore_mem>>) src(%dma_wait3A_113 : memref<8x128xi32, #tpu.memory_space<hbm>>) dst(%dma_wait3A_109 : memref<8x128xi32, #tpu.memory_space<vmem>>)
    %dma_start3A_114 = arith.constant 0 : i32
    %dma_start3A_115 = arith.constant 0 : i32
    %dma_start3A_116 = arith.constant 0 : i32
    %dma_start3A_117 = tpu.memref_slice %arg8[%dma_start3A_114, %dma_start3A_115, %dma_start3A_116] : memref<2x8x128xi32, #tpu.memory_space<vmem>> -> memref<1x1x128xi32, #tpu.memory_space<vmem>>
    %dma_start3A_118 = tpu.memref_squeeze %dma_start3A_117 : memref<1x1x128xi32, #tpu.memory_space<vmem>> -> memref<128xi32, #tpu.memory_space<vmem>>
    %dma_start3A_119 = arith.constant 0 : i32
    %dma_start3A_120 = arith.constant 0 : i32
    %dma_start3A_121 = tpu.memref_slice %arg2[%dma_start3A_119, %dma_start3A_120] : memref<20480x128xf32, #tpu.memory_space<hbm>> -> memref<20480x128xf32, #tpu.memory_space<hbm>>
    tpu.enqueue_indirect_dma source(%dma_start3A_121 : memref<20480x128xf32, #tpu.memory_space<hbm>>) target(%arg10 : memref<128x128xf32, #tpu.memory_space<vmem>>) offsets(%dma_start3A_118 : memref<128xi32, #tpu.memory_space<vmem>>) semaphore(%arg16 : memref<!tpu.dma_semaphore, #tpu.memory_space<semaphore_mem>>)
    %dma_start3A_122 = arith.constant 0 : i32
    %dma_start3A_123 = arith.constant 1 : i32
    %dma_start3A_124 = arith.constant 0 : i32
    %dma_start3A_125 = tpu.memref_slice %arg8[%dma_start3A_122, %dma_start3A_123, %dma_start3A_124] : memref<2x8x128xi32, #tpu.memory_space<vmem>> -> memref<1x1x128xi32, #tpu.memory_space<vmem>>
    %dma_start3A_126 = tpu.memref_squeeze %dma_start3A_125 : memref<1x1x128xi32, #tpu.memory_space<vmem>> -> memref<128xi32, #tpu.memory_space<vmem>>
    %dma_start3A_127 = arith.constant 0 : i32
    %dma_start3A_128 = arith.constant 0 : i32
    %dma_start3A_129 = tpu.memref_slice %arg2[%dma_start3A_127, %dma_start3A_128] : memref<20480x128xf32, #tpu.memory_space<hbm>> -> memref<20480x128xf32, #tpu.memory_space<hbm>>
    tpu.enqueue_indirect_dma source(%dma_start3A_129 : memref<20480x128xf32, #tpu.memory_space<hbm>>) target(%arg11 : memref<128x128xf32, #tpu.memory_space<vmem>>) offsets(%dma_start3A_126 : memref<128xi32, #tpu.memory_space<vmem>>) semaphore(%arg17 : memref<!tpu.dma_semaphore, #tpu.memory_space<semaphore_mem>>)
    %dma_wait3A_130 = arith.constant 0 : i32
    %dma_wait3A_131 = tpu.memref_slice %arg14[%mul3A_0, %dma_wait3A_130] : memref<10240x128xf32, #tpu.memory_space<vmem_shared>> -> memref<640x128xf32, #tpu.memory_space<vmem_shared>>
    %dma_wait3A_132 = arith.constant 0 : i32
    %dma_wait3A_133 = tpu.memref_slice %arg3[%mul3A_0, %dma_wait3A_132] : memref<10240x128xf32, #tpu.memory_space<hbm>> -> memref<640x128xf32, #tpu.memory_space<hbm>>
    tpu.wait_dma2 semaphore(%arg21 : memref<!tpu.dma_semaphore, #tpu.memory_space<semaphore_mem>>) src(%dma_wait3A_133 : memref<640x128xf32, #tpu.memory_space<hbm>>) dst(%dma_wait3A_131 : memref<640x128xf32, #tpu.memory_space<vmem_shared>>)
    %barrier3A = arith.constant 0 : index
    tpu.barrier barrier_id(%barrier3A)
    %scan3A_134 = arith.constant 0 : i32
    %scan3A_135 = arith.constant 0 : i32
    %scan3A_136 = arith.constant 20 : i32
    %scan3A_137 = arith.addi %scan3A_135, %scan3A_136 : i32
    %scan3A_138 = arith.constant 1 : i32
    scf.for %scan3A_143 = %scan3A_135 to %scan3A_137 step %scan3A_138  : i32 {
      %jit3A = arith.constant 2 : i32
      %eq3A = arith.constant 0 : i32
      %eq3A_144 = arith.cmpi eq, %jit3A, %eq3A : i32
      %jit3A_145 = arith.constant 1 : i32
      %select_n3A = arith.select %eq3A_144, %jit3A_145, %jit3A : i32
      %rem3A = arith.remsi %scan3A_143, %select_n3A : i32
      %ne3A = arith.constant 0 : i32
      %ne3A_146 = arith.cmpi ne, %rem3A, %ne3A : i32
      %lt3A = arith.constant 0 : i32
      %lt3A_147 = arith.cmpi slt, %rem3A, %lt3A : i32
      %lt3A_148 = arith.constant 0 : i32
      %lt3A_149 = arith.cmpi slt, %select_n3A, %lt3A_148 : i32
      %ne3A_150 = arith.xori %lt3A_147, %lt3A_149 : i1
      %and3A = arith.andi %ne3A_150, %ne3A_146 : i1
      %add3A_151 = arith.addi %rem3A, %select_n3A : i32
      %select_n3A_152 = arith.select %and3A, %add3A_151, %rem3A : i32
      %eq3A_153 = arith.constant 0 : i32
      %eq3A_154 = arith.cmpi eq, %select_n3A_152, %eq3A_153 : i32
      %convert_element_type3A = arith.extui %eq3A_154 : i1 to i32
      %cond3A = arith.constant 0 : i32
      %cond3A_155 = arith.cmpi ne, %convert_element_type3A, %cond3A : i32
      scf.if %cond3A_155 {
        %lt3A_177 = arith.constant 19 : i32
        %lt3A_178 = arith.cmpi slt, %scan3A_143, %lt3A_177 : i32
        %convert_element_type3A_179 = arith.extui %lt3A_178 : i1 to i32
        %cond3A_180 = arith.constant 0 : i32
        %cond3A_181 = arith.cmpi ne, %convert_element_type3A_179, %cond3A_180 : i32
        scf.if %cond3A_181 {
          %add3A_319 = arith.constant 1 : i32
          %add3A_320 = arith.addi %scan3A_143, %add3A_319 : i32
          %dma_start3A_321 = arith.constant 1 : i32
          %dma_start3A_322 = arith.constant 0 : i32
          %dma_start3A_323 = arith.constant 0 : i32
          %dma_start3A_324 = tpu.memref_slice %arg8[%dma_start3A_321, %dma_start3A_322, %dma_start3A_323] : memref<2x8x128xi32, #tpu.memory_space<vmem>> -> memref<1x8x128xi32, #tpu.memory_space<vmem>>
          %dma_start3A_325 = tpu.memref_squeeze %dma_start3A_324 : memref<1x8x128xi32, #tpu.memory_space<vmem>> -> memref<8x128xi32, #tpu.memory_space<vmem>>
          %dma_start3A_326 = arith.constant 0 : i32
          %dma_start3A_327 = arith.constant 0 : i32
          %dma_start3A_328 = tpu.memref_slice %arg4[%arg0, %arg1, %add3A_320, %dma_start3A_326, %dma_start3A_327] : memref<2x16x20x8x128xi32, #tpu.memory_space<hbm>> -> memref<1x1x1x8x128xi32, #tpu.memory_space<hbm>>
          %dma_start3A_329 = tpu.memref_squeeze %dma_start3A_328 : memref<1x1x1x8x128xi32, #tpu.memory_space<hbm>> -> memref<8x128xi32, #tpu.memory_space<hbm>>
          %dma_start3A_330 = arith.constant 0 : i32
          %dma_start3A_331 = arith.constant 0 : i32
          %dma_start3A_332 = tpu.memref_slice %arg8[%dma_start3A_321, %dma_start3A_330, %dma_start3A_331] : memref<2x8x128xi32, #tpu.memory_space<vmem>> -> memref<1x8x128xi32, #tpu.memory_space<vmem>>
          %dma_start3A_333 = tpu.memref_squeeze %dma_start3A_332 : memref<1x8x128xi32, #tpu.memory_space<vmem>> -> memref<8x128xi32, #tpu.memory_space<vmem>>
          %dma_start3A_334 = arith.constant 0 : i32
          %dma_start3A_335 = arith.constant 0 : i32
          %dma_start3A_336 = tpu.memref_slice %arg4[%arg0, %arg1, %add3A_320, %dma_start3A_334, %dma_start3A_335] : memref<2x16x20x8x128xi32, #tpu.memory_space<hbm>> -> memref<1x1x1x8x128xi32, #tpu.memory_space<hbm>>
          %dma_start3A_337 = tpu.memref_squeeze %dma_start3A_336 : memref<1x1x1x8x128xi32, #tpu.memory_space<hbm>> -> memref<8x128xi32, #tpu.memory_space<hbm>>
          tpu.enqueue_dma source(%dma_start3A_337 : memref<8x128xi32, #tpu.memory_space<hbm>>) target(%dma_start3A_333 : memref<8x128xi32, #tpu.memory_space<vmem>>) target_semaphore(%arg20 : memref<!tpu.dma_semaphore, #tpu.memory_space<semaphore_mem>>)
          %add3A_338 = arith.constant 1 : i32
          %add3A_339 = arith.addi %scan3A_143, %add3A_338 : i32
          %dma_start3A_340 = arith.constant 1 : i32
          %dma_start3A_341 = arith.constant 0 : i32
          %dma_start3A_342 = arith.constant 0 : i32
          %dma_start3A_343 = tpu.memref_slice %arg9[%dma_start3A_340, %dma_start3A_341, %dma_start3A_342] : memref<2x8x128xi32, #tpu.memory_space<vmem>> -> memref<1x8x128xi32, #tpu.memory_space<vmem>>
          %dma_start3A_344 = tpu.memref_squeeze %dma_start3A_343 : memref<1x8x128xi32, #tpu.memory_space<vmem>> -> memref<8x128xi32, #tpu.memory_space<vmem>>
          %dma_start3A_345 = arith.constant 0 : i32
          %dma_start3A_346 = arith.constant 0 : i32
          %dma_start3A_347 = tpu.memref_slice %arg5[%arg0, %arg1, %add3A_339, %dma_start3A_345, %dma_start3A_346] : memref<2x16x20x8x128xi32, #tpu.memory_space<hbm>> -> memref<1x1x1x8x128xi32, #tpu.memory_space<hbm>>
          %dma_start3A_348 = tpu.memref_squeeze %dma_start3A_347 : memref<1x1x1x8x128xi32, #tpu.memory_space<hbm>> -> memref<8x128xi32, #tpu.memory_space<hbm>>
          %dma_start3A_349 = arith.constant 0 : i32
          %dma_start3A_350 = arith.constant 0 : i32
          %dma_start3A_351 = tpu.memref_slice %arg9[%dma_start3A_340, %dma_start3A_349, %dma_start3A_350] : memref<2x8x128xi32, #tpu.memory_space<vmem>> -> memref<1x8x128xi32, #tpu.memory_space<vmem>>
          %dma_start3A_352 = tpu.memref_squeeze %dma_start3A_351 : memref<1x8x128xi32, #tpu.memory_space<vmem>> -> memref<8x128xi32, #tpu.memory_space<vmem>>
          %dma_start3A_353 = arith.constant 0 : i32
          %dma_start3A_354 = arith.constant 0 : i32
          %dma_start3A_355 = tpu.memref_slice %arg5[%arg0, %arg1, %add3A_339, %dma_start3A_353, %dma_start3A_354] : memref<2x16x20x8x128xi32, #tpu.memory_space<hbm>> -> memref<1x1x1x8x128xi32, #tpu.memory_space<hbm>>
          %dma_start3A_356 = tpu.memref_squeeze %dma_start3A_355 : memref<1x1x1x8x128xi32, #tpu.memory_space<hbm>> -> memref<8x128xi32, #tpu.memory_space<hbm>>
          tpu.enqueue_dma source(%dma_start3A_356 : memref<8x128xi32, #tpu.memory_space<hbm>>) target(%dma_start3A_352 : memref<8x128xi32, #tpu.memory_space<vmem>>) target_semaphore(%arg20 : memref<!tpu.dma_semaphore, #tpu.memory_space<semaphore_mem>>)
        } else {
        }
        %dma_wait3A_182 = arith.constant 0 : i32
        %dma_wait3A_183 = arith.constant 0 : i32
        %dma_wait3A_184 = arith.constant 0 : i32
        %dma_wait3A_185 = tpu.memref_slice %arg8[%dma_wait3A_182, %dma_wait3A_183, %dma_wait3A_184] : memref<2x8x128xi32, #tpu.memory_space<vmem>> -> memref<1x1x128xi32, #tpu.memory_space<vmem>>
        %dma_wait3A_186 = tpu.memref_squeeze %dma_wait3A_185 : memref<1x1x128xi32, #tpu.memory_space<vmem>> -> memref<128xi32, #tpu.memory_space<vmem>>
        %dma_wait3A_187 = arith.constant 0 : i32
        %dma_wait3A_188 = arith.constant 0 : i32
        %dma_wait3A_189 = tpu.memref_slice %arg2[%dma_wait3A_187, %dma_wait3A_188] : memref<20480x128xf32, #tpu.memory_space<hbm>> -> memref<20480x128xf32, #tpu.memory_space<hbm>>
        tpu.wait_indirect_dma semaphore(%arg16 : memref<!tpu.dma_semaphore, #tpu.memory_space<semaphore_mem>>) src(%dma_wait3A_189 : memref<20480x128xf32, #tpu.memory_space<hbm>>) dst(%arg10 : memref<128x128xf32, #tpu.memory_space<vmem>>)
        %run_scoped3A = arith.constant 0 : i32
        %run_scoped3A_190 = arith.constant 0 : i32
        "tpu.region"() ({
          %run_scoped3A_319 = tpu.sem_alloc : memref<!tpu.dma_semaphore, #tpu.memory_space<semaphore_mem>>
          %dma_start3A_320 = arith.constant 0 : i32
          %dma_start3A_321 = tpu.memref_slice %arg9[%run_scoped3A, %run_scoped3A_190, %dma_start3A_320] : memref<2x8x128xi32, #tpu.memory_space<vmem>> -> memref<1x1x128xi32, #tpu.memory_space<vmem>>
          %dma_start3A_322 = tpu.memref_squeeze %dma_start3A_321 : memref<1x1x128xi32, #tpu.memory_space<vmem>> -> memref<128xi32, #tpu.memory_space<vmem>>
          %dma_start3A_323 = arith.constant 0 : i32
          %dma_start3A_324 = tpu.memref_slice %arg15[%dma_start3A_323] : memref<10240xf32, #tpu.memory_space<vmem_shared>> -> memref<10240xf32, #tpu.memory_space<vmem_shared>>
          tpu.enqueue_indirect_dma source(%arg12 : memref<128xf32, #tpu.memory_space<vmem>>) target(%dma_start3A_324 : memref<10240xf32, #tpu.memory_space<vmem_shared>>) offsets(%dma_start3A_322 : memref<128xi32, #tpu.memory_space<vmem>>) semaphore(%run_scoped3A_319 : memref<!tpu.dma_semaphore, #tpu.memory_space<semaphore_mem>>) {add = true}
          %dma_wait3A_325 = arith.constant 0 : i32
          %dma_wait3A_326 = tpu.memref_slice %arg9[%run_scoped3A, %run_scoped3A_190, %dma_wait3A_325] : memref<2x8x128xi32, #tpu.memory_space<vmem>> -> memref<1x1x128xi32, #tpu.memory_space<vmem>>
          %dma_wait3A_327 = tpu.memref_squeeze %dma_wait3A_326 : memref<1x1x128xi32, #tpu.memory_space<vmem>> -> memref<128xi32, #tpu.memory_space<vmem>>
          %dma_wait3A_328 = arith.constant 0 : i32
          %dma_wait3A_329 = tpu.memref_slice %arg15[%dma_wait3A_328] : memref<10240xf32, #tpu.memory_space<vmem_shared>> -> memref<10240xf32, #tpu.memory_space<vmem_shared>>
          tpu.wait_indirect_dma semaphore(%run_scoped3A_319 : memref<!tpu.dma_semaphore, #tpu.memory_space<semaphore_mem>>) src(%arg12 : memref<128xf32, #tpu.memory_space<vmem>>) dst(%dma_wait3A_329 : memref<10240xf32, #tpu.memory_space<vmem_shared>>)
          tpu.yield
        }) : () -> ()
        %dma_start3A_191 = arith.constant 0 : i32
        %dma_start3A_192 = arith.constant 2 : i32
        %dma_start3A_193 = arith.constant 0 : i32
        %dma_start3A_194 = tpu.memref_slice %arg8[%dma_start3A_191, %dma_start3A_192, %dma_start3A_193] : memref<2x8x128xi32, #tpu.memory_space<vmem>> -> memref<1x1x128xi32, #tpu.memory_space<vmem>>
        %dma_start3A_195 = tpu.memref_squeeze %dma_start3A_194 : memref<1x1x128xi32, #tpu.memory_space<vmem>> -> memref<128xi32, #tpu.memory_space<vmem>>
        %dma_start3A_196 = arith.constant 0 : i32
        %dma_start3A_197 = arith.constant 0 : i32
        %dma_start3A_198 = tpu.memref_slice %arg2[%dma_start3A_196, %dma_start3A_197] : memref<20480x128xf32, #tpu.memory_space<hbm>> -> memref<20480x128xf32, #tpu.memory_space<hbm>>
        tpu.enqueue_indirect_dma source(%dma_start3A_198 : memref<20480x128xf32, #tpu.memory_space<hbm>>) target(%arg10 : memref<128x128xf32, #tpu.memory_space<vmem>>) offsets(%dma_start3A_195 : memref<128xi32, #tpu.memory_space<vmem>>) semaphore(%arg16 : memref<!tpu.dma_semaphore, #tpu.memory_space<semaphore_mem>>)
        %dma_wait3A_199 = arith.constant 0 : i32
        %dma_wait3A_200 = arith.constant 1 : i32
        %dma_wait3A_201 = arith.constant 0 : i32
        %dma_wait3A_202 = tpu.memref_slice %arg8[%dma_wait3A_199, %dma_wait3A_200, %dma_wait3A_201] : memref<2x8x128xi32, #tpu.memory_space<vmem>> -> memref<1x1x128xi32, #tpu.memory_space<vmem>>
        %dma_wait3A_203 = tpu.memref_squeeze %dma_wait3A_202 : memref<1x1x128xi32, #tpu.memory_space<vmem>> -> memref<128xi32, #tpu.memory_space<vmem>>
        %dma_wait3A_204 = arith.constant 0 : i32
        %dma_wait3A_205 = arith.constant 0 : i32
        %dma_wait3A_206 = tpu.memref_slice %arg2[%dma_wait3A_204, %dma_wait3A_205] : memref<20480x128xf32, #tpu.memory_space<hbm>> -> memref<20480x128xf32, #tpu.memory_space<hbm>>
        tpu.wait_indirect_dma semaphore(%arg17 : memref<!tpu.dma_semaphore, #tpu.memory_space<semaphore_mem>>) src(%dma_wait3A_206 : memref<20480x128xf32, #tpu.memory_space<hbm>>) dst(%arg11 : memref<128x128xf32, #tpu.memory_space<vmem>>)
        %run_scoped3A_207 = arith.constant 0 : i32
        %run_scoped3A_208 = arith.constant 1 : i32
        "tpu.region"() ({
          %run_scoped3A_319 = tpu.sem_alloc : memref<!tpu.dma_semaphore, #tpu.memory_space<semaphore_mem>>
          %dma_start3A_320 = arith.constant 0 : i32
          %dma_start3A_321 = tpu.memref_slice %arg9[%run_scoped3A_207, %run_scoped3A_208, %dma_start3A_320] : memref<2x8x128xi32, #tpu.memory_space<vmem>> -> memref<1x1x128xi32, #tpu.memory_space<vmem>>
          %dma_start3A_322 = tpu.memref_squeeze %dma_start3A_321 : memref<1x1x128xi32, #tpu.memory_space<vmem>> -> memref<128xi32, #tpu.memory_space<vmem>>
          %dma_start3A_323 = arith.constant 0 : i32
          %dma_start3A_324 = tpu.memref_slice %arg15[%dma_start3A_323] : memref<10240xf32, #tpu.memory_space<vmem_shared>> -> memref<10240xf32, #tpu.memory_space<vmem_shared>>
          tpu.enqueue_indirect_dma source(%arg12 : memref<128xf32, #tpu.memory_space<vmem>>) target(%dma_start3A_324 : memref<10240xf32, #tpu.memory_space<vmem_shared>>) offsets(%dma_start3A_322 : memref<128xi32, #tpu.memory_space<vmem>>) semaphore(%run_scoped3A_319 : memref<!tpu.dma_semaphore, #tpu.memory_space<semaphore_mem>>) {add = true}
          %dma_wait3A_325 = arith.constant 0 : i32
          %dma_wait3A_326 = tpu.memref_slice %arg9[%run_scoped3A_207, %run_scoped3A_208, %dma_wait3A_325] : memref<2x8x128xi32, #tpu.memory_space<vmem>> -> memref<1x1x128xi32, #tpu.memory_space<vmem>>
          %dma_wait3A_327 = tpu.memref_squeeze %dma_wait3A_326 : memref<1x1x128xi32, #tpu.memory_space<vmem>> -> memref<128xi32, #tpu.memory_space<vmem>>
          %dma_wait3A_328 = arith.constant 0 : i32
          %dma_wait3A_329 = tpu.memref_slice %arg15[%dma_wait3A_328] : memref<10240xf32, #tpu.memory_space<vmem_shared>> -> memref<10240xf32, #tpu.memory_space<vmem_shared>>
          tpu.wait_indirect_dma semaphore(%run_scoped3A_319 : memref<!tpu.dma_semaphore, #tpu.memory_space<semaphore_mem>>) src(%arg12 : memref<128xf32, #tpu.memory_space<vmem>>) dst(%dma_wait3A_329 : memref<10240xf32, #tpu.memory_space<vmem_shared>>)
          tpu.yield
        }) : () -> ()
        %dma_start3A_209 = arith.constant 0 : i32
        %dma_start3A_210 = arith.constant 3 : i32
        %dma_start3A_211 = arith.constant 0 : i32
        %dma_start3A_212 = tpu.memref_slice %arg8[%dma_start3A_209, %dma_start3A_210, %dma_start3A_211] : memref<2x8x128xi32, #tpu.memory_space<vmem>> -> memref<1x1x128xi32, #tpu.memory_space<vmem>>
        %dma_start3A_213 = tpu.memref_squeeze %dma_start3A_212 : memref<1x1x128xi32, #tpu.memory_space<vmem>> -> memref<128xi32, #tpu.memory_space<vmem>>
        %dma_start3A_214 = arith.constant 0 : i32
        %dma_start3A_215 = arith.constant 0 : i32
        %dma_start3A_216 = tpu.memref_slice %arg2[%dma_start3A_214, %dma_start3A_215] : memref<20480x128xf32, #tpu.memory_space<hbm>> -> memref<20480x128xf32, #tpu.memory_space<hbm>>
        tpu.enqueue_indirect_dma source(%dma_start3A_216 : memref<20480x128xf32, #tpu.memory_space<hbm>>) target(%arg11 : memref<128x128xf32, #tpu.memory_space<vmem>>) offsets(%dma_start3A_213 : memref<128xi32, #tpu.memory_space<vmem>>) semaphore(%arg17 : memref<!tpu.dma_semaphore, #tpu.memory_space<semaphore_mem>>)
        %dma_wait3A_217 = arith.constant 0 : i32
        %dma_wait3A_218 = arith.constant 2 : i32
        %dma_wait3A_219 = arith.constant 0 : i32
        %dma_wait3A_220 = tpu.memref_slice %arg8[%dma_wait3A_217, %dma_wait3A_218, %dma_wait3A_219] : memref<2x8x128xi32, #tpu.memory_space<vmem>> -> memref<1x1x128xi32, #tpu.memory_space<vmem>>
        %dma_wait3A_221 = tpu.memref_squeeze %dma_wait3A_220 : memref<1x1x128xi32, #tpu.memory_space<vmem>> -> memref<128xi32, #tpu.memory_space<vmem>>
        %dma_wait3A_222 = arith.constant 0 : i32
        %dma_wait3A_223 = arith.constant 0 : i32
        %dma_wait3A_224 = tpu.memref_slice %arg2[%dma_wait3A_222, %dma_wait3A_223] : memref<20480x128xf32, #tpu.memory_space<hbm>> -> memref<20480x128xf32, #tpu.memory_space<hbm>>
        tpu.wait_indirect_dma semaphore(%arg16 : memref<!tpu.dma_semaphore, #tpu.memory_space<semaphore_mem>>) src(%dma_wait3A_224 : memref<20480x128xf32, #tpu.memory_space<hbm>>) dst(%arg10 : memref<128x128xf32, #tpu.memory_space<vmem>>)
        %run_scoped3A_225 = arith.constant 0 : i32
        %run_scoped3A_226 = arith.constant 2 : i32
        "tpu.region"() ({
          %run_scoped3A_319 = tpu.sem_alloc : memref<!tpu.dma_semaphore, #tpu.memory_space<semaphore_mem>>
          %dma_start3A_320 = arith.constant 0 : i32
          %dma_start3A_321 = tpu.memref_slice %arg9[%run_scoped3A_225, %run_scoped3A_226, %dma_start3A_320] : memref<2x8x128xi32, #tpu.memory_space<vmem>> -> memref<1x1x128xi32, #tpu.memory_space<vmem>>
          %dma_start3A_322 = tpu.memref_squeeze %dma_start3A_321 : memref<1x1x128xi32, #tpu.memory_space<vmem>> -> memref<128xi32, #tpu.memory_space<vmem>>
          %dma_start3A_323 = arith.constant 0 : i32
          %dma_start3A_324 = tpu.memref_slice %arg15[%dma_start3A_323] : memref<10240xf32, #tpu.memory_space<vmem_shared>> -> memref<10240xf32, #tpu.memory_space<vmem_shared>>
          tpu.enqueue_indirect_dma source(%arg12 : memref<128xf32, #tpu.memory_space<vmem>>) target(%dma_start3A_324 : memref<10240xf32, #tpu.memory_space<vmem_shared>>) offsets(%dma_start3A_322 : memref<128xi32, #tpu.memory_space<vmem>>) semaphore(%run_scoped3A_319 : memref<!tpu.dma_semaphore, #tpu.memory_space<semaphore_mem>>) {add = true}
          %dma_wait3A_325 = arith.constant 0 : i32
          %dma_wait3A_326 = tpu.memref_slice %arg9[%run_scoped3A_225, %run_scoped3A_226, %dma_wait3A_325] : memref<2x8x128xi32, #tpu.memory_space<vmem>> -> memref<1x1x128xi32, #tpu.memory_space<vmem>>
          %dma_wait3A_327 = tpu.memref_squeeze %dma_wait3A_326 : memref<1x1x128xi32, #tpu.memory_space<vmem>> -> memref<128xi32, #tpu.memory_space<vmem>>
          %dma_wait3A_328 = arith.constant 0 : i32
          %dma_wait3A_329 = tpu.memref_slice %arg15[%dma_wait3A_328] : memref<10240xf32, #tpu.memory_space<vmem_shared>> -> memref<10240xf32, #tpu.memory_space<vmem_shared>>
          tpu.wait_indirect_dma semaphore(%run_scoped3A_319 : memref<!tpu.dma_semaphore, #tpu.memory_space<semaphore_mem>>) src(%arg12 : memref<128xf32, #tpu.memory_space<vmem>>) dst(%dma_wait3A_329 : memref<10240xf32, #tpu.memory_space<vmem_shared>>)
          tpu.yield
        }) : () -> ()
        %dma_start3A_227 = arith.constant 0 : i32
        %dma_start3A_228 = arith.constant 4 : i32
        %dma_start3A_229 = arith.constant 0 : i32
        %dma_start3A_230 = tpu.memref_slice %arg8[%dma_start3A_227, %dma_start3A_228, %dma_start3A_229] : memref<2x8x128xi32, #tpu.memory_space<vmem>> -> memref<1x1x128xi32, #tpu.memory_space<vmem>>
        %dma_start3A_231 = tpu.memref_squeeze %dma_start3A_230 : memref<1x1x128xi32, #tpu.memory_space<vmem>> -> memref<128xi32, #tpu.memory_space<vmem>>
        %dma_start3A_232 = arith.constant 0 : i32
        %dma_start3A_233 = arith.constant 0 : i32
        %dma_start3A_234 = tpu.memref_slice %arg2[%dma_start3A_232, %dma_start3A_233] : memref<20480x128xf32, #tpu.memory_space<hbm>> -> memref<20480x128xf32, #tpu.memory_space<hbm>>
        tpu.enqueue_indirect_dma source(%dma_start3A_234 : memref<20480x128xf32, #tpu.memory_space<hbm>>) target(%arg10 : memref<128x128xf32, #tpu.memory_space<vmem>>) offsets(%dma_start3A_231 : memref<128xi32, #tpu.memory_space<vmem>>) semaphore(%arg16 : memref<!tpu.dma_semaphore, #tpu.memory_space<semaphore_mem>>)
        %dma_wait3A_235 = arith.constant 0 : i32
        %dma_wait3A_236 = arith.constant 3 : i32
        %dma_wait3A_237 = arith.constant 0 : i32
        %dma_wait3A_238 = tpu.memref_slice %arg8[%dma_wait3A_235, %dma_wait3A_236, %dma_wait3A_237] : memref<2x8x128xi32, #tpu.memory_space<vmem>> -> memref<1x1x128xi32, #tpu.memory_space<vmem>>
        %dma_wait3A_239 = tpu.memref_squeeze %dma_wait3A_238 : memref<1x1x128xi32, #tpu.memory_space<vmem>> -> memref<128xi32, #tpu.memory_space<vmem>>
        %dma_wait3A_240 = arith.constant 0 : i32
        %dma_wait3A_241 = arith.constant 0 : i32
        %dma_wait3A_242 = tpu.memref_slice %arg2[%dma_wait3A_240, %dma_wait3A_241] : memref<20480x128xf32, #tpu.memory_space<hbm>> -> memref<20480x128xf32, #tpu.memory_space<hbm>>
        tpu.wait_indirect_dma semaphore(%arg17 : memref<!tpu.dma_semaphore, #tpu.memory_space<semaphore_mem>>) src(%dma_wait3A_242 : memref<20480x128xf32, #tpu.memory_space<hbm>>) dst(%arg11 : memref<128x128xf32, #tpu.memory_space<vmem>>)
        %run_scoped3A_243 = arith.constant 0 : i32
        %run_scoped3A_244 = arith.constant 3 : i32
        "tpu.region"() ({
          %run_scoped3A_319 = tpu.sem_alloc : memref<!tpu.dma_semaphore, #tpu.memory_space<semaphore_mem>>
          %dma_start3A_320 = arith.constant 0 : i32
          %dma_start3A_321 = tpu.memref_slice %arg9[%run_scoped3A_243, %run_scoped3A_244, %dma_start3A_320] : memref<2x8x128xi32, #tpu.memory_space<vmem>> -> memref<1x1x128xi32, #tpu.memory_space<vmem>>
          %dma_start3A_322 = tpu.memref_squeeze %dma_start3A_321 : memref<1x1x128xi32, #tpu.memory_space<vmem>> -> memref<128xi32, #tpu.memory_space<vmem>>
          %dma_start3A_323 = arith.constant 0 : i32
          %dma_start3A_324 = tpu.memref_slice %arg15[%dma_start3A_323] : memref<10240xf32, #tpu.memory_space<vmem_shared>> -> memref<10240xf32, #tpu.memory_space<vmem_shared>>
          tpu.enqueue_indirect_dma source(%arg12 : memref<128xf32, #tpu.memory_space<vmem>>) target(%dma_start3A_324 : memref<10240xf32, #tpu.memory_space<vmem_shared>>) offsets(%dma_start3A_322 : memref<128xi32, #tpu.memory_space<vmem>>) semaphore(%run_scoped3A_319 : memref<!tpu.dma_semaphore, #tpu.memory_space<semaphore_mem>>) {add = true}
          %dma_wait3A_325 = arith.constant 0 : i32
          %dma_wait3A_326 = tpu.memref_slice %arg9[%run_scoped3A_243, %run_scoped3A_244, %dma_wait3A_325] : memref<2x8x128xi32, #tpu.memory_space<vmem>> -> memref<1x1x128xi32, #tpu.memory_space<vmem>>
          %dma_wait3A_327 = tpu.memref_squeeze %dma_wait3A_326 : memref<1x1x128xi32, #tpu.memory_space<vmem>> -> memref<128xi32, #tpu.memory_space<vmem>>
          %dma_wait3A_328 = arith.constant 0 : i32
          %dma_wait3A_329 = tpu.memref_slice %arg15[%dma_wait3A_328] : memref<10240xf32, #tpu.memory_space<vmem_shared>> -> memref<10240xf32, #tpu.memory_space<vmem_shared>>
          tpu.wait_indirect_dma semaphore(%run_scoped3A_319 : memref<!tpu.dma_semaphore, #tpu.memory_space<semaphore_mem>>) src(%arg12 : memref<128xf32, #tpu.memory_space<vmem>>) dst(%dma_wait3A_329 : memref<10240xf32, #tpu.memory_space<vmem_shared>>)
          tpu.yield
        }) : () -> ()
        %dma_start3A_245 = arith.constant 0 : i32
        %dma_start3A_246 = arith.constant 5 : i32
        %dma_start3A_247 = arith.constant 0 : i32
        %dma_start3A_248 = tpu.memref_slice %arg8[%dma_start3A_245, %dma_start3A_246, %dma_start3A_247] : memref<2x8x128xi32, #tpu.memory_space<vmem>> -> memref<1x1x128xi32, #tpu.memory_space<vmem>>
        %dma_start3A_249 = tpu.memref_squeeze %dma_start3A_248 : memref<1x1x128xi32, #tpu.memory_space<vmem>> -> memref<128xi32, #tpu.memory_space<vmem>>
        %dma_start3A_250 = arith.constant 0 : i32
        %dma_start3A_251 = arith.constant 0 : i32
        %dma_start3A_252 = tpu.memref_slice %arg2[%dma_start3A_250, %dma_start3A_251] : memref<20480x128xf32, #tpu.memory_space<hbm>> -> memref<20480x128xf32, #tpu.memory_space<hbm>>
        tpu.enqueue_indirect_dma source(%dma_start3A_252 : memref<20480x128xf32, #tpu.memory_space<hbm>>) target(%arg11 : memref<128x128xf32, #tpu.memory_space<vmem>>) offsets(%dma_start3A_249 : memref<128xi32, #tpu.memory_space<vmem>>) semaphore(%arg17 : memref<!tpu.dma_semaphore, #tpu.memory_space<semaphore_mem>>)
        %dma_wait3A_253 = arith.constant 0 : i32
        %dma_wait3A_254 = arith.constant 4 : i32
        %dma_wait3A_255 = arith.constant 0 : i32
        %dma_wait3A_256 = tpu.memref_slice %arg8[%dma_wait3A_253, %dma_wait3A_254, %dma_wait3A_255] : memref<2x8x128xi32, #tpu.memory_space<vmem>> -> memref<1x1x128xi32, #tpu.memory_space<vmem>>
        %dma_wait3A_257 = tpu.memref_squeeze %dma_wait3A_256 : memref<1x1x128xi32, #tpu.memory_space<vmem>> -> memref<128xi32, #tpu.memory_space<vmem>>
        %dma_wait3A_258 = arith.constant 0 : i32
        %dma_wait3A_259 = arith.constant 0 : i32
        %dma_wait3A_260 = tpu.memref_slice %arg2[%dma_wait3A_258, %dma_wait3A_259] : memref<20480x128xf32, #tpu.memory_space<hbm>> -> memref<20480x128xf32, #tpu.memory_space<hbm>>
        tpu.wait_indirect_dma semaphore(%arg16 : memref<!tpu.dma_semaphore, #tpu.memory_space<semaphore_mem>>) src(%dma_wait3A_260 : memref<20480x128xf32, #tpu.memory_space<hbm>>) dst(%arg10 : memref<128x128xf32, #tpu.memory_space<vmem>>)
        %run_scoped3A_261 = arith.constant 0 : i32
        %run_scoped3A_262 = arith.constant 4 : i32
        "tpu.region"() ({
          %run_scoped3A_319 = tpu.sem_alloc : memref<!tpu.dma_semaphore, #tpu.memory_space<semaphore_mem>>
          %dma_start3A_320 = arith.constant 0 : i32
          %dma_start3A_321 = tpu.memref_slice %arg9[%run_scoped3A_261, %run_scoped3A_262, %dma_start3A_320] : memref<2x8x128xi32, #tpu.memory_space<vmem>> -> memref<1x1x128xi32, #tpu.memory_space<vmem>>
          %dma_start3A_322 = tpu.memref_squeeze %dma_start3A_321 : memref<1x1x128xi32, #tpu.memory_space<vmem>> -> memref<128xi32, #tpu.memory_space<vmem>>
          %dma_start3A_323 = arith.constant 0 : i32
          %dma_start3A_324 = tpu.memref_slice %arg15[%dma_start3A_323] : memref<10240xf32, #tpu.memory_space<vmem_shared>> -> memref<10240xf32, #tpu.memory_space<vmem_shared>>
          tpu.enqueue_indirect_dma source(%arg12 : memref<128xf32, #tpu.memory_space<vmem>>) target(%dma_start3A_324 : memref<10240xf32, #tpu.memory_space<vmem_shared>>) offsets(%dma_start3A_322 : memref<128xi32, #tpu.memory_space<vmem>>) semaphore(%run_scoped3A_319 : memref<!tpu.dma_semaphore, #tpu.memory_space<semaphore_mem>>) {add = true}
          %dma_wait3A_325 = arith.constant 0 : i32
          %dma_wait3A_326 = tpu.memref_slice %arg9[%run_scoped3A_261, %run_scoped3A_262, %dma_wait3A_325] : memref<2x8x128xi32, #tpu.memory_space<vmem>> -> memref<1x1x128xi32, #tpu.memory_space<vmem>>
          %dma_wait3A_327 = tpu.memref_squeeze %dma_wait3A_326 : memref<1x1x128xi32, #tpu.memory_space<vmem>> -> memref<128xi32, #tpu.memory_space<vmem>>
          %dma_wait3A_328 = arith.constant 0 : i32
          %dma_wait3A_329 = tpu.memref_slice %arg15[%dma_wait3A_328] : memref<10240xf32, #tpu.memory_space<vmem_shared>> -> memref<10240xf32, #tpu.memory_space<vmem_shared>>
          tpu.wait_indirect_dma semaphore(%run_scoped3A_319 : memref<!tpu.dma_semaphore, #tpu.memory_space<semaphore_mem>>) src(%arg12 : memref<128xf32, #tpu.memory_space<vmem>>) dst(%dma_wait3A_329 : memref<10240xf32, #tpu.memory_space<vmem_shared>>)
          tpu.yield
        }) : () -> ()
        %dma_start3A_263 = arith.constant 0 : i32
        %dma_start3A_264 = arith.constant 6 : i32
        %dma_start3A_265 = arith.constant 0 : i32
        %dma_start3A_266 = tpu.memref_slice %arg8[%dma_start3A_263, %dma_start3A_264, %dma_start3A_265] : memref<2x8x128xi32, #tpu.memory_space<vmem>> -> memref<1x1x128xi32, #tpu.memory_space<vmem>>
        %dma_start3A_267 = tpu.memref_squeeze %dma_start3A_266 : memref<1x1x128xi32, #tpu.memory_space<vmem>> -> memref<128xi32, #tpu.memory_space<vmem>>
        %dma_start3A_268 = arith.constant 0 : i32
        %dma_start3A_269 = arith.constant 0 : i32
        %dma_start3A_270 = tpu.memref_slice %arg2[%dma_start3A_268, %dma_start3A_269] : memref<20480x128xf32, #tpu.memory_space<hbm>> -> memref<20480x128xf32, #tpu.memory_space<hbm>>
        tpu.enqueue_indirect_dma source(%dma_start3A_270 : memref<20480x128xf32, #tpu.memory_space<hbm>>) target(%arg10 : memref<128x128xf32, #tpu.memory_space<vmem>>) offsets(%dma_start3A_267 : memref<128xi32, #tpu.memory_space<vmem>>) semaphore(%arg16 : memref<!tpu.dma_semaphore, #tpu.memory_space<semaphore_mem>>)
        %dma_wait3A_271 = arith.constant 0 : i32
        %dma_wait3A_272 = arith.constant 5 : i32
        %dma_wait3A_273 = arith.constant 0 : i32
        %dma_wait3A_274 = tpu.memref_slice %arg8[%dma_wait3A_271, %dma_wait3A_272, %dma_wait3A_273] : memref<2x8x128xi32, #tpu.memory_space<vmem>> -> memref<1x1x128xi32, #tpu.memory_space<vmem>>
        %dma_wait3A_275 = tpu.memref_squeeze %dma_wait3A_274 : memref<1x1x128xi32, #tpu.memory_space<vmem>> -> memref<128xi32, #tpu.memory_space<vmem>>
        %dma_wait3A_276 = arith.constant 0 : i32
        %dma_wait3A_277 = arith.constant 0 : i32
        %dma_wait3A_278 = tpu.memref_slice %arg2[%dma_wait3A_276, %dma_wait3A_277] : memref<20480x128xf32, #tpu.memory_space<hbm>> -> memref<20480x128xf32, #tpu.memory_space<hbm>>
        tpu.wait_indirect_dma semaphore(%arg17 : memref<!tpu.dma_semaphore, #tpu.memory_space<semaphore_mem>>) src(%dma_wait3A_278 : memref<20480x128xf32, #tpu.memory_space<hbm>>) dst(%arg11 : memref<128x128xf32, #tpu.memory_space<vmem>>)
        %run_scoped3A_279 = arith.constant 0 : i32
        %run_scoped3A_280 = arith.constant 5 : i32
        "tpu.region"() ({
          %run_scoped3A_319 = tpu.sem_alloc : memref<!tpu.dma_semaphore, #tpu.memory_space<semaphore_mem>>
          %dma_start3A_320 = arith.constant 0 : i32
          %dma_start3A_321 = tpu.memref_slice %arg9[%run_scoped3A_279, %run_scoped3A_280, %dma_start3A_320] : memref<2x8x128xi32, #tpu.memory_space<vmem>> -> memref<1x1x128xi32, #tpu.memory_space<vmem>>
          %dma_start3A_322 = tpu.memref_squeeze %dma_start3A_321 : memref<1x1x128xi32, #tpu.memory_space<vmem>> -> memref<128xi32, #tpu.memory_space<vmem>>
          %dma_start3A_323 = arith.constant 0 : i32
          %dma_start3A_324 = tpu.memref_slice %arg15[%dma_start3A_323] : memref<10240xf32, #tpu.memory_space<vmem_shared>> -> memref<10240xf32, #tpu.memory_space<vmem_shared>>
          tpu.enqueue_indirect_dma source(%arg12 : memref<128xf32, #tpu.memory_space<vmem>>) target(%dma_start3A_324 : memref<10240xf32, #tpu.memory_space<vmem_shared>>) offsets(%dma_start3A_322 : memref<128xi32, #tpu.memory_space<vmem>>) semaphore(%run_scoped3A_319 : memref<!tpu.dma_semaphore, #tpu.memory_space<semaphore_mem>>) {add = true}
          %dma_wait3A_325 = arith.constant 0 : i32
          %dma_wait3A_326 = tpu.memref_slice %arg9[%run_scoped3A_279, %run_scoped3A_280, %dma_wait3A_325] : memref<2x8x128xi32, #tpu.memory_space<vmem>> -> memref<1x1x128xi32, #tpu.memory_space<vmem>>
          %dma_wait3A_327 = tpu.memref_squeeze %dma_wait3A_326 : memref<1x1x128xi32, #tpu.memory_space<vmem>> -> memref<128xi32, #tpu.memory_space<vmem>>
          %dma_wait3A_328 = arith.constant 0 : i32
          %dma_wait3A_329 = tpu.memref_slice %arg15[%dma_wait3A_328] : memref<10240xf32, #tpu.memory_space<vmem_shared>> -> memref<10240xf32, #tpu.memory_space<vmem_shared>>
          tpu.wait_indirect_dma semaphore(%run_scoped3A_319 : memref<!tpu.dma_semaphore, #tpu.memory_space<semaphore_mem>>) src(%arg12 : memref<128xf32, #tpu.memory_space<vmem>>) dst(%dma_wait3A_329 : memref<10240xf32, #tpu.memory_space<vmem_shared>>)
          tpu.yield
        }) : () -> ()
        %dma_start3A_281 = arith.constant 0 : i32
        %dma_start3A_282 = arith.constant 7 : i32
        %dma_start3A_283 = arith.constant 0 : i32
        %dma_start3A_284 = tpu.memref_slice %arg8[%dma_start3A_281, %dma_start3A_282, %dma_start3A_283] : memref<2x8x128xi32, #tpu.memory_space<vmem>> -> memref<1x1x128xi32, #tpu.memory_space<vmem>>
        %dma_start3A_285 = tpu.memref_squeeze %dma_start3A_284 : memref<1x1x128xi32, #tpu.memory_space<vmem>> -> memref<128xi32, #tpu.memory_space<vmem>>
        %dma_start3A_286 = arith.constant 0 : i32
        %dma_start3A_287 = arith.constant 0 : i32
        %dma_start3A_288 = tpu.memref_slice %arg2[%dma_start3A_286, %dma_start3A_287] : memref<20480x128xf32, #tpu.memory_space<hbm>> -> memref<20480x128xf32, #tpu.memory_space<hbm>>
        tpu.enqueue_indirect_dma source(%dma_start3A_288 : memref<20480x128xf32, #tpu.memory_space<hbm>>) target(%arg11 : memref<128x128xf32, #tpu.memory_space<vmem>>) offsets(%dma_start3A_285 : memref<128xi32, #tpu.memory_space<vmem>>) semaphore(%arg17 : memref<!tpu.dma_semaphore, #tpu.memory_space<semaphore_mem>>)
        %dma_wait3A_289 = arith.constant 0 : i32
        %dma_wait3A_290 = arith.constant 6 : i32
        %dma_wait3A_291 = arith.constant 0 : i32
        %dma_wait3A_292 = tpu.memref_slice %arg8[%dma_wait3A_289, %dma_wait3A_290, %dma_wait3A_291] : memref<2x8x128xi32, #tpu.memory_space<vmem>> -> memref<1x1x128xi32, #tpu.memory_space<vmem>>
        %dma_wait3A_293 = tpu.memref_squeeze %dma_wait3A_292 : memref<1x1x128xi32, #tpu.memory_space<vmem>> -> memref<128xi32, #tpu.memory_space<vmem>>
        %dma_wait3A_294 = arith.constant 0 : i32
        %dma_wait3A_295 = arith.constant 0 : i32
        %dma_wait3A_296 = tpu.memref_slice %arg2[%dma_wait3A_294, %dma_wait3A_295] : memref<20480x128xf32, #tpu.memory_space<hbm>> -> memref<20480x128xf32, #tpu.memory_space<hbm>>
        tpu.wait_indirect_dma semaphore(%arg16 : memref<!tpu.dma_semaphore, #tpu.memory_space<semaphore_mem>>) src(%dma_wait3A_296 : memref<20480x128xf32, #tpu.memory_space<hbm>>) dst(%arg10 : memref<128x128xf32, #tpu.memory_space<vmem>>)
        %run_scoped3A_297 = arith.constant 0 : i32
        %run_scoped3A_298 = arith.constant 6 : i32
        "tpu.region"() ({
          %run_scoped3A_319 = tpu.sem_alloc : memref<!tpu.dma_semaphore, #tpu.memory_space<semaphore_mem>>
          %dma_start3A_320 = arith.constant 0 : i32
          %dma_start3A_321 = tpu.memref_slice %arg9[%run_scoped3A_297, %run_scoped3A_298, %dma_start3A_320] : memref<2x8x128xi32, #tpu.memory_space<vmem>> -> memref<1x1x128xi32, #tpu.memory_space<vmem>>
          %dma_start3A_322 = tpu.memref_squeeze %dma_start3A_321 : memref<1x1x128xi32, #tpu.memory_space<vmem>> -> memref<128xi32, #tpu.memory_space<vmem>>
          %dma_start3A_323 = arith.constant 0 : i32
          %dma_start3A_324 = tpu.memref_slice %arg15[%dma_start3A_323] : memref<10240xf32, #tpu.memory_space<vmem_shared>> -> memref<10240xf32, #tpu.memory_space<vmem_shared>>
          tpu.enqueue_indirect_dma source(%arg12 : memref<128xf32, #tpu.memory_space<vmem>>) target(%dma_start3A_324 : memref<10240xf32, #tpu.memory_space<vmem_shared>>) offsets(%dma_start3A_322 : memref<128xi32, #tpu.memory_space<vmem>>) semaphore(%run_scoped3A_319 : memref<!tpu.dma_semaphore, #tpu.memory_space<semaphore_mem>>) {add = true}
          %dma_wait3A_325 = arith.constant 0 : i32
          %dma_wait3A_326 = tpu.memref_slice %arg9[%run_scoped3A_297, %run_scoped3A_298, %dma_wait3A_325] : memref<2x8x128xi32, #tpu.memory_space<vmem>> -> memref<1x1x128xi32, #tpu.memory_space<vmem>>
          %dma_wait3A_327 = tpu.memref_squeeze %dma_wait3A_326 : memref<1x1x128xi32, #tpu.memory_space<vmem>> -> memref<128xi32, #tpu.memory_space<vmem>>
          %dma_wait3A_328 = arith.constant 0 : i32
          %dma_wait3A_329 = tpu.memref_slice %arg15[%dma_wait3A_328] : memref<10240xf32, #tpu.memory_space<vmem_shared>> -> memref<10240xf32, #tpu.memory_space<vmem_shared>>
          tpu.wait_indirect_dma semaphore(%run_scoped3A_319 : memref<!tpu.dma_semaphore, #tpu.memory_space<semaphore_mem>>) src(%arg12 : memref<128xf32, #tpu.memory_space<vmem>>) dst(%dma_wait3A_329 : memref<10240xf32, #tpu.memory_space<vmem_shared>>)
          tpu.yield
        }) : () -> ()
        %lt3A_299 = arith.constant 19 : i32
        %lt3A_300 = arith.cmpi slt, %scan3A_143, %lt3A_299 : i32
        %convert_element_type3A_301 = arith.extui %lt3A_300 : i1 to i32
        %cond3A_302 = arith.constant 0 : i32
        %cond3A_303 = arith.cmpi ne, %convert_element_type3A_301, %cond3A_302 : i32
        scf.if %cond3A_303 {
          %add3A_319 = arith.constant 1 : i32
          %add3A_320 = arith.addi %scan3A_143, %add3A_319 : i32
          %dma_wait3A_321 = arith.constant 1 : i32
          %dma_wait3A_322 = arith.constant 0 : i32
          %dma_wait3A_323 = arith.constant 0 : i32
          %dma_wait3A_324 = tpu.memref_slice %arg8[%dma_wait3A_321, %dma_wait3A_322, %dma_wait3A_323] : memref<2x8x128xi32, #tpu.memory_space<vmem>> -> memref<1x8x128xi32, #tpu.memory_space<vmem>>
          %dma_wait3A_325 = tpu.memref_squeeze %dma_wait3A_324 : memref<1x8x128xi32, #tpu.memory_space<vmem>> -> memref<8x128xi32, #tpu.memory_space<vmem>>
          %dma_wait3A_326 = arith.constant 0 : i32
          %dma_wait3A_327 = arith.constant 0 : i32
          %dma_wait3A_328 = tpu.memref_slice %arg4[%arg0, %arg1, %add3A_320, %dma_wait3A_326, %dma_wait3A_327] : memref<2x16x20x8x128xi32, #tpu.memory_space<hbm>> -> memref<1x1x1x8x128xi32, #tpu.memory_space<hbm>>
          %dma_wait3A_329 = tpu.memref_squeeze %dma_wait3A_328 : memref<1x1x1x8x128xi32, #tpu.memory_space<hbm>> -> memref<8x128xi32, #tpu.memory_space<hbm>>
          %dma_wait3A_330 = arith.constant 0 : i32
          %dma_wait3A_331 = arith.constant 0 : i32
          %dma_wait3A_332 = tpu.memref_slice %arg8[%dma_wait3A_321, %dma_wait3A_330, %dma_wait3A_331] : memref<2x8x128xi32, #tpu.memory_space<vmem>> -> memref<1x8x128xi32, #tpu.memory_space<vmem>>
          %dma_wait3A_333 = tpu.memref_squeeze %dma_wait3A_332 : memref<1x8x128xi32, #tpu.memory_space<vmem>> -> memref<8x128xi32, #tpu.memory_space<vmem>>
          %dma_wait3A_334 = arith.constant 0 : i32
          %dma_wait3A_335 = arith.constant 0 : i32
          %dma_wait3A_336 = tpu.memref_slice %arg4[%arg0, %arg1, %add3A_320, %dma_wait3A_334, %dma_wait3A_335] : memref<2x16x20x8x128xi32, #tpu.memory_space<hbm>> -> memref<1x1x1x8x128xi32, #tpu.memory_space<hbm>>
          %dma_wait3A_337 = tpu.memref_squeeze %dma_wait3A_336 : memref<1x1x1x8x128xi32, #tpu.memory_space<hbm>> -> memref<8x128xi32, #tpu.memory_space<hbm>>
          tpu.wait_dma2 semaphore(%arg20 : memref<!tpu.dma_semaphore, #tpu.memory_space<semaphore_mem>>) src(%dma_wait3A_337 : memref<8x128xi32, #tpu.memory_space<hbm>>) dst(%dma_wait3A_333 : memref<8x128xi32, #tpu.memory_space<vmem>>)
          %add3A_338 = arith.constant 1 : i32
          %add3A_339 = arith.addi %scan3A_143, %add3A_338 : i32
          %dma_wait3A_340 = arith.constant 1 : i32
          %dma_wait3A_341 = arith.constant 0 : i32
          %dma_wait3A_342 = arith.constant 0 : i32
          %dma_wait3A_343 = tpu.memref_slice %arg9[%dma_wait3A_340, %dma_wait3A_341, %dma_wait3A_342] : memref<2x8x128xi32, #tpu.memory_space<vmem>> -> memref<1x8x128xi32, #tpu.memory_space<vmem>>
          %dma_wait3A_344 = tpu.memref_squeeze %dma_wait3A_343 : memref<1x8x128xi32, #tpu.memory_space<vmem>> -> memref<8x128xi32, #tpu.memory_space<vmem>>
          %dma_wait3A_345 = arith.constant 0 : i32
          %dma_wait3A_346 = arith.constant 0 : i32
          %dma_wait3A_347 = tpu.memref_slice %arg5[%arg0, %arg1, %add3A_339, %dma_wait3A_345, %dma_wait3A_346] : memref<2x16x20x8x128xi32, #tpu.memory_space<hbm>> -> memref<1x1x1x8x128xi32, #tpu.memory_space<hbm>>
          %dma_wait3A_348 = tpu.memref_squeeze %dma_wait3A_347 : memref<1x1x1x8x128xi32, #tpu.memory_space<hbm>> -> memref<8x128xi32, #tpu.memory_space<hbm>>
          %dma_wait3A_349 = arith.constant 0 : i32
          %dma_wait3A_350 = arith.constant 0 : i32
          %dma_wait3A_351 = tpu.memref_slice %arg9[%dma_wait3A_340, %dma_wait3A_349, %dma_wait3A_350] : memref<2x8x128xi32, #tpu.memory_space<vmem>> -> memref<1x8x128xi32, #tpu.memory_space<vmem>>
          %dma_wait3A_352 = tpu.memref_squeeze %dma_wait3A_351 : memref<1x8x128xi32, #tpu.memory_space<vmem>> -> memref<8x128xi32, #tpu.memory_space<vmem>>
          %dma_wait3A_353 = arith.constant 0 : i32
          %dma_wait3A_354 = arith.constant 0 : i32
          %dma_wait3A_355 = tpu.memref_slice %arg5[%arg0, %arg1, %add3A_339, %dma_wait3A_353, %dma_wait3A_354] : memref<2x16x20x8x128xi32, #tpu.memory_space<hbm>> -> memref<1x1x1x8x128xi32, #tpu.memory_space<hbm>>
          %dma_wait3A_356 = tpu.memref_squeeze %dma_wait3A_355 : memref<1x1x1x8x128xi32, #tpu.memory_space<hbm>> -> memref<8x128xi32, #tpu.memory_space<hbm>>
          tpu.wait_dma2 semaphore(%arg20 : memref<!tpu.dma_semaphore, #tpu.memory_space<semaphore_mem>>) src(%dma_wait3A_356 : memref<8x128xi32, #tpu.memory_space<hbm>>) dst(%dma_wait3A_352 : memref<8x128xi32, #tpu.memory_space<vmem>>)
          %dma_start3A_357 = arith.constant 1 : i32
          %dma_start3A_358 = arith.constant 0 : i32
          %dma_start3A_359 = arith.constant 0 : i32
          %dma_start3A_360 = tpu.memref_slice %arg8[%dma_start3A_357, %dma_start3A_358, %dma_start3A_359] : memref<2x8x128xi32, #tpu.memory_space<vmem>> -> memref<1x1x128xi32, #tpu.memory_space<vmem>>
          %dma_start3A_361 = tpu.memref_squeeze %dma_start3A_360 : memref<1x1x128xi32, #tpu.memory_space<vmem>> -> memref<128xi32, #tpu.memory_space<vmem>>
          %dma_start3A_362 = arith.constant 0 : i32
          %dma_start3A_363 = arith.constant 0 : i32
          %dma_start3A_364 = tpu.memref_slice %arg2[%dma_start3A_362, %dma_start3A_363] : memref<20480x128xf32, #tpu.memory_space<hbm>> -> memref<20480x128xf32, #tpu.memory_space<hbm>>
          tpu.enqueue_indirect_dma source(%dma_start3A_364 : memref<20480x128xf32, #tpu.memory_space<hbm>>) target(%arg10 : memref<128x128xf32, #tpu.memory_space<vmem>>) offsets(%dma_start3A_361 : memref<128xi32, #tpu.memory_space<vmem>>) semaphore(%arg16 : memref<!tpu.dma_semaphore, #tpu.memory_space<semaphore_mem>>)
        } else {
        }
        %dma_wait3A_304 = arith.constant 0 : i32
        %dma_wait3A_305 = arith.constant 7 : i32
        %dma_wait3A_306 = arith.constant 0 : i32
        %dma_wait3A_307 = tpu.memref_slice %arg8[%dma_wait3A_304, %dma_wait3A_305, %dma_wait3A_306] : memref<2x8x128xi32, #tpu.memory_space<vmem>> -> memref<1x1x128xi32, #tpu.memory_space<vmem>>
        %dma_wait3A_308 = tpu.memref_squeeze %dma_wait3A_307 : memref<1x1x128xi32, #tpu.memory_space<vmem>> -> memref<128xi32, #tpu.memory_space<vmem>>
        %dma_wait3A_309 = arith.constant 0 : i32
        %dma_wait3A_310 = arith.constant 0 : i32
        %dma_wait3A_311 = tpu.memref_slice %arg2[%dma_wait3A_309, %dma_wait3A_310] : memref<20480x128xf32, #tpu.memory_space<hbm>> -> memref<20480x128xf32, #tpu.memory_space<hbm>>
        tpu.wait_indirect_dma semaphore(%arg17 : memref<!tpu.dma_semaphore, #tpu.memory_space<semaphore_mem>>) src(%dma_wait3A_311 : memref<20480x128xf32, #tpu.memory_space<hbm>>) dst(%arg11 : memref<128x128xf32, #tpu.memory_space<vmem>>)
        %run_scoped3A_312 = arith.constant 0 : i32
        %run_scoped3A_313 = arith.constant 7 : i32
        "tpu.region"() ({
          %run_scoped3A_319 = tpu.sem_alloc : memref<!tpu.dma_semaphore, #tpu.memory_space<semaphore_mem>>
          %dma_start3A_320 = arith.constant 0 : i32
          %dma_start3A_321 = tpu.memref_slice %arg9[%run_scoped3A_312, %run_scoped3A_313, %dma_start3A_320] : memref<2x8x128xi32, #tpu.memory_space<vmem>> -> memref<1x1x128xi32, #tpu.memory_space<vmem>>
          %dma_start3A_322 = tpu.memref_squeeze %dma_start3A_321 : memref<1x1x128xi32, #tpu.memory_space<vmem>> -> memref<128xi32, #tpu.memory_space<vmem>>
          %dma_start3A_323 = arith.constant 0 : i32
          %dma_start3A_324 = tpu.memref_slice %arg15[%dma_start3A_323] : memref<10240xf32, #tpu.memory_space<vmem_shared>> -> memref<10240xf32, #tpu.memory_space<vmem_shared>>
          tpu.enqueue_indirect_dma source(%arg12 : memref<128xf32, #tpu.memory_space<vmem>>) target(%dma_start3A_324 : memref<10240xf32, #tpu.memory_space<vmem_shared>>) offsets(%dma_start3A_322 : memref<128xi32, #tpu.memory_space<vmem>>) semaphore(%run_scoped3A_319 : memref<!tpu.dma_semaphore, #tpu.memory_space<semaphore_mem>>) {add = true}
          %dma_wait3A_325 = arith.constant 0 : i32
          %dma_wait3A_326 = tpu.memref_slice %arg9[%run_scoped3A_312, %run_scoped3A_313, %dma_wait3A_325] : memref<2x8x128xi32, #tpu.memory_space<vmem>> -> memref<1x1x128xi32, #tpu.memory_space<vmem>>
          %dma_wait3A_327 = tpu.memref_squeeze %dma_wait3A_326 : memref<1x1x128xi32, #tpu.memory_space<vmem>> -> memref<128xi32, #tpu.memory_space<vmem>>
          %dma_wait3A_328 = arith.constant 0 : i32
          %dma_wait3A_329 = tpu.memref_slice %arg15[%dma_wait3A_328] : memref<10240xf32, #tpu.memory_space<vmem_shared>> -> memref<10240xf32, #tpu.memory_space<vmem_shared>>
          tpu.wait_indirect_dma semaphore(%run_scoped3A_319 : memref<!tpu.dma_semaphore, #tpu.memory_space<semaphore_mem>>) src(%arg12 : memref<128xf32, #tpu.memory_space<vmem>>) dst(%dma_wait3A_329 : memref<10240xf32, #tpu.memory_space<vmem_shared>>)
          tpu.yield
        }) : () -> ()
        %lt3A_314 = arith.constant 19 : i32
        %lt3A_315 = arith.cmpi slt, %scan3A_143, %lt3A_314 : i32
        %convert_element_type3A_316 = arith.extui %lt3A_315 : i1 to i32
        %cond3A_317 = arith.constant 0 : i32
        %cond3A_318 = arith.cmpi ne, %convert_element_type3A_316, %cond3A_317 : i32
        scf.if %cond3A_318 {
          %dma_start3A_319 = arith.constant 1 : i32
          %dma_start3A_320 = arith.constant 1 : i32
          %dma_start3A_321 = arith.constant 0 : i32
          %dma_start3A_322 = tpu.memref_slice %arg8[%dma_start3A_319, %dma_start3A_320, %dma_start3A_321] : memref<2x8x128xi32, #tpu.memory_space<vmem>> -> memref<1x1x128xi32, #tpu.memory_space<vmem>>
          %dma_start3A_323 = tpu.memref_squeeze %dma_start3A_322 : memref<1x1x128xi32, #tpu.memory_space<vmem>> -> memref<128xi32, #tpu.memory_space<vmem>>
          %dma_start3A_324 = arith.constant 0 : i32
          %dma_start3A_325 = arith.constant 0 : i32
          %dma_start3A_326 = tpu.memref_slice %arg2[%dma_start3A_324, %dma_start3A_325] : memref<20480x128xf32, #tpu.memory_space<hbm>> -> memref<20480x128xf32, #tpu.memory_space<hbm>>
          tpu.enqueue_indirect_dma source(%dma_start3A_326 : memref<20480x128xf32, #tpu.memory_space<hbm>>) target(%arg11 : memref<128x128xf32, #tpu.memory_space<vmem>>) offsets(%dma_start3A_323 : memref<128xi32, #tpu.memory_space<vmem>>) semaphore(%arg17 : memref<!tpu.dma_semaphore, #tpu.memory_space<semaphore_mem>>)
        } else {
        }
      } else {
      }
      %jit3A_156 = arith.constant 2 : i32
      %eq3A_157 = arith.constant 0 : i32
      %eq3A_158 = arith.cmpi eq, %jit3A_156, %eq3A_157 : i32
      %jit3A_159 = arith.constant 1 : i32
      %select_n3A_160 = arith.select %eq3A_158, %jit3A_159, %jit3A_156 : i32
      %rem3A_161 = arith.remsi %scan3A_143, %select_n3A_160 : i32
      %ne3A_162 = arith.constant 0 : i32
      %ne3A_163 = arith.cmpi ne, %rem3A_161, %ne3A_162 : i32
      %lt3A_164 = arith.constant 0 : i32
      %lt3A_165 = arith.cmpi slt, %rem3A_161, %lt3A_164 : i32
      %lt3A_166 = arith.constant 0 : i32
      %lt3A_167 = arith.cmpi slt, %select_n3A_160, %lt3A_166 : i32
      %ne3A_168 = arith.xori %lt3A_165, %lt3A_167 : i1
      %and3A_169 = arith.andi %ne3A_168, %ne3A_163 : i1
      %add3A_170 = arith.addi %rem3A_161, %select_n3A_160 : i32
      %select_n3A_171 = arith.select %and3A_169, %add3A_170, %rem3A_161 : i32
      %eq3A_172 = arith.constant 1 : i32
      %eq3A_173 = arith.cmpi eq, %select_n3A_171, %eq3A_172 : i32
      %convert_element_type3A_174 = arith.extui %eq3A_173 : i1 to i32
      %cond3A_175 = arith.constant 0 : i32
      %cond3A_176 = arith.cmpi ne, %convert_element_type3A_174, %cond3A_175 : i32
      scf.if %cond3A_176 {
        %lt3A_177 = arith.constant 19 : i32
        %lt3A_178 = arith.cmpi slt, %scan3A_143, %lt3A_177 : i32
        %convert_element_type3A_179 = arith.extui %lt3A_178 : i1 to i32
        %cond3A_180 = arith.constant 0 : i32
        %cond3A_181 = arith.cmpi ne, %convert_element_type3A_179, %cond3A_180 : i32
        scf.if %cond3A_181 {
          %add3A_319 = arith.constant 1 : i32
          %add3A_320 = arith.addi %scan3A_143, %add3A_319 : i32
          %dma_start3A_321 = arith.constant 0 : i32
          %dma_start3A_322 = arith.constant 0 : i32
          %dma_start3A_323 = arith.constant 0 : i32
          %dma_start3A_324 = tpu.memref_slice %arg8[%dma_start3A_321, %dma_start3A_322, %dma_start3A_323] : memref<2x8x128xi32, #tpu.memory_space<vmem>> -> memref<1x8x128xi32, #tpu.memory_space<vmem>>
          %dma_start3A_325 = tpu.memref_squeeze %dma_start3A_324 : memref<1x8x128xi32, #tpu.memory_space<vmem>> -> memref<8x128xi32, #tpu.memory_space<vmem>>
          %dma_start3A_326 = arith.constant 0 : i32
          %dma_start3A_327 = arith.constant 0 : i32
          %dma_start3A_328 = tpu.memref_slice %arg4[%arg0, %arg1, %add3A_320, %dma_start3A_326, %dma_start3A_327] : memref<2x16x20x8x128xi32, #tpu.memory_space<hbm>> -> memref<1x1x1x8x128xi32, #tpu.memory_space<hbm>>
          %dma_start3A_329 = tpu.memref_squeeze %dma_start3A_328 : memref<1x1x1x8x128xi32, #tpu.memory_space<hbm>> -> memref<8x128xi32, #tpu.memory_space<hbm>>
          %dma_start3A_330 = arith.constant 0 : i32
          %dma_start3A_331 = arith.constant 0 : i32
          %dma_start3A_332 = tpu.memref_slice %arg8[%dma_start3A_321, %dma_start3A_330, %dma_start3A_331] : memref<2x8x128xi32, #tpu.memory_space<vmem>> -> memref<1x8x128xi32, #tpu.memory_space<vmem>>
          %dma_start3A_333 = tpu.memref_squeeze %dma_start3A_332 : memref<1x8x128xi32, #tpu.memory_space<vmem>> -> memref<8x128xi32, #tpu.memory_space<vmem>>
          %dma_start3A_334 = arith.constant 0 : i32
          %dma_start3A_335 = arith.constant 0 : i32
          %dma_start3A_336 = tpu.memref_slice %arg4[%arg0, %arg1, %add3A_320, %dma_start3A_334, %dma_start3A_335] : memref<2x16x20x8x128xi32, #tpu.memory_space<hbm>> -> memref<1x1x1x8x128xi32, #tpu.memory_space<hbm>>
          %dma_start3A_337 = tpu.memref_squeeze %dma_start3A_336 : memref<1x1x1x8x128xi32, #tpu.memory_space<hbm>> -> memref<8x128xi32, #tpu.memory_space<hbm>>
          tpu.enqueue_dma source(%dma_start3A_337 : memref<8x128xi32, #tpu.memory_space<hbm>>) target(%dma_start3A_333 : memref<8x128xi32, #tpu.memory_space<vmem>>) target_semaphore(%arg20 : memref<!tpu.dma_semaphore, #tpu.memory_space<semaphore_mem>>)
          %add3A_338 = arith.constant 1 : i32
          %add3A_339 = arith.addi %scan3A_143, %add3A_338 : i32
          %dma_start3A_340 = arith.constant 0 : i32
          %dma_start3A_341 = arith.constant 0 : i32
          %dma_start3A_342 = arith.constant 0 : i32
          %dma_start3A_343 = tpu.memref_slice %arg9[%dma_start3A_340, %dma_start3A_341, %dma_start3A_342] : memref<2x8x128xi32, #tpu.memory_space<vmem>> -> memref<1x8x128xi32, #tpu.memory_space<vmem>>
          %dma_start3A_344 = tpu.memref_squeeze %dma_start3A_343 : memref<1x8x128xi32, #tpu.memory_space<vmem>> -> memref<8x128xi32, #tpu.memory_space<vmem>>
          %dma_start3A_345 = arith.constant 0 : i32
          %dma_start3A_346 = arith.constant 0 : i32
          %dma_start3A_347 = tpu.memref_slice %arg5[%arg0, %arg1, %add3A_339, %dma_start3A_345, %dma_start3A_346] : memref<2x16x20x8x128xi32, #tpu.memory_space<hbm>> -> memref<1x1x1x8x128xi32, #tpu.memory_space<hbm>>
          %dma_start3A_348 = tpu.memref_squeeze %dma_start3A_347 : memref<1x1x1x8x128xi32, #tpu.memory_space<hbm>> -> memref<8x128xi32, #tpu.memory_space<hbm>>
          %dma_start3A_349 = arith.constant 0 : i32
          %dma_start3A_350 = arith.constant 0 : i32
          %dma_start3A_351 = tpu.memref_slice %arg9[%dma_start3A_340, %dma_start3A_349, %dma_start3A_350] : memref<2x8x128xi32, #tpu.memory_space<vmem>> -> memref<1x8x128xi32, #tpu.memory_space<vmem>>
          %dma_start3A_352 = tpu.memref_squeeze %dma_start3A_351 : memref<1x8x128xi32, #tpu.memory_space<vmem>> -> memref<8x128xi32, #tpu.memory_space<vmem>>
          %dma_start3A_353 = arith.constant 0 : i32
          %dma_start3A_354 = arith.constant 0 : i32
          %dma_start3A_355 = tpu.memref_slice %arg5[%arg0, %arg1, %add3A_339, %dma_start3A_353, %dma_start3A_354] : memref<2x16x20x8x128xi32, #tpu.memory_space<hbm>> -> memref<1x1x1x8x128xi32, #tpu.memory_space<hbm>>
          %dma_start3A_356 = tpu.memref_squeeze %dma_start3A_355 : memref<1x1x1x8x128xi32, #tpu.memory_space<hbm>> -> memref<8x128xi32, #tpu.memory_space<hbm>>
          tpu.enqueue_dma source(%dma_start3A_356 : memref<8x128xi32, #tpu.memory_space<hbm>>) target(%dma_start3A_352 : memref<8x128xi32, #tpu.memory_space<vmem>>) target_semaphore(%arg20 : memref<!tpu.dma_semaphore, #tpu.memory_space<semaphore_mem>>)
        } else {
        }
        %dma_wait3A_182 = arith.constant 1 : i32
        %dma_wait3A_183 = arith.constant 0 : i32
        %dma_wait3A_184 = arith.constant 0 : i32
        %dma_wait3A_185 = tpu.memref_slice %arg8[%dma_wait3A_182, %dma_wait3A_183, %dma_wait3A_184] : memref<2x8x128xi32, #tpu.memory_space<vmem>> -> memref<1x1x128xi32, #tpu.memory_space<vmem>>
        %dma_wait3A_186 = tpu.memref_squeeze %dma_wait3A_185 : memref<1x1x128xi32, #tpu.memory_space<vmem>> -> memref<128xi32, #tpu.memory_space<vmem>>
        %dma_wait3A_187 = arith.constant 0 : i32
        %dma_wait3A_188 = arith.constant 0 : i32
        %dma_wait3A_189 = tpu.memref_slice %arg2[%dma_wait3A_187, %dma_wait3A_188] : memref<20480x128xf32, #tpu.memory_space<hbm>> -> memref<20480x128xf32, #tpu.memory_space<hbm>>
        tpu.wait_indirect_dma semaphore(%arg16 : memref<!tpu.dma_semaphore, #tpu.memory_space<semaphore_mem>>) src(%dma_wait3A_189 : memref<20480x128xf32, #tpu.memory_space<hbm>>) dst(%arg10 : memref<128x128xf32, #tpu.memory_space<vmem>>)
        %run_scoped3A = arith.constant 1 : i32
        %run_scoped3A_190 = arith.constant 0 : i32
        "tpu.region"() ({
          %run_scoped3A_319 = tpu.sem_alloc : memref<!tpu.dma_semaphore, #tpu.memory_space<semaphore_mem>>
          %dma_start3A_320 = arith.constant 0 : i32
          %dma_start3A_321 = tpu.memref_slice %arg9[%run_scoped3A, %run_scoped3A_190, %dma_start3A_320] : memref<2x8x128xi32, #tpu.memory_space<vmem>> -> memref<1x1x128xi32, #tpu.memory_space<vmem>>
          %dma_start3A_322 = tpu.memref_squeeze %dma_start3A_321 : memref<1x1x128xi32, #tpu.memory_space<vmem>> -> memref<128xi32, #tpu.memory_space<vmem>>
          %dma_start3A_323 = arith.constant 0 : i32
          %dma_start3A_324 = tpu.memref_slice %arg15[%dma_start3A_323] : memref<10240xf32, #tpu.memory_space<vmem_shared>> -> memref<10240xf32, #tpu.memory_space<vmem_shared>>
          tpu.enqueue_indirect_dma source(%arg12 : memref<128xf32, #tpu.memory_space<vmem>>) target(%dma_start3A_324 : memref<10240xf32, #tpu.memory_space<vmem_shared>>) offsets(%dma_start3A_322 : memref<128xi32, #tpu.memory_space<vmem>>) semaphore(%run_scoped3A_319 : memref<!tpu.dma_semaphore, #tpu.memory_space<semaphore_mem>>) {add = true}
          %dma_wait3A_325 = arith.constant 0 : i32
          %dma_wait3A_326 = tpu.memref_slice %arg9[%run_scoped3A, %run_scoped3A_190, %dma_wait3A_325] : memref<2x8x128xi32, #tpu.memory_space<vmem>> -> memref<1x1x128xi32, #tpu.memory_space<vmem>>
          %dma_wait3A_327 = tpu.memref_squeeze %dma_wait3A_326 : memref<1x1x128xi32, #tpu.memory_space<vmem>> -> memref<128xi32, #tpu.memory_space<vmem>>
          %dma_wait3A_328 = arith.constant 0 : i32
          %dma_wait3A_329 = tpu.memref_slice %arg15[%dma_wait3A_328] : memref<10240xf32, #tpu.memory_space<vmem_shared>> -> memref<10240xf32, #tpu.memory_space<vmem_shared>>
          tpu.wait_indirect_dma semaphore(%run_scoped3A_319 : memref<!tpu.dma_semaphore, #tpu.memory_space<semaphore_mem>>) src(%arg12 : memref<128xf32, #tpu.memory_space<vmem>>) dst(%dma_wait3A_329 : memref<10240xf32, #tpu.memory_space<vmem_shared>>)
          tpu.yield
        }) : () -> ()
        %dma_start3A_191 = arith.constant 1 : i32
        %dma_start3A_192 = arith.constant 2 : i32
        %dma_start3A_193 = arith.constant 0 : i32
        %dma_start3A_194 = tpu.memref_slice %arg8[%dma_start3A_191, %dma_start3A_192, %dma_start3A_193] : memref<2x8x128xi32, #tpu.memory_space<vmem>> -> memref<1x1x128xi32, #tpu.memory_space<vmem>>
        %dma_start3A_195 = tpu.memref_squeeze %dma_start3A_194 : memref<1x1x128xi32, #tpu.memory_space<vmem>> -> memref<128xi32, #tpu.memory_space<vmem>>
        %dma_start3A_196 = arith.constant 0 : i32
        %dma_start3A_197 = arith.constant 0 : i32
        %dma_start3A_198 = tpu.memref_slice %arg2[%dma_start3A_196, %dma_start3A_197] : memref<20480x128xf32, #tpu.memory_space<hbm>> -> memref<20480x128xf32, #tpu.memory_space<hbm>>
        tpu.enqueue_indirect_dma source(%dma_start3A_198 : memref<20480x128xf32, #tpu.memory_space<hbm>>) target(%arg10 : memref<128x128xf32, #tpu.memory_space<vmem>>) offsets(%dma_start3A_195 : memref<128xi32, #tpu.memory_space<vmem>>) semaphore(%arg16 : memref<!tpu.dma_semaphore, #tpu.memory_space<semaphore_mem>>)
        %dma_wait3A_199 = arith.constant 1 : i32
        %dma_wait3A_200 = arith.constant 1 : i32
        %dma_wait3A_201 = arith.constant 0 : i32
        %dma_wait3A_202 = tpu.memref_slice %arg8[%dma_wait3A_199, %dma_wait3A_200, %dma_wait3A_201] : memref<2x8x128xi32, #tpu.memory_space<vmem>> -> memref<1x1x128xi32, #tpu.memory_space<vmem>>
        %dma_wait3A_203 = tpu.memref_squeeze %dma_wait3A_202 : memref<1x1x128xi32, #tpu.memory_space<vmem>> -> memref<128xi32, #tpu.memory_space<vmem>>
        %dma_wait3A_204 = arith.constant 0 : i32
        %dma_wait3A_205 = arith.constant 0 : i32
        %dma_wait3A_206 = tpu.memref_slice %arg2[%dma_wait3A_204, %dma_wait3A_205] : memref<20480x128xf32, #tpu.memory_space<hbm>> -> memref<20480x128xf32, #tpu.memory_space<hbm>>
        tpu.wait_indirect_dma semaphore(%arg17 : memref<!tpu.dma_semaphore, #tpu.memory_space<semaphore_mem>>) src(%dma_wait3A_206 : memref<20480x128xf32, #tpu.memory_space<hbm>>) dst(%arg11 : memref<128x128xf32, #tpu.memory_space<vmem>>)
        %run_scoped3A_207 = arith.constant 1 : i32
        %run_scoped3A_208 = arith.constant 1 : i32
        "tpu.region"() ({
          %run_scoped3A_319 = tpu.sem_alloc : memref<!tpu.dma_semaphore, #tpu.memory_space<semaphore_mem>>
          %dma_start3A_320 = arith.constant 0 : i32
          %dma_start3A_321 = tpu.memref_slice %arg9[%run_scoped3A_207, %run_scoped3A_208, %dma_start3A_320] : memref<2x8x128xi32, #tpu.memory_space<vmem>> -> memref<1x1x128xi32, #tpu.memory_space<vmem>>
          %dma_start3A_322 = tpu.memref_squeeze %dma_start3A_321 : memref<1x1x128xi32, #tpu.memory_space<vmem>> -> memref<128xi32, #tpu.memory_space<vmem>>
          %dma_start3A_323 = arith.constant 0 : i32
          %dma_start3A_324 = tpu.memref_slice %arg15[%dma_start3A_323] : memref<10240xf32, #tpu.memory_space<vmem_shared>> -> memref<10240xf32, #tpu.memory_space<vmem_shared>>
          tpu.enqueue_indirect_dma source(%arg12 : memref<128xf32, #tpu.memory_space<vmem>>) target(%dma_start3A_324 : memref<10240xf32, #tpu.memory_space<vmem_shared>>) offsets(%dma_start3A_322 : memref<128xi32, #tpu.memory_space<vmem>>) semaphore(%run_scoped3A_319 : memref<!tpu.dma_semaphore, #tpu.memory_space<semaphore_mem>>) {add = true}
          %dma_wait3A_325 = arith.constant 0 : i32
          %dma_wait3A_326 = tpu.memref_slice %arg9[%run_scoped3A_207, %run_scoped3A_208, %dma_wait3A_325] : memref<2x8x128xi32, #tpu.memory_space<vmem>> -> memref<1x1x128xi32, #tpu.memory_space<vmem>>
          %dma_wait3A_327 = tpu.memref_squeeze %dma_wait3A_326 : memref<1x1x128xi32, #tpu.memory_space<vmem>> -> memref<128xi32, #tpu.memory_space<vmem>>
          %dma_wait3A_328 = arith.constant 0 : i32
          %dma_wait3A_329 = tpu.memref_slice %arg15[%dma_wait3A_328] : memref<10240xf32, #tpu.memory_space<vmem_shared>> -> memref<10240xf32, #tpu.memory_space<vmem_shared>>
          tpu.wait_indirect_dma semaphore(%run_scoped3A_319 : memref<!tpu.dma_semaphore, #tpu.memory_space<semaphore_mem>>) src(%arg12 : memref<128xf32, #tpu.memory_space<vmem>>) dst(%dma_wait3A_329 : memref<10240xf32, #tpu.memory_space<vmem_shared>>)
          tpu.yield
        }) : () -> ()
        %dma_start3A_209 = arith.constant 1 : i32
        %dma_start3A_210 = arith.constant 3 : i32
        %dma_start3A_211 = arith.constant 0 : i32
        %dma_start3A_212 = tpu.memref_slice %arg8[%dma_start3A_209, %dma_start3A_210, %dma_start3A_211] : memref<2x8x128xi32, #tpu.memory_space<vmem>> -> memref<1x1x128xi32, #tpu.memory_space<vmem>>
        %dma_start3A_213 = tpu.memref_squeeze %dma_start3A_212 : memref<1x1x128xi32, #tpu.memory_space<vmem>> -> memref<128xi32, #tpu.memory_space<vmem>>
        %dma_start3A_214 = arith.constant 0 : i32
        %dma_start3A_215 = arith.constant 0 : i32
        %dma_start3A_216 = tpu.memref_slice %arg2[%dma_start3A_214, %dma_start3A_215] : memref<20480x128xf32, #tpu.memory_space<hbm>> -> memref<20480x128xf32, #tpu.memory_space<hbm>>
        tpu.enqueue_indirect_dma source(%dma_start3A_216 : memref<20480x128xf32, #tpu.memory_space<hbm>>) target(%arg11 : memref<128x128xf32, #tpu.memory_space<vmem>>) offsets(%dma_start3A_213 : memref<128xi32, #tpu.memory_space<vmem>>) semaphore(%arg17 : memref<!tpu.dma_semaphore, #tpu.memory_space<semaphore_mem>>)
        %dma_wait3A_217 = arith.constant 1 : i32
        %dma_wait3A_218 = arith.constant 2 : i32
        %dma_wait3A_219 = arith.constant 0 : i32
        %dma_wait3A_220 = tpu.memref_slice %arg8[%dma_wait3A_217, %dma_wait3A_218, %dma_wait3A_219] : memref<2x8x128xi32, #tpu.memory_space<vmem>> -> memref<1x1x128xi32, #tpu.memory_space<vmem>>
        %dma_wait3A_221 = tpu.memref_squeeze %dma_wait3A_220 : memref<1x1x128xi32, #tpu.memory_space<vmem>> -> memref<128xi32, #tpu.memory_space<vmem>>
        %dma_wait3A_222 = arith.constant 0 : i32
        %dma_wait3A_223 = arith.constant 0 : i32
        %dma_wait3A_224 = tpu.memref_slice %arg2[%dma_wait3A_222, %dma_wait3A_223] : memref<20480x128xf32, #tpu.memory_space<hbm>> -> memref<20480x128xf32, #tpu.memory_space<hbm>>
        tpu.wait_indirect_dma semaphore(%arg16 : memref<!tpu.dma_semaphore, #tpu.memory_space<semaphore_mem>>) src(%dma_wait3A_224 : memref<20480x128xf32, #tpu.memory_space<hbm>>) dst(%arg10 : memref<128x128xf32, #tpu.memory_space<vmem>>)
        %run_scoped3A_225 = arith.constant 1 : i32
        %run_scoped3A_226 = arith.constant 2 : i32
        "tpu.region"() ({
          %run_scoped3A_319 = tpu.sem_alloc : memref<!tpu.dma_semaphore, #tpu.memory_space<semaphore_mem>>
          %dma_start3A_320 = arith.constant 0 : i32
          %dma_start3A_321 = tpu.memref_slice %arg9[%run_scoped3A_225, %run_scoped3A_226, %dma_start3A_320] : memref<2x8x128xi32, #tpu.memory_space<vmem>> -> memref<1x1x128xi32, #tpu.memory_space<vmem>>
          %dma_start3A_322 = tpu.memref_squeeze %dma_start3A_321 : memref<1x1x128xi32, #tpu.memory_space<vmem>> -> memref<128xi32, #tpu.memory_space<vmem>>
          %dma_start3A_323 = arith.constant 0 : i32
          %dma_start3A_324 = tpu.memref_slice %arg15[%dma_start3A_323] : memref<10240xf32, #tpu.memory_space<vmem_shared>> -> memref<10240xf32, #tpu.memory_space<vmem_shared>>
          tpu.enqueue_indirect_dma source(%arg12 : memref<128xf32, #tpu.memory_space<vmem>>) target(%dma_start3A_324 : memref<10240xf32, #tpu.memory_space<vmem_shared>>) offsets(%dma_start3A_322 : memref<128xi32, #tpu.memory_space<vmem>>) semaphore(%run_scoped3A_319 : memref<!tpu.dma_semaphore, #tpu.memory_space<semaphore_mem>>) {add = true}
          %dma_wait3A_325 = arith.constant 0 : i32
          %dma_wait3A_326 = tpu.memref_slice %arg9[%run_scoped3A_225, %run_scoped3A_226, %dma_wait3A_325] : memref<2x8x128xi32, #tpu.memory_space<vmem>> -> memref<1x1x128xi32, #tpu.memory_space<vmem>>
          %dma_wait3A_327 = tpu.memref_squeeze %dma_wait3A_326 : memref<1x1x128xi32, #tpu.memory_space<vmem>> -> memref<128xi32, #tpu.memory_space<vmem>>
          %dma_wait3A_328 = arith.constant 0 : i32
          %dma_wait3A_329 = tpu.memref_slice %arg15[%dma_wait3A_328] : memref<10240xf32, #tpu.memory_space<vmem_shared>> -> memref<10240xf32, #tpu.memory_space<vmem_shared>>
          tpu.wait_indirect_dma semaphore(%run_scoped3A_319 : memref<!tpu.dma_semaphore, #tpu.memory_space<semaphore_mem>>) src(%arg12 : memref<128xf32, #tpu.memory_space<vmem>>) dst(%dma_wait3A_329 : memref<10240xf32, #tpu.memory_space<vmem_shared>>)
          tpu.yield
        }) : () -> ()
        %dma_start3A_227 = arith.constant 1 : i32
        %dma_start3A_228 = arith.constant 4 : i32
        %dma_start3A_229 = arith.constant 0 : i32
        %dma_start3A_230 = tpu.memref_slice %arg8[%dma_start3A_227, %dma_start3A_228, %dma_start3A_229] : memref<2x8x128xi32, #tpu.memory_space<vmem>> -> memref<1x1x128xi32, #tpu.memory_space<vmem>>
        %dma_start3A_231 = tpu.memref_squeeze %dma_start3A_230 : memref<1x1x128xi32, #tpu.memory_space<vmem>> -> memref<128xi32, #tpu.memory_space<vmem>>
        %dma_start3A_232 = arith.constant 0 : i32
        %dma_start3A_233 = arith.constant 0 : i32
        %dma_start3A_234 = tpu.memref_slice %arg2[%dma_start3A_232, %dma_start3A_233] : memref<20480x128xf32, #tpu.memory_space<hbm>> -> memref<20480x128xf32, #tpu.memory_space<hbm>>
        tpu.enqueue_indirect_dma source(%dma_start3A_234 : memref<20480x128xf32, #tpu.memory_space<hbm>>) target(%arg10 : memref<128x128xf32, #tpu.memory_space<vmem>>) offsets(%dma_start3A_231 : memref<128xi32, #tpu.memory_space<vmem>>) semaphore(%arg16 : memref<!tpu.dma_semaphore, #tpu.memory_space<semaphore_mem>>)
        %dma_wait3A_235 = arith.constant 1 : i32
        %dma_wait3A_236 = arith.constant 3 : i32
        %dma_wait3A_237 = arith.constant 0 : i32
        %dma_wait3A_238 = tpu.memref_slice %arg8[%dma_wait3A_235, %dma_wait3A_236, %dma_wait3A_237] : memref<2x8x128xi32, #tpu.memory_space<vmem>> -> memref<1x1x128xi32, #tpu.memory_space<vmem>>
        %dma_wait3A_239 = tpu.memref_squeeze %dma_wait3A_238 : memref<1x1x128xi32, #tpu.memory_space<vmem>> -> memref<128xi32, #tpu.memory_space<vmem>>
        %dma_wait3A_240 = arith.constant 0 : i32
        %dma_wait3A_241 = arith.constant 0 : i32
        %dma_wait3A_242 = tpu.memref_slice %arg2[%dma_wait3A_240, %dma_wait3A_241] : memref<20480x128xf32, #tpu.memory_space<hbm>> -> memref<20480x128xf32, #tpu.memory_space<hbm>>
        tpu.wait_indirect_dma semaphore(%arg17 : memref<!tpu.dma_semaphore, #tpu.memory_space<semaphore_mem>>) src(%dma_wait3A_242 : memref<20480x128xf32, #tpu.memory_space<hbm>>) dst(%arg11 : memref<128x128xf32, #tpu.memory_space<vmem>>)
        %run_scoped3A_243 = arith.constant 1 : i32
        %run_scoped3A_244 = arith.constant 3 : i32
        "tpu.region"() ({
          %run_scoped3A_319 = tpu.sem_alloc : memref<!tpu.dma_semaphore, #tpu.memory_space<semaphore_mem>>
          %dma_start3A_320 = arith.constant 0 : i32
          %dma_start3A_321 = tpu.memref_slice %arg9[%run_scoped3A_243, %run_scoped3A_244, %dma_start3A_320] : memref<2x8x128xi32, #tpu.memory_space<vmem>> -> memref<1x1x128xi32, #tpu.memory_space<vmem>>
          %dma_start3A_322 = tpu.memref_squeeze %dma_start3A_321 : memref<1x1x128xi32, #tpu.memory_space<vmem>> -> memref<128xi32, #tpu.memory_space<vmem>>
          %dma_start3A_323 = arith.constant 0 : i32
          %dma_start3A_324 = tpu.memref_slice %arg15[%dma_start3A_323] : memref<10240xf32, #tpu.memory_space<vmem_shared>> -> memref<10240xf32, #tpu.memory_space<vmem_shared>>
          tpu.enqueue_indirect_dma source(%arg12 : memref<128xf32, #tpu.memory_space<vmem>>) target(%dma_start3A_324 : memref<10240xf32, #tpu.memory_space<vmem_shared>>) offsets(%dma_start3A_322 : memref<128xi32, #tpu.memory_space<vmem>>) semaphore(%run_scoped3A_319 : memref<!tpu.dma_semaphore, #tpu.memory_space<semaphore_mem>>) {add = true}
          %dma_wait3A_325 = arith.constant 0 : i32
          %dma_wait3A_326 = tpu.memref_slice %arg9[%run_scoped3A_243, %run_scoped3A_244, %dma_wait3A_325] : memref<2x8x128xi32, #tpu.memory_space<vmem>> -> memref<1x1x128xi32, #tpu.memory_space<vmem>>
          %dma_wait3A_327 = tpu.memref_squeeze %dma_wait3A_326 : memref<1x1x128xi32, #tpu.memory_space<vmem>> -> memref<128xi32, #tpu.memory_space<vmem>>
          %dma_wait3A_328 = arith.constant 0 : i32
          %dma_wait3A_329 = tpu.memref_slice %arg15[%dma_wait3A_328] : memref<10240xf32, #tpu.memory_space<vmem_shared>> -> memref<10240xf32, #tpu.memory_space<vmem_shared>>
          tpu.wait_indirect_dma semaphore(%run_scoped3A_319 : memref<!tpu.dma_semaphore, #tpu.memory_space<semaphore_mem>>) src(%arg12 : memref<128xf32, #tpu.memory_space<vmem>>) dst(%dma_wait3A_329 : memref<10240xf32, #tpu.memory_space<vmem_shared>>)
          tpu.yield
        }) : () -> ()
        %dma_start3A_245 = arith.constant 1 : i32
        %dma_start3A_246 = arith.constant 5 : i32
        %dma_start3A_247 = arith.constant 0 : i32
        %dma_start3A_248 = tpu.memref_slice %arg8[%dma_start3A_245, %dma_start3A_246, %dma_start3A_247] : memref<2x8x128xi32, #tpu.memory_space<vmem>> -> memref<1x1x128xi32, #tpu.memory_space<vmem>>
        %dma_start3A_249 = tpu.memref_squeeze %dma_start3A_248 : memref<1x1x128xi32, #tpu.memory_space<vmem>> -> memref<128xi32, #tpu.memory_space<vmem>>
        %dma_start3A_250 = arith.constant 0 : i32
        %dma_start3A_251 = arith.constant 0 : i32
        %dma_start3A_252 = tpu.memref_slice %arg2[%dma_start3A_250, %dma_start3A_251] : memref<20480x128xf32, #tpu.memory_space<hbm>> -> memref<20480x128xf32, #tpu.memory_space<hbm>>
        tpu.enqueue_indirect_dma source(%dma_start3A_252 : memref<20480x128xf32, #tpu.memory_space<hbm>>) target(%arg11 : memref<128x128xf32, #tpu.memory_space<vmem>>) offsets(%dma_start3A_249 : memref<128xi32, #tpu.memory_space<vmem>>) semaphore(%arg17 : memref<!tpu.dma_semaphore, #tpu.memory_space<semaphore_mem>>)
        %dma_wait3A_253 = arith.constant 1 : i32
        %dma_wait3A_254 = arith.constant 4 : i32
        %dma_wait3A_255 = arith.constant 0 : i32
        %dma_wait3A_256 = tpu.memref_slice %arg8[%dma_wait3A_253, %dma_wait3A_254, %dma_wait3A_255] : memref<2x8x128xi32, #tpu.memory_space<vmem>> -> memref<1x1x128xi32, #tpu.memory_space<vmem>>
        %dma_wait3A_257 = tpu.memref_squeeze %dma_wait3A_256 : memref<1x1x128xi32, #tpu.memory_space<vmem>> -> memref<128xi32, #tpu.memory_space<vmem>>
        %dma_wait3A_258 = arith.constant 0 : i32
        %dma_wait3A_259 = arith.constant 0 : i32
        %dma_wait3A_260 = tpu.memref_slice %arg2[%dma_wait3A_258, %dma_wait3A_259] : memref<20480x128xf32, #tpu.memory_space<hbm>> -> memref<20480x128xf32, #tpu.memory_space<hbm>>
        tpu.wait_indirect_dma semaphore(%arg16 : memref<!tpu.dma_semaphore, #tpu.memory_space<semaphore_mem>>) src(%dma_wait3A_260 : memref<20480x128xf32, #tpu.memory_space<hbm>>) dst(%arg10 : memref<128x128xf32, #tpu.memory_space<vmem>>)
        %run_scoped3A_261 = arith.constant 1 : i32
        %run_scoped3A_262 = arith.constant 4 : i32
        "tpu.region"() ({
          %run_scoped3A_319 = tpu.sem_alloc : memref<!tpu.dma_semaphore, #tpu.memory_space<semaphore_mem>>
          %dma_start3A_320 = arith.constant 0 : i32
          %dma_start3A_321 = tpu.memref_slice %arg9[%run_scoped3A_261, %run_scoped3A_262, %dma_start3A_320] : memref<2x8x128xi32, #tpu.memory_space<vmem>> -> memref<1x1x128xi32, #tpu.memory_space<vmem>>
          %dma_start3A_322 = tpu.memref_squeeze %dma_start3A_321 : memref<1x1x128xi32, #tpu.memory_space<vmem>> -> memref<128xi32, #tpu.memory_space<vmem>>
          %dma_start3A_323 = arith.constant 0 : i32
          %dma_start3A_324 = tpu.memref_slice %arg15[%dma_start3A_323] : memref<10240xf32, #tpu.memory_space<vmem_shared>> -> memref<10240xf32, #tpu.memory_space<vmem_shared>>
          tpu.enqueue_indirect_dma source(%arg12 : memref<128xf32, #tpu.memory_space<vmem>>) target(%dma_start3A_324 : memref<10240xf32, #tpu.memory_space<vmem_shared>>) offsets(%dma_start3A_322 : memref<128xi32, #tpu.memory_space<vmem>>) semaphore(%run_scoped3A_319 : memref<!tpu.dma_semaphore, #tpu.memory_space<semaphore_mem>>) {add = true}
          %dma_wait3A_325 = arith.constant 0 : i32
          %dma_wait3A_326 = tpu.memref_slice %arg9[%run_scoped3A_261, %run_scoped3A_262, %dma_wait3A_325] : memref<2x8x128xi32, #tpu.memory_space<vmem>> -> memref<1x1x128xi32, #tpu.memory_space<vmem>>
          %dma_wait3A_327 = tpu.memref_squeeze %dma_wait3A_326 : memref<1x1x128xi32, #tpu.memory_space<vmem>> -> memref<128xi32, #tpu.memory_space<vmem>>
          %dma_wait3A_328 = arith.constant 0 : i32
          %dma_wait3A_329 = tpu.memref_slice %arg15[%dma_wait3A_328] : memref<10240xf32, #tpu.memory_space<vmem_shared>> -> memref<10240xf32, #tpu.memory_space<vmem_shared>>
          tpu.wait_indirect_dma semaphore(%run_scoped3A_319 : memref<!tpu.dma_semaphore, #tpu.memory_space<semaphore_mem>>) src(%arg12 : memref<128xf32, #tpu.memory_space<vmem>>) dst(%dma_wait3A_329 : memref<10240xf32, #tpu.memory_space<vmem_shared>>)
          tpu.yield
        }) : () -> ()
        %dma_start3A_263 = arith.constant 1 : i32
        %dma_start3A_264 = arith.constant 6 : i32
        %dma_start3A_265 = arith.constant 0 : i32
        %dma_start3A_266 = tpu.memref_slice %arg8[%dma_start3A_263, %dma_start3A_264, %dma_start3A_265] : memref<2x8x128xi32, #tpu.memory_space<vmem>> -> memref<1x1x128xi32, #tpu.memory_space<vmem>>
        %dma_start3A_267 = tpu.memref_squeeze %dma_start3A_266 : memref<1x1x128xi32, #tpu.memory_space<vmem>> -> memref<128xi32, #tpu.memory_space<vmem>>
        %dma_start3A_268 = arith.constant 0 : i32
        %dma_start3A_269 = arith.constant 0 : i32
        %dma_start3A_270 = tpu.memref_slice %arg2[%dma_start3A_268, %dma_start3A_269] : memref<20480x128xf32, #tpu.memory_space<hbm>> -> memref<20480x128xf32, #tpu.memory_space<hbm>>
        tpu.enqueue_indirect_dma source(%dma_start3A_270 : memref<20480x128xf32, #tpu.memory_space<hbm>>) target(%arg10 : memref<128x128xf32, #tpu.memory_space<vmem>>) offsets(%dma_start3A_267 : memref<128xi32, #tpu.memory_space<vmem>>) semaphore(%arg16 : memref<!tpu.dma_semaphore, #tpu.memory_space<semaphore_mem>>)
        %dma_wait3A_271 = arith.constant 1 : i32
        %dma_wait3A_272 = arith.constant 5 : i32
        %dma_wait3A_273 = arith.constant 0 : i32
        %dma_wait3A_274 = tpu.memref_slice %arg8[%dma_wait3A_271, %dma_wait3A_272, %dma_wait3A_273] : memref<2x8x128xi32, #tpu.memory_space<vmem>> -> memref<1x1x128xi32, #tpu.memory_space<vmem>>
        %dma_wait3A_275 = tpu.memref_squeeze %dma_wait3A_274 : memref<1x1x128xi32, #tpu.memory_space<vmem>> -> memref<128xi32, #tpu.memory_space<vmem>>
        %dma_wait3A_276 = arith.constant 0 : i32
        %dma_wait3A_277 = arith.constant 0 : i32
        %dma_wait3A_278 = tpu.memref_slice %arg2[%dma_wait3A_276, %dma_wait3A_277] : memref<20480x128xf32, #tpu.memory_space<hbm>> -> memref<20480x128xf32, #tpu.memory_space<hbm>>
        tpu.wait_indirect_dma semaphore(%arg17 : memref<!tpu.dma_semaphore, #tpu.memory_space<semaphore_mem>>) src(%dma_wait3A_278 : memref<20480x128xf32, #tpu.memory_space<hbm>>) dst(%arg11 : memref<128x128xf32, #tpu.memory_space<vmem>>)
        %run_scoped3A_279 = arith.constant 1 : i32
        %run_scoped3A_280 = arith.constant 5 : i32
        "tpu.region"() ({
          %run_scoped3A_319 = tpu.sem_alloc : memref<!tpu.dma_semaphore, #tpu.memory_space<semaphore_mem>>
          %dma_start3A_320 = arith.constant 0 : i32
          %dma_start3A_321 = tpu.memref_slice %arg9[%run_scoped3A_279, %run_scoped3A_280, %dma_start3A_320] : memref<2x8x128xi32, #tpu.memory_space<vmem>> -> memref<1x1x128xi32, #tpu.memory_space<vmem>>
          %dma_start3A_322 = tpu.memref_squeeze %dma_start3A_321 : memref<1x1x128xi32, #tpu.memory_space<vmem>> -> memref<128xi32, #tpu.memory_space<vmem>>
          %dma_start3A_323 = arith.constant 0 : i32
          %dma_start3A_324 = tpu.memref_slice %arg15[%dma_start3A_323] : memref<10240xf32, #tpu.memory_space<vmem_shared>> -> memref<10240xf32, #tpu.memory_space<vmem_shared>>
          tpu.enqueue_indirect_dma source(%arg12 : memref<128xf32, #tpu.memory_space<vmem>>) target(%dma_start3A_324 : memref<10240xf32, #tpu.memory_space<vmem_shared>>) offsets(%dma_start3A_322 : memref<128xi32, #tpu.memory_space<vmem>>) semaphore(%run_scoped3A_319 : memref<!tpu.dma_semaphore, #tpu.memory_space<semaphore_mem>>) {add = true}
          %dma_wait3A_325 = arith.constant 0 : i32
          %dma_wait3A_326 = tpu.memref_slice %arg9[%run_scoped3A_279, %run_scoped3A_280, %dma_wait3A_325] : memref<2x8x128xi32, #tpu.memory_space<vmem>> -> memref<1x1x128xi32, #tpu.memory_space<vmem>>
          %dma_wait3A_327 = tpu.memref_squeeze %dma_wait3A_326 : memref<1x1x128xi32, #tpu.memory_space<vmem>> -> memref<128xi32, #tpu.memory_space<vmem>>
          %dma_wait3A_328 = arith.constant 0 : i32
          %dma_wait3A_329 = tpu.memref_slice %arg15[%dma_wait3A_328] : memref<10240xf32, #tpu.memory_space<vmem_shared>> -> memref<10240xf32, #tpu.memory_space<vmem_shared>>
          tpu.wait_indirect_dma semaphore(%run_scoped3A_319 : memref<!tpu.dma_semaphore, #tpu.memory_space<semaphore_mem>>) src(%arg12 : memref<128xf32, #tpu.memory_space<vmem>>) dst(%dma_wait3A_329 : memref<10240xf32, #tpu.memory_space<vmem_shared>>)
          tpu.yield
        }) : () -> ()
        %dma_start3A_281 = arith.constant 1 : i32
        %dma_start3A_282 = arith.constant 7 : i32
        %dma_start3A_283 = arith.constant 0 : i32
        %dma_start3A_284 = tpu.memref_slice %arg8[%dma_start3A_281, %dma_start3A_282, %dma_start3A_283] : memref<2x8x128xi32, #tpu.memory_space<vmem>> -> memref<1x1x128xi32, #tpu.memory_space<vmem>>
        %dma_start3A_285 = tpu.memref_squeeze %dma_start3A_284 : memref<1x1x128xi32, #tpu.memory_space<vmem>> -> memref<128xi32, #tpu.memory_space<vmem>>
        %dma_start3A_286 = arith.constant 0 : i32
        %dma_start3A_287 = arith.constant 0 : i32
        %dma_start3A_288 = tpu.memref_slice %arg2[%dma_start3A_286, %dma_start3A_287] : memref<20480x128xf32, #tpu.memory_space<hbm>> -> memref<20480x128xf32, #tpu.memory_space<hbm>>
        tpu.enqueue_indirect_dma source(%dma_start3A_288 : memref<20480x128xf32, #tpu.memory_space<hbm>>) target(%arg11 : memref<128x128xf32, #tpu.memory_space<vmem>>) offsets(%dma_start3A_285 : memref<128xi32, #tpu.memory_space<vmem>>) semaphore(%arg17 : memref<!tpu.dma_semaphore, #tpu.memory_space<semaphore_mem>>)
        %dma_wait3A_289 = arith.constant 1 : i32
        %dma_wait3A_290 = arith.constant 6 : i32
        %dma_wait3A_291 = arith.constant 0 : i32
        %dma_wait3A_292 = tpu.memref_slice %arg8[%dma_wait3A_289, %dma_wait3A_290, %dma_wait3A_291] : memref<2x8x128xi32, #tpu.memory_space<vmem>> -> memref<1x1x128xi32, #tpu.memory_space<vmem>>
        %dma_wait3A_293 = tpu.memref_squeeze %dma_wait3A_292 : memref<1x1x128xi32, #tpu.memory_space<vmem>> -> memref<128xi32, #tpu.memory_space<vmem>>
        %dma_wait3A_294 = arith.constant 0 : i32
        %dma_wait3A_295 = arith.constant 0 : i32
        %dma_wait3A_296 = tpu.memref_slice %arg2[%dma_wait3A_294, %dma_wait3A_295] : memref<20480x128xf32, #tpu.memory_space<hbm>> -> memref<20480x128xf32, #tpu.memory_space<hbm>>
        tpu.wait_indirect_dma semaphore(%arg16 : memref<!tpu.dma_semaphore, #tpu.memory_space<semaphore_mem>>) src(%dma_wait3A_296 : memref<20480x128xf32, #tpu.memory_space<hbm>>) dst(%arg10 : memref<128x128xf32, #tpu.memory_space<vmem>>)
        %run_scoped3A_297 = arith.constant 1 : i32
        %run_scoped3A_298 = arith.constant 6 : i32
        "tpu.region"() ({
          %run_scoped3A_319 = tpu.sem_alloc : memref<!tpu.dma_semaphore, #tpu.memory_space<semaphore_mem>>
          %dma_start3A_320 = arith.constant 0 : i32
          %dma_start3A_321 = tpu.memref_slice %arg9[%run_scoped3A_297, %run_scoped3A_298, %dma_start3A_320] : memref<2x8x128xi32, #tpu.memory_space<vmem>> -> memref<1x1x128xi32, #tpu.memory_space<vmem>>
          %dma_start3A_322 = tpu.memref_squeeze %dma_start3A_321 : memref<1x1x128xi32, #tpu.memory_space<vmem>> -> memref<128xi32, #tpu.memory_space<vmem>>
          %dma_start3A_323 = arith.constant 0 : i32
          %dma_start3A_324 = tpu.memref_slice %arg15[%dma_start3A_323] : memref<10240xf32, #tpu.memory_space<vmem_shared>> -> memref<10240xf32, #tpu.memory_space<vmem_shared>>
          tpu.enqueue_indirect_dma source(%arg12 : memref<128xf32, #tpu.memory_space<vmem>>) target(%dma_start3A_324 : memref<10240xf32, #tpu.memory_space<vmem_shared>>) offsets(%dma_start3A_322 : memref<128xi32, #tpu.memory_space<vmem>>) semaphore(%run_scoped3A_319 : memref<!tpu.dma_semaphore, #tpu.memory_space<semaphore_mem>>) {add = true}
          %dma_wait3A_325 = arith.constant 0 : i32
          %dma_wait3A_326 = tpu.memref_slice %arg9[%run_scoped3A_297, %run_scoped3A_298, %dma_wait3A_325] : memref<2x8x128xi32, #tpu.memory_space<vmem>> -> memref<1x1x128xi32, #tpu.memory_space<vmem>>
          %dma_wait3A_327 = tpu.memref_squeeze %dma_wait3A_326 : memref<1x1x128xi32, #tpu.memory_space<vmem>> -> memref<128xi32, #tpu.memory_space<vmem>>
          %dma_wait3A_328 = arith.constant 0 : i32
          %dma_wait3A_329 = tpu.memref_slice %arg15[%dma_wait3A_328] : memref<10240xf32, #tpu.memory_space<vmem_shared>> -> memref<10240xf32, #tpu.memory_space<vmem_shared>>
          tpu.wait_indirect_dma semaphore(%run_scoped3A_319 : memref<!tpu.dma_semaphore, #tpu.memory_space<semaphore_mem>>) src(%arg12 : memref<128xf32, #tpu.memory_space<vmem>>) dst(%dma_wait3A_329 : memref<10240xf32, #tpu.memory_space<vmem_shared>>)
          tpu.yield
        }) : () -> ()
        %lt3A_299 = arith.constant 19 : i32
        %lt3A_300 = arith.cmpi slt, %scan3A_143, %lt3A_299 : i32
        %convert_element_type3A_301 = arith.extui %lt3A_300 : i1 to i32
        %cond3A_302 = arith.constant 0 : i32
        %cond3A_303 = arith.cmpi ne, %convert_element_type3A_301, %cond3A_302 : i32
        scf.if %cond3A_303 {
          %add3A_319 = arith.constant 1 : i32
          %add3A_320 = arith.addi %scan3A_143, %add3A_319 : i32
          %dma_wait3A_321 = arith.constant 0 : i32
          %dma_wait3A_322 = arith.constant 0 : i32
          %dma_wait3A_323 = arith.constant 0 : i32
          %dma_wait3A_324 = tpu.memref_slice %arg8[%dma_wait3A_321, %dma_wait3A_322, %dma_wait3A_323] : memref<2x8x128xi32, #tpu.memory_space<vmem>> -> memref<1x8x128xi32, #tpu.memory_space<vmem>>
          %dma_wait3A_325 = tpu.memref_squeeze %dma_wait3A_324 : memref<1x8x128xi32, #tpu.memory_space<vmem>> -> memref<8x128xi32, #tpu.memory_space<vmem>>
          %dma_wait3A_326 = arith.constant 0 : i32
          %dma_wait3A_327 = arith.constant 0 : i32
          %dma_wait3A_328 = tpu.memref_slice %arg4[%arg0, %arg1, %add3A_320, %dma_wait3A_326, %dma_wait3A_327] : memref<2x16x20x8x128xi32, #tpu.memory_space<hbm>> -> memref<1x1x1x8x128xi32, #tpu.memory_space<hbm>>
          %dma_wait3A_329 = tpu.memref_squeeze %dma_wait3A_328 : memref<1x1x1x8x128xi32, #tpu.memory_space<hbm>> -> memref<8x128xi32, #tpu.memory_space<hbm>>
          %dma_wait3A_330 = arith.constant 0 : i32
          %dma_wait3A_331 = arith.constant 0 : i32
          %dma_wait3A_332 = tpu.memref_slice %arg8[%dma_wait3A_321, %dma_wait3A_330, %dma_wait3A_331] : memref<2x8x128xi32, #tpu.memory_space<vmem>> -> memref<1x8x128xi32, #tpu.memory_space<vmem>>
          %dma_wait3A_333 = tpu.memref_squeeze %dma_wait3A_332 : memref<1x8x128xi32, #tpu.memory_space<vmem>> -> memref<8x128xi32, #tpu.memory_space<vmem>>
          %dma_wait3A_334 = arith.constant 0 : i32
          %dma_wait3A_335 = arith.constant 0 : i32
          %dma_wait3A_336 = tpu.memref_slice %arg4[%arg0, %arg1, %add3A_320, %dma_wait3A_334, %dma_wait3A_335] : memref<2x16x20x8x128xi32, #tpu.memory_space<hbm>> -> memref<1x1x1x8x128xi32, #tpu.memory_space<hbm>>
          %dma_wait3A_337 = tpu.memref_squeeze %dma_wait3A_336 : memref<1x1x1x8x128xi32, #tpu.memory_space<hbm>> -> memref<8x128xi32, #tpu.memory_space<hbm>>
          tpu.wait_dma2 semaphore(%arg20 : memref<!tpu.dma_semaphore, #tpu.memory_space<semaphore_mem>>) src(%dma_wait3A_337 : memref<8x128xi32, #tpu.memory_space<hbm>>) dst(%dma_wait3A_333 : memref<8x128xi32, #tpu.memory_space<vmem>>)
          %add3A_338 = arith.constant 1 : i32
          %add3A_339 = arith.addi %scan3A_143, %add3A_338 : i32
          %dma_wait3A_340 = arith.constant 0 : i32
          %dma_wait3A_341 = arith.constant 0 : i32
          %dma_wait3A_342 = arith.constant 0 : i32
          %dma_wait3A_343 = tpu.memref_slice %arg9[%dma_wait3A_340, %dma_wait3A_341, %dma_wait3A_342] : memref<2x8x128xi32, #tpu.memory_space<vmem>> -> memref<1x8x128xi32, #tpu.memory_space<vmem>>
          %dma_wait3A_344 = tpu.memref_squeeze %dma_wait3A_343 : memref<1x8x128xi32, #tpu.memory_space<vmem>> -> memref<8x128xi32, #tpu.memory_space<vmem>>
          %dma_wait3A_345 = arith.constant 0 : i32
          %dma_wait3A_346 = arith.constant 0 : i32
          %dma_wait3A_347 = tpu.memref_slice %arg5[%arg0, %arg1, %add3A_339, %dma_wait3A_345, %dma_wait3A_346] : memref<2x16x20x8x128xi32, #tpu.memory_space<hbm>> -> memref<1x1x1x8x128xi32, #tpu.memory_space<hbm>>
          %dma_wait3A_348 = tpu.memref_squeeze %dma_wait3A_347 : memref<1x1x1x8x128xi32, #tpu.memory_space<hbm>> -> memref<8x128xi32, #tpu.memory_space<hbm>>
          %dma_wait3A_349 = arith.constant 0 : i32
          %dma_wait3A_350 = arith.constant 0 : i32
          %dma_wait3A_351 = tpu.memref_slice %arg9[%dma_wait3A_340, %dma_wait3A_349, %dma_wait3A_350] : memref<2x8x128xi32, #tpu.memory_space<vmem>> -> memref<1x8x128xi32, #tpu.memory_space<vmem>>
          %dma_wait3A_352 = tpu.memref_squeeze %dma_wait3A_351 : memref<1x8x128xi32, #tpu.memory_space<vmem>> -> memref<8x128xi32, #tpu.memory_space<vmem>>
          %dma_wait3A_353 = arith.constant 0 : i32
          %dma_wait3A_354 = arith.constant 0 : i32
          %dma_wait3A_355 = tpu.memref_slice %arg5[%arg0, %arg1, %add3A_339, %dma_wait3A_353, %dma_wait3A_354] : memref<2x16x20x8x128xi32, #tpu.memory_space<hbm>> -> memref<1x1x1x8x128xi32, #tpu.memory_space<hbm>>
          %dma_wait3A_356 = tpu.memref_squeeze %dma_wait3A_355 : memref<1x1x1x8x128xi32, #tpu.memory_space<hbm>> -> memref<8x128xi32, #tpu.memory_space<hbm>>
          tpu.wait_dma2 semaphore(%arg20 : memref<!tpu.dma_semaphore, #tpu.memory_space<semaphore_mem>>) src(%dma_wait3A_356 : memref<8x128xi32, #tpu.memory_space<hbm>>) dst(%dma_wait3A_352 : memref<8x128xi32, #tpu.memory_space<vmem>>)
          %dma_start3A_357 = arith.constant 0 : i32
          %dma_start3A_358 = arith.constant 0 : i32
          %dma_start3A_359 = arith.constant 0 : i32
          %dma_start3A_360 = tpu.memref_slice %arg8[%dma_start3A_357, %dma_start3A_358, %dma_start3A_359] : memref<2x8x128xi32, #tpu.memory_space<vmem>> -> memref<1x1x128xi32, #tpu.memory_space<vmem>>
          %dma_start3A_361 = tpu.memref_squeeze %dma_start3A_360 : memref<1x1x128xi32, #tpu.memory_space<vmem>> -> memref<128xi32, #tpu.memory_space<vmem>>
          %dma_start3A_362 = arith.constant 0 : i32
          %dma_start3A_363 = arith.constant 0 : i32
          %dma_start3A_364 = tpu.memref_slice %arg2[%dma_start3A_362, %dma_start3A_363] : memref<20480x128xf32, #tpu.memory_space<hbm>> -> memref<20480x128xf32, #tpu.memory_space<hbm>>
          tpu.enqueue_indirect_dma source(%dma_start3A_364 : memref<20480x128xf32, #tpu.memory_space<hbm>>) target(%arg10 : memref<128x128xf32, #tpu.memory_space<vmem>>) offsets(%dma_start3A_361 : memref<128xi32, #tpu.memory_space<vmem>>) semaphore(%arg16 : memref<!tpu.dma_semaphore, #tpu.memory_space<semaphore_mem>>)
        } else {
        }
        %dma_wait3A_304 = arith.constant 1 : i32
        %dma_wait3A_305 = arith.constant 7 : i32
        %dma_wait3A_306 = arith.constant 0 : i32
        %dma_wait3A_307 = tpu.memref_slice %arg8[%dma_wait3A_304, %dma_wait3A_305, %dma_wait3A_306] : memref<2x8x128xi32, #tpu.memory_space<vmem>> -> memref<1x1x128xi32, #tpu.memory_space<vmem>>
        %dma_wait3A_308 = tpu.memref_squeeze %dma_wait3A_307 : memref<1x1x128xi32, #tpu.memory_space<vmem>> -> memref<128xi32, #tpu.memory_space<vmem>>
        %dma_wait3A_309 = arith.constant 0 : i32
        %dma_wait3A_310 = arith.constant 0 : i32
        %dma_wait3A_311 = tpu.memref_slice %arg2[%dma_wait3A_309, %dma_wait3A_310] : memref<20480x128xf32, #tpu.memory_space<hbm>> -> memref<20480x128xf32, #tpu.memory_space<hbm>>
        tpu.wait_indirect_dma semaphore(%arg17 : memref<!tpu.dma_semaphore, #tpu.memory_space<semaphore_mem>>) src(%dma_wait3A_311 : memref<20480x128xf32, #tpu.memory_space<hbm>>) dst(%arg11 : memref<128x128xf32, #tpu.memory_space<vmem>>)
        %run_scoped3A_312 = arith.constant 1 : i32
        %run_scoped3A_313 = arith.constant 7 : i32
        "tpu.region"() ({
          %run_scoped3A_319 = tpu.sem_alloc : memref<!tpu.dma_semaphore, #tpu.memory_space<semaphore_mem>>
          %dma_start3A_320 = arith.constant 0 : i32
          %dma_start3A_321 = tpu.memref_slice %arg9[%run_scoped3A_312, %run_scoped3A_313, %dma_start3A_320] : memref<2x8x128xi32, #tpu.memory_space<vmem>> -> memref<1x1x128xi32, #tpu.memory_space<vmem>>
          %dma_start3A_322 = tpu.memref_squeeze %dma_start3A_321 : memref<1x1x128xi32, #tpu.memory_space<vmem>> -> memref<128xi32, #tpu.memory_space<vmem>>
          %dma_start3A_323 = arith.constant 0 : i32
          %dma_start3A_324 = tpu.memref_slice %arg15[%dma_start3A_323] : memref<10240xf32, #tpu.memory_space<vmem_shared>> -> memref<10240xf32, #tpu.memory_space<vmem_shared>>
          tpu.enqueue_indirect_dma source(%arg12 : memref<128xf32, #tpu.memory_space<vmem>>) target(%dma_start3A_324 : memref<10240xf32, #tpu.memory_space<vmem_shared>>) offsets(%dma_start3A_322 : memref<128xi32, #tpu.memory_space<vmem>>) semaphore(%run_scoped3A_319 : memref<!tpu.dma_semaphore, #tpu.memory_space<semaphore_mem>>) {add = true}
          %dma_wait3A_325 = arith.constant 0 : i32
          %dma_wait3A_326 = tpu.memref_slice %arg9[%run_scoped3A_312, %run_scoped3A_313, %dma_wait3A_325] : memref<2x8x128xi32, #tpu.memory_space<vmem>> -> memref<1x1x128xi32, #tpu.memory_space<vmem>>
          %dma_wait3A_327 = tpu.memref_squeeze %dma_wait3A_326 : memref<1x1x128xi32, #tpu.memory_space<vmem>> -> memref<128xi32, #tpu.memory_space<vmem>>
          %dma_wait3A_328 = arith.constant 0 : i32
          %dma_wait3A_329 = tpu.memref_slice %arg15[%dma_wait3A_328] : memref<10240xf32, #tpu.memory_space<vmem_shared>> -> memref<10240xf32, #tpu.memory_space<vmem_shared>>
          tpu.wait_indirect_dma semaphore(%run_scoped3A_319 : memref<!tpu.dma_semaphore, #tpu.memory_space<semaphore_mem>>) src(%arg12 : memref<128xf32, #tpu.memory_space<vmem>>) dst(%dma_wait3A_329 : memref<10240xf32, #tpu.memory_space<vmem_shared>>)
          tpu.yield
        }) : () -> ()
        %lt3A_314 = arith.constant 19 : i32
        %lt3A_315 = arith.cmpi slt, %scan3A_143, %lt3A_314 : i32
        %convert_element_type3A_316 = arith.extui %lt3A_315 : i1 to i32
        %cond3A_317 = arith.constant 0 : i32
        %cond3A_318 = arith.cmpi ne, %convert_element_type3A_316, %cond3A_317 : i32
        scf.if %cond3A_318 {
          %dma_start3A_319 = arith.constant 0 : i32
          %dma_start3A_320 = arith.constant 1 : i32
          %dma_start3A_321 = arith.constant 0 : i32
          %dma_start3A_322 = tpu.memref_slice %arg8[%dma_start3A_319, %dma_start3A_320, %dma_start3A_321] : memref<2x8x128xi32, #tpu.memory_space<vmem>> -> memref<1x1x128xi32, #tpu.memory_space<vmem>>
          %dma_start3A_323 = tpu.memref_squeeze %dma_start3A_322 : memref<1x1x128xi32, #tpu.memory_space<vmem>> -> memref<128xi32, #tpu.memory_space<vmem>>
          %dma_start3A_324 = arith.constant 0 : i32
          %dma_start3A_325 = arith.constant 0 : i32
          %dma_start3A_326 = tpu.memref_slice %arg2[%dma_start3A_324, %dma_start3A_325] : memref<20480x128xf32, #tpu.memory_space<hbm>> -> memref<20480x128xf32, #tpu.memory_space<hbm>>
          tpu.enqueue_indirect_dma source(%dma_start3A_326 : memref<20480x128xf32, #tpu.memory_space<hbm>>) target(%arg11 : memref<128x128xf32, #tpu.memory_space<vmem>>) offsets(%dma_start3A_323 : memref<128xi32, #tpu.memory_space<vmem>>) semaphore(%arg17 : memref<!tpu.dma_semaphore, #tpu.memory_space<semaphore_mem>>)
        } else {
        }
      } else {
      }
    }
    %scan3A_139 = arith.constant 20 : i32
    %barrier3A_140 = arith.constant 0 : index
    tpu.barrier barrier_id(%barrier3A_140)
    %mul3A_141 = arith.constant 10240 : i32
    %mul3A_142 = arith.muli %arg0, %mul3A_141 : i32
    %add3A = arith.addi %mul3A_142, %mul3A_0 : i32
    "tpu.region"() ({
      %run_scoped3A = tpu.sem_alloc : memref<!tpu.dma_semaphore, #tpu.memory_space<semaphore_mem>>
      %dma_start3A_143 = arith.constant 0 : i32
      %dma_start3A_144 = tpu.memref_slice %arg6[%add3A, %dma_start3A_143] : memref<20480x128xf32, #tpu.memory_space<hbm>> -> memref<640x128xf32, #tpu.memory_space<hbm>>
      %dma_start3A_145 = arith.constant 0 : i32
      %dma_start3A_146 = tpu.memref_slice %arg14[%mul3A_0, %dma_start3A_145] : memref<10240x128xf32, #tpu.memory_space<vmem_shared>> -> memref<640x128xf32, #tpu.memory_space<vmem_shared>>
      tpu.enqueue_dma source(%dma_start3A_146 : memref<640x128xf32, #tpu.memory_space<vmem_shared>>) target(%dma_start3A_144 : memref<640x128xf32, #tpu.memory_space<hbm>>) target_semaphore(%run_scoped3A : memref<!tpu.dma_semaphore, #tpu.memory_space<semaphore_mem>>)
      %dma_wait3A_147 = arith.constant 0 : i32
      %dma_wait3A_148 = tpu.memref_slice %arg6[%add3A, %dma_wait3A_147] : memref<20480x128xf32, #tpu.memory_space<hbm>> -> memref<640x128xf32, #tpu.memory_space<hbm>>
      %dma_wait3A_149 = arith.constant 0 : i32
      %dma_wait3A_150 = tpu.memref_slice %arg14[%mul3A_0, %dma_wait3A_149] : memref<10240x128xf32, #tpu.memory_space<vmem_shared>> -> memref<640x128xf32, #tpu.memory_space<vmem_shared>>
      tpu.wait_dma2 semaphore(%run_scoped3A : memref<!tpu.dma_semaphore, #tpu.memory_space<semaphore_mem>>) src(%dma_wait3A_150 : memref<640x128xf32, #tpu.memory_space<vmem_shared>>) dst(%dma_wait3A_148 : memref<640x128xf32, #tpu.memory_space<hbm>>)
      tpu.yield
    }) : () -> ()
    "tpu.region"() ({
      %run_scoped3A = tpu.sem_alloc : memref<!tpu.dma_semaphore, #tpu.memory_space<semaphore_mem>>
      %dma_start3A_143 = tpu.memref_slice %arg7[%add3A] : memref<20480xf32, #tpu.memory_space<hbm>> -> memref<640xf32, #tpu.memory_space<hbm>>
      %dma_start3A_144 = tpu.memref_slice %arg15[%mul3A_0] : memref<10240xf32, #tpu.memory_space<vmem_shared>> -> memref<640xf32, #tpu.memory_space<vmem_shared>>
      tpu.enqueue_dma source(%dma_start3A_144 : memref<640xf32, #tpu.memory_space<vmem_shared>>) target(%dma_start3A_143 : memref<640xf32, #tpu.memory_space<hbm>>) target_semaphore(%run_scoped3A : memref<!tpu.dma_semaphore, #tpu.memory_space<semaphore_mem>>)
      %dma_wait3A_145 = tpu.memref_slice %arg7[%add3A] : memref<20480xf32, #tpu.memory_space<hbm>> -> memref<640xf32, #tpu.memory_space<hbm>>
      %dma_wait3A_146 = tpu.memref_slice %arg15[%mul3A_0] : memref<10240xf32, #tpu.memory_space<vmem_shared>> -> memref<640xf32, #tpu.memory_space<vmem_shared>>
      tpu.wait_dma2 semaphore(%run_scoped3A : memref<!tpu.dma_semaphore, #tpu.memory_space<semaphore_mem>>) src(%dma_wait3A_146 : memref<640xf32, #tpu.memory_space<vmem_shared>>) dst(%dma_wait3A_145 : memref<640xf32, #tpu.memory_space<hbm>>)
      tpu.yield
    }) : () -> ()
    return
  }
}

#map = affine_map<(d0, d1) -> (0, 0)>
#map1 = affine_map<(d0, d1) -> (0, 0, 0, 0, 0)>
module attributes {stable_mosaic.version = 14 : i64} {
  func.func @sc_pass(%arg0: i32, %arg1: i32, %arg2: memref<20480x128xf32, #tpu.memory_space<hbm>>, %arg3: memref<10240x128xf32, #tpu.memory_space<hbm>>, %arg4: memref<2x16x20x8x128xi32, #tpu.memory_space<hbm>>, %arg5: memref<2x16x20x8x128xi32, #tpu.memory_space<hbm>>, %arg6: memref<20480x128xf32, #tpu.memory_space<hbm>>, %arg7: memref<2x8x128xi32, #tpu.memory_space<vmem>>, %arg8: memref<2x8x128xi32, #tpu.memory_space<vmem>>, %arg9: memref<128x128xf32, #tpu.memory_space<vmem>>, %arg10: memref<128x128xf32, #tpu.memory_space<vmem>>, %arg11: memref<128xf32, #tpu.memory_space<vmem>>, %arg12: memref<640xf32, #tpu.memory_space<vmem>>, %arg13: memref<10240x128xf32, #tpu.memory_space<vmem_shared>>, %arg14: memref<10240xf32, #tpu.memory_space<vmem_shared>>, %arg15: memref<!tpu.dma_semaphore, #tpu.memory_space<semaphore_mem>>, %arg16: memref<!tpu.dma_semaphore, #tpu.memory_space<semaphore_mem>>, %arg17: memref<!tpu.dma_semaphore, #tpu.memory_space<semaphore_mem>>, %arg18: memref<!tpu.dma_semaphore, #tpu.memory_space<semaphore_mem>>, %arg19: memref<!tpu.dma_semaphore, #tpu.memory_space<semaphore_mem>>, %arg20: memref<!tpu.dma_semaphore, #tpu.memory_space<semaphore_mem>>) attributes {dimension_semantics = [#tpu.dimension_semantics<core_parallel>, #tpu.dimension_semantics<subcore_parallel>], iteration_bounds = array<i64: 2, 16>, scalar_prefetch = 0 : i64, scratch_operands = 14 : i64, tpu.core_type = #tpu.core_type<sc_vector_subcore>, window_params = [{transform_indices = #map}, {transform_indices = #map}, {transform_indices = #map1}, {transform_indices = #map1}, {transform_indices = #map}]} {
    %mul3A = arith.constant 640 : i32
    %mul3A_0 = arith.muli %arg1, %mul3A : i32
    %dma_start3A = arith.constant 0 : i32
    %dma_start3A_1 = tpu.memref_slice %arg13[%mul3A_0, %dma_start3A] : memref<10240x128xf32, #tpu.memory_space<vmem_shared>> -> memref<640x128xf32, #tpu.memory_space<vmem_shared>>
    %dma_start3A_2 = arith.constant 0 : i32
    %dma_start3A_3 = tpu.memref_slice %arg3[%mul3A_0, %dma_start3A_2] : memref<10240x128xf32, #tpu.memory_space<hbm>> -> memref<640x128xf32, #tpu.memory_space<hbm>>
    tpu.enqueue_dma source(%dma_start3A_3 : memref<640x128xf32, #tpu.memory_space<hbm>>) target(%dma_start3A_1 : memref<640x128xf32, #tpu.memory_space<vmem_shared>>) target_semaphore(%arg20 : memref<!tpu.dma_semaphore, #tpu.memory_space<semaphore_mem>>)
    %dma_start3A_4 = arith.constant 0 : i32
    %dma_start3A_5 = arith.constant 0 : i32
    %dma_start3A_6 = arith.constant 0 : i32
    %dma_start3A_7 = arith.constant 0 : i32
    %dma_start3A_8 = tpu.memref_slice %arg7[%dma_start3A_5, %dma_start3A_6, %dma_start3A_7] : memref<2x8x128xi32, #tpu.memory_space<vmem>> -> memref<1x8x128xi32, #tpu.memory_space<vmem>>
    %dma_start3A_9 = tpu.memref_squeeze %dma_start3A_8 : memref<1x8x128xi32, #tpu.memory_space<vmem>> -> memref<8x128xi32, #tpu.memory_space<vmem>>
    %dma_start3A_10 = arith.constant 0 : i32
    %dma_start3A_11 = arith.constant 0 : i32
    %dma_start3A_12 = tpu.memref_slice %arg4[%arg0, %arg1, %dma_start3A_4, %dma_start3A_10, %dma_start3A_11] : memref<2x16x20x8x128xi32, #tpu.memory_space<hbm>> -> memref<1x1x1x8x128xi32, #tpu.memory_space<hbm>>
    %dma_start3A_13 = tpu.memref_squeeze %dma_start3A_12 : memref<1x1x1x8x128xi32, #tpu.memory_space<hbm>> -> memref<8x128xi32, #tpu.memory_space<hbm>>
    %dma_start3A_14 = arith.constant 0 : i32
    %dma_start3A_15 = arith.constant 0 : i32
    %dma_start3A_16 = tpu.memref_slice %arg7[%dma_start3A_5, %dma_start3A_14, %dma_start3A_15] : memref<2x8x128xi32, #tpu.memory_space<vmem>> -> memref<1x8x128xi32, #tpu.memory_space<vmem>>
    %dma_start3A_17 = tpu.memref_squeeze %dma_start3A_16 : memref<1x8x128xi32, #tpu.memory_space<vmem>> -> memref<8x128xi32, #tpu.memory_space<vmem>>
    %dma_start3A_18 = arith.constant 0 : i32
    %dma_start3A_19 = arith.constant 0 : i32
    %dma_start3A_20 = tpu.memref_slice %arg4[%arg0, %arg1, %dma_start3A_4, %dma_start3A_18, %dma_start3A_19] : memref<2x16x20x8x128xi32, #tpu.memory_space<hbm>> -> memref<1x1x1x8x128xi32, #tpu.memory_space<hbm>>
    %dma_start3A_21 = tpu.memref_squeeze %dma_start3A_20 : memref<1x1x1x8x128xi32, #tpu.memory_space<hbm>> -> memref<8x128xi32, #tpu.memory_space<hbm>>
    tpu.enqueue_dma source(%dma_start3A_21 : memref<8x128xi32, #tpu.memory_space<hbm>>) target(%dma_start3A_17 : memref<8x128xi32, #tpu.memory_space<vmem>>) target_semaphore(%arg19 : memref<!tpu.dma_semaphore, #tpu.memory_space<semaphore_mem>>)
    %dma_start3A_22 = arith.constant 0 : i32
    %dma_start3A_23 = arith.constant 0 : i32
    %dma_start3A_24 = arith.constant 0 : i32
    %dma_start3A_25 = arith.constant 0 : i32
    %dma_start3A_26 = tpu.memref_slice %arg8[%dma_start3A_23, %dma_start3A_24, %dma_start3A_25] : memref<2x8x128xi32, #tpu.memory_space<vmem>> -> memref<1x8x128xi32, #tpu.memory_space<vmem>>
    %dma_start3A_27 = tpu.memref_squeeze %dma_start3A_26 : memref<1x8x128xi32, #tpu.memory_space<vmem>> -> memref<8x128xi32, #tpu.memory_space<vmem>>
    %dma_start3A_28 = arith.constant 0 : i32
    %dma_start3A_29 = arith.constant 0 : i32
    %dma_start3A_30 = tpu.memref_slice %arg5[%arg0, %arg1, %dma_start3A_22, %dma_start3A_28, %dma_start3A_29] : memref<2x16x20x8x128xi32, #tpu.memory_space<hbm>> -> memref<1x1x1x8x128xi32, #tpu.memory_space<hbm>>
    %dma_start3A_31 = tpu.memref_squeeze %dma_start3A_30 : memref<1x1x1x8x128xi32, #tpu.memory_space<hbm>> -> memref<8x128xi32, #tpu.memory_space<hbm>>
    %dma_start3A_32 = arith.constant 0 : i32
    %dma_start3A_33 = arith.constant 0 : i32
    %dma_start3A_34 = tpu.memref_slice %arg8[%dma_start3A_23, %dma_start3A_32, %dma_start3A_33] : memref<2x8x128xi32, #tpu.memory_space<vmem>> -> memref<1x8x128xi32, #tpu.memory_space<vmem>>
    %dma_start3A_35 = tpu.memref_squeeze %dma_start3A_34 : memref<1x8x128xi32, #tpu.memory_space<vmem>> -> memref<8x128xi32, #tpu.memory_space<vmem>>
    %dma_start3A_36 = arith.constant 0 : i32
    %dma_start3A_37 = arith.constant 0 : i32
    %dma_start3A_38 = tpu.memref_slice %arg5[%arg0, %arg1, %dma_start3A_22, %dma_start3A_36, %dma_start3A_37] : memref<2x16x20x8x128xi32, #tpu.memory_space<hbm>> -> memref<1x1x1x8x128xi32, #tpu.memory_space<hbm>>
    %dma_start3A_39 = tpu.memref_squeeze %dma_start3A_38 : memref<1x1x1x8x128xi32, #tpu.memory_space<hbm>> -> memref<8x128xi32, #tpu.memory_space<hbm>>
    tpu.enqueue_dma source(%dma_start3A_39 : memref<8x128xi32, #tpu.memory_space<hbm>>) target(%dma_start3A_35 : memref<8x128xi32, #tpu.memory_space<vmem>>) target_semaphore(%arg19 : memref<!tpu.dma_semaphore, #tpu.memory_space<semaphore_mem>>)
    %broadcast_in_dim3A = arith.constant 0.000000e+00 : f32
    %broadcast_in_dim3A_40 = vector.broadcast %broadcast_in_dim3A : f32 to vector<16xf32>
    %broadcast_in_dim3A_41 = arith.constant 1.000000e+00 : f32
    %broadcast_in_dim3A_42 = vector.broadcast %broadcast_in_dim3A_41 : f32 to vector<16xf32>
    %swap3A = arith.constant 0 : index
    %swap3A_43 = tpu.vector_load %arg11[%swap3A] {strides = array<i32>} : memref<128xf32, #tpu.memory_space<vmem>>, vector<16xf32>,
    %swap3A_44 = vector.shape_cast %swap3A_43 : vector<16xf32> to vector<16xf32>
    %swap3A_45 = vector.shape_cast %broadcast_in_dim3A_42 : vector<16xf32> to vector<16xf32>
    tpu.vector_store %arg11[%swap3A], %swap3A_45 {strides = array<i32>} : memref<128xf32, #tpu.memory_space<vmem>>, vector<16xf32>,
    %swap3A_46 = arith.constant 16 : index
    %swap3A_47 = tpu.vector_load %arg11[%swap3A_46] {strides = array<i32>} : memref<128xf32, #tpu.memory_space<vmem>>, vector<16xf32>,
    %swap3A_48 = vector.shape_cast %swap3A_47 : vector<16xf32> to vector<16xf32>
    %swap3A_49 = vector.shape_cast %broadcast_in_dim3A_42 : vector<16xf32> to vector<16xf32>
    tpu.vector_store %arg11[%swap3A_46], %swap3A_49 {strides = array<i32>} : memref<128xf32, #tpu.memory_space<vmem>>, vector<16xf32>,
    %swap3A_50 = arith.constant 32 : index
    %swap3A_51 = tpu.vector_load %arg11[%swap3A_50] {strides = array<i32>} : memref<128xf32, #tpu.memory_space<vmem>>, vector<16xf32>,
    %swap3A_52 = vector.shape_cast %swap3A_51 : vector<16xf32> to vector<16xf32>
    %swap3A_53 = vector.shape_cast %broadcast_in_dim3A_42 : vector<16xf32> to vector<16xf32>
    tpu.vector_store %arg11[%swap3A_50], %swap3A_53 {strides = array<i32>} : memref<128xf32, #tpu.memory_space<vmem>>, vector<16xf32>,
    %swap3A_54 = arith.constant 48 : index
    %swap3A_55 = tpu.vector_load %arg11[%swap3A_54] {strides = array<i32>} : memref<128xf32, #tpu.memory_space<vmem>>, vector<16xf32>,
    %swap3A_56 = vector.shape_cast %swap3A_55 : vector<16xf32> to vector<16xf32>
    %swap3A_57 = vector.shape_cast %broadcast_in_dim3A_42 : vector<16xf32> to vector<16xf32>
    tpu.vector_store %arg11[%swap3A_54], %swap3A_57 {strides = array<i32>} : memref<128xf32, #tpu.memory_space<vmem>>, vector<16xf32>,
    %swap3A_58 = arith.constant 64 : index
    %swap3A_59 = tpu.vector_load %arg11[%swap3A_58] {strides = array<i32>} : memref<128xf32, #tpu.memory_space<vmem>>, vector<16xf32>,
    %swap3A_60 = vector.shape_cast %swap3A_59 : vector<16xf32> to vector<16xf32>
    %swap3A_61 = vector.shape_cast %broadcast_in_dim3A_42 : vector<16xf32> to vector<16xf32>
    tpu.vector_store %arg11[%swap3A_58], %swap3A_61 {strides = array<i32>} : memref<128xf32, #tpu.memory_space<vmem>>, vector<16xf32>,
    %swap3A_62 = arith.constant 80 : index
    %swap3A_63 = tpu.vector_load %arg11[%swap3A_62] {strides = array<i32>} : memref<128xf32, #tpu.memory_space<vmem>>, vector<16xf32>,
    %swap3A_64 = vector.shape_cast %swap3A_63 : vector<16xf32> to vector<16xf32>
    %swap3A_65 = vector.shape_cast %broadcast_in_dim3A_42 : vector<16xf32> to vector<16xf32>
    tpu.vector_store %arg11[%swap3A_62], %swap3A_65 {strides = array<i32>} : memref<128xf32, #tpu.memory_space<vmem>>, vector<16xf32>,
    %swap3A_66 = arith.constant 96 : index
    %swap3A_67 = tpu.vector_load %arg11[%swap3A_66] {strides = array<i32>} : memref<128xf32, #tpu.memory_space<vmem>>, vector<16xf32>,
    %swap3A_68 = vector.shape_cast %swap3A_67 : vector<16xf32> to vector<16xf32>
    %swap3A_69 = vector.shape_cast %broadcast_in_dim3A_42 : vector<16xf32> to vector<16xf32>
    tpu.vector_store %arg11[%swap3A_66], %swap3A_69 {strides = array<i32>} : memref<128xf32, #tpu.memory_space<vmem>>, vector<16xf32>,
    %swap3A_70 = arith.constant 112 : index
    %swap3A_71 = tpu.vector_load %arg11[%swap3A_70] {strides = array<i32>} : memref<128xf32, #tpu.memory_space<vmem>>, vector<16xf32>,
    %swap3A_72 = vector.shape_cast %swap3A_71 : vector<16xf32> to vector<16xf32>
    %swap3A_73 = vector.shape_cast %broadcast_in_dim3A_42 : vector<16xf32> to vector<16xf32>
    tpu.vector_store %arg11[%swap3A_70], %swap3A_73 {strides = array<i32>} : memref<128xf32, #tpu.memory_space<vmem>>, vector<16xf32>,
    %scan3A = arith.constant 0 : i32
    %scan3A_74 = arith.constant 0 : i32
    %scan3A_75 = arith.constant 40 : i32
    %scan3A_76 = arith.addi %scan3A_74, %scan3A_75 : i32
    %scan3A_77 = arith.constant 1 : i32
    scf.for %scan3A_143 = %scan3A_74 to %scan3A_76 step %scan3A_77  : i32 {
      %mul3A_144 = arith.constant 16 : i32
      %mul3A_145 = arith.muli %scan3A_143, %mul3A_144 : i32
      %swap3A_146 = arith.index_cast %mul3A_145 : i32 to index
      %swap3A_147 = tpu.vector_load %arg12[%swap3A_146] {strides = array<i32>} : memref<640xf32, #tpu.memory_space<vmem>>, vector<16xf32>,
      %swap3A_148 = vector.shape_cast %swap3A_147 : vector<16xf32> to vector<16xf32>
      %swap3A_149 = vector.shape_cast %broadcast_in_dim3A_40 : vector<16xf32> to vector<16xf32>
      tpu.vector_store %arg12[%swap3A_146], %swap3A_149 {strides = array<i32>} : memref<640xf32, #tpu.memory_space<vmem>>, vector<16xf32>,
    }
    %scan3A_78 = arith.constant 40 : i32
    %dma_wait3A = arith.constant 0 : i32
    %dma_wait3A_79 = arith.constant 0 : i32
    %dma_wait3A_80 = arith.constant 0 : i32
    %dma_wait3A_81 = arith.constant 0 : i32
    %dma_wait3A_82 = tpu.memref_slice %arg7[%dma_wait3A_79, %dma_wait3A_80, %dma_wait3A_81] : memref<2x8x128xi32, #tpu.memory_space<vmem>> -> memref<1x8x128xi32, #tpu.memory_space<vmem>>
    %dma_wait3A_83 = tpu.memref_squeeze %dma_wait3A_82 : memref<1x8x128xi32, #tpu.memory_space<vmem>> -> memref<8x128xi32, #tpu.memory_space<vmem>>
    %dma_wait3A_84 = arith.constant 0 : i32
    %dma_wait3A_85 = arith.constant 0 : i32
    %dma_wait3A_86 = tpu.memref_slice %arg4[%arg0, %arg1, %dma_wait3A, %dma_wait3A_84, %dma_wait3A_85] : memref<2x16x20x8x128xi32, #tpu.memory_space<hbm>> -> memref<1x1x1x8x128xi32, #tpu.memory_space<hbm>>
    %dma_wait3A_87 = tpu.memref_squeeze %dma_wait3A_86 : memref<1x1x1x8x128xi32, #tpu.memory_space<hbm>> -> memref<8x128xi32, #tpu.memory_space<hbm>>
    %dma_wait3A_88 = arith.constant 0 : i32
    %dma_wait3A_89 = arith.constant 0 : i32
    %dma_wait3A_90 = tpu.memref_slice %arg7[%dma_wait3A_79, %dma_wait3A_88, %dma_wait3A_89] : memref<2x8x128xi32, #tpu.memory_space<vmem>> -> memref<1x8x128xi32, #tpu.memory_space<vmem>>
    %dma_wait3A_91 = tpu.memref_squeeze %dma_wait3A_90 : memref<1x8x128xi32, #tpu.memory_space<vmem>> -> memref<8x128xi32, #tpu.memory_space<vmem>>
    %dma_wait3A_92 = arith.constant 0 : i32
    %dma_wait3A_93 = arith.constant 0 : i32
    %dma_wait3A_94 = tpu.memref_slice %arg4[%arg0, %arg1, %dma_wait3A, %dma_wait3A_92, %dma_wait3A_93] : memref<2x16x20x8x128xi32, #tpu.memory_space<hbm>> -> memref<1x1x1x8x128xi32, #tpu.memory_space<hbm>>
    %dma_wait3A_95 = tpu.memref_squeeze %dma_wait3A_94 : memref<1x1x1x8x128xi32, #tpu.memory_space<hbm>> -> memref<8x128xi32, #tpu.memory_space<hbm>>
    tpu.wait_dma2 semaphore(%arg19 : memref<!tpu.dma_semaphore, #tpu.memory_space<semaphore_mem>>) src(%dma_wait3A_95 : memref<8x128xi32, #tpu.memory_space<hbm>>) dst(%dma_wait3A_91 : memref<8x128xi32, #tpu.memory_space<vmem>>)
    %dma_wait3A_96 = arith.constant 0 : i32
    %dma_wait3A_97 = arith.constant 0 : i32
    %dma_wait3A_98 = arith.constant 0 : i32
    %dma_wait3A_99 = arith.constant 0 : i32
    %dma_wait3A_100 = tpu.memref_slice %arg8[%dma_wait3A_97, %dma_wait3A_98, %dma_wait3A_99] : memref<2x8x128xi32, #tpu.memory_space<vmem>> -> memref<1x8x128xi32, #tpu.memory_space<vmem>>
    %dma_wait3A_101 = tpu.memref_squeeze %dma_wait3A_100 : memref<1x8x128xi32, #tpu.memory_space<vmem>> -> memref<8x128xi32, #tpu.memory_space<vmem>>
    %dma_wait3A_102 = arith.constant 0 : i32
    %dma_wait3A_103 = arith.constant 0 : i32
    %dma_wait3A_104 = tpu.memref_slice %arg5[%arg0, %arg1, %dma_wait3A_96, %dma_wait3A_102, %dma_wait3A_103] : memref<2x16x20x8x128xi32, #tpu.memory_space<hbm>> -> memref<1x1x1x8x128xi32, #tpu.memory_space<hbm>>
    %dma_wait3A_105 = tpu.memref_squeeze %dma_wait3A_104 : memref<1x1x1x8x128xi32, #tpu.memory_space<hbm>> -> memref<8x128xi32, #tpu.memory_space<hbm>>
    %dma_wait3A_106 = arith.constant 0 : i32
    %dma_wait3A_107 = arith.constant 0 : i32
    %dma_wait3A_108 = tpu.memref_slice %arg8[%dma_wait3A_97, %dma_wait3A_106, %dma_wait3A_107] : memref<2x8x128xi32, #tpu.memory_space<vmem>> -> memref<1x8x128xi32, #tpu.memory_space<vmem>>
    %dma_wait3A_109 = tpu.memref_squeeze %dma_wait3A_108 : memref<1x8x128xi32, #tpu.memory_space<vmem>> -> memref<8x128xi32, #tpu.memory_space<vmem>>
    %dma_wait3A_110 = arith.constant 0 : i32
    %dma_wait3A_111 = arith.constant 0 : i32
    %dma_wait3A_112 = tpu.memref_slice %arg5[%arg0, %arg1, %dma_wait3A_96, %dma_wait3A_110, %dma_wait3A_111] : memref<2x16x20x8x128xi32, #tpu.memory_space<hbm>> -> memref<1x1x1x8x128xi32, #tpu.memory_space<hbm>>
    %dma_wait3A_113 = tpu.memref_squeeze %dma_wait3A_112 : memref<1x1x1x8x128xi32, #tpu.memory_space<hbm>> -> memref<8x128xi32, #tpu.memory_space<hbm>>
    tpu.wait_dma2 semaphore(%arg19 : memref<!tpu.dma_semaphore, #tpu.memory_space<semaphore_mem>>) src(%dma_wait3A_113 : memref<8x128xi32, #tpu.memory_space<hbm>>) dst(%dma_wait3A_109 : memref<8x128xi32, #tpu.memory_space<vmem>>)
    %dma_start3A_114 = arith.constant 0 : i32
    %dma_start3A_115 = arith.constant 0 : i32
    %dma_start3A_116 = arith.constant 0 : i32
    %dma_start3A_117 = tpu.memref_slice %arg7[%dma_start3A_114, %dma_start3A_115, %dma_start3A_116] : memref<2x8x128xi32, #tpu.memory_space<vmem>> -> memref<1x1x128xi32, #tpu.memory_space<vmem>>
    %dma_start3A_118 = tpu.memref_squeeze %dma_start3A_117 : memref<1x1x128xi32, #tpu.memory_space<vmem>> -> memref<128xi32, #tpu.memory_space<vmem>>
    %dma_start3A_119 = arith.constant 0 : i32
    %dma_start3A_120 = arith.constant 0 : i32
    %dma_start3A_121 = tpu.memref_slice %arg2[%dma_start3A_119, %dma_start3A_120] : memref<20480x128xf32, #tpu.memory_space<hbm>> -> memref<20480x128xf32, #tpu.memory_space<hbm>>
    tpu.enqueue_indirect_dma source(%dma_start3A_121 : memref<20480x128xf32, #tpu.memory_space<hbm>>) target(%arg9 : memref<128x128xf32, #tpu.memory_space<vmem>>) offsets(%dma_start3A_118 : memref<128xi32, #tpu.memory_space<vmem>>) semaphore(%arg15 : memref<!tpu.dma_semaphore, #tpu.memory_space<semaphore_mem>>)
    %dma_start3A_122 = arith.constant 0 : i32
    %dma_start3A_123 = arith.constant 1 : i32
    %dma_start3A_124 = arith.constant 0 : i32
    %dma_start3A_125 = tpu.memref_slice %arg7[%dma_start3A_122, %dma_start3A_123, %dma_start3A_124] : memref<2x8x128xi32, #tpu.memory_space<vmem>> -> memref<1x1x128xi32, #tpu.memory_space<vmem>>
    %dma_start3A_126 = tpu.memref_squeeze %dma_start3A_125 : memref<1x1x128xi32, #tpu.memory_space<vmem>> -> memref<128xi32, #tpu.memory_space<vmem>>
    %dma_start3A_127 = arith.constant 0 : i32
    %dma_start3A_128 = arith.constant 0 : i32
    %dma_start3A_129 = tpu.memref_slice %arg2[%dma_start3A_127, %dma_start3A_128] : memref<20480x128xf32, #tpu.memory_space<hbm>> -> memref<20480x128xf32, #tpu.memory_space<hbm>>
    tpu.enqueue_indirect_dma source(%dma_start3A_129 : memref<20480x128xf32, #tpu.memory_space<hbm>>) target(%arg10 : memref<128x128xf32, #tpu.memory_space<vmem>>) offsets(%dma_start3A_126 : memref<128xi32, #tpu.memory_space<vmem>>) semaphore(%arg16 : memref<!tpu.dma_semaphore, #tpu.memory_space<semaphore_mem>>)
    %dma_wait3A_130 = arith.constant 0 : i32
    %dma_wait3A_131 = tpu.memref_slice %arg13[%mul3A_0, %dma_wait3A_130] : memref<10240x128xf32, #tpu.memory_space<vmem_shared>> -> memref<640x128xf32, #tpu.memory_space<vmem_shared>>
    %dma_wait3A_132 = arith.constant 0 : i32
    %dma_wait3A_133 = tpu.memref_slice %arg3[%mul3A_0, %dma_wait3A_132] : memref<10240x128xf32, #tpu.memory_space<hbm>> -> memref<640x128xf32, #tpu.memory_space<hbm>>
    tpu.wait_dma2 semaphore(%arg20 : memref<!tpu.dma_semaphore, #tpu.memory_space<semaphore_mem>>) src(%dma_wait3A_133 : memref<640x128xf32, #tpu.memory_space<hbm>>) dst(%dma_wait3A_131 : memref<640x128xf32, #tpu.memory_space<vmem_shared>>)
    %barrier3A = arith.constant 0 : index
    tpu.barrier barrier_id(%barrier3A)
    %scan3A_134 = arith.constant 0 : i32
    %scan3A_135 = arith.constant 0 : i32
    %scan3A_136 = arith.constant 20 : i32
    %scan3A_137 = arith.addi %scan3A_135, %scan3A_136 : i32
    %scan3A_138 = arith.constant 1 : i32
    scf.for %scan3A_143 = %scan3A_135 to %scan3A_137 step %scan3A_138  : i32 {
      %jit3A = arith.constant 2 : i32
      %eq3A = arith.constant 0 : i32
      %eq3A_144 = arith.cmpi eq, %jit3A, %eq3A : i32
      %jit3A_145 = arith.constant 1 : i32
      %select_n3A = arith.select %eq3A_144, %jit3A_145, %jit3A : i32
      %rem3A = arith.remsi %scan3A_143, %select_n3A : i32
      %ne3A = arith.constant 0 : i32
      %ne3A_146 = arith.cmpi ne, %rem3A, %ne3A : i32
      %lt3A = arith.constant 0 : i32
      %lt3A_147 = arith.cmpi slt, %rem3A, %lt3A : i32
      %lt3A_148 = arith.constant 0 : i32
      %lt3A_149 = arith.cmpi slt, %select_n3A, %lt3A_148 : i32
      %ne3A_150 = arith.xori %lt3A_147, %lt3A_149 : i1
      %and3A = arith.andi %ne3A_150, %ne3A_146 : i1
      %add3A_151 = arith.addi %rem3A, %select_n3A : i32
      %select_n3A_152 = arith.select %and3A, %add3A_151, %rem3A : i32
      %eq3A_153 = arith.constant 0 : i32
      %eq3A_154 = arith.cmpi eq, %select_n3A_152, %eq3A_153 : i32
      %convert_element_type3A = arith.extui %eq3A_154 : i1 to i32
      %cond3A = arith.constant 0 : i32
      %cond3A_155 = arith.cmpi ne, %convert_element_type3A, %cond3A : i32
      scf.if %cond3A_155 {
        %lt3A_177 = arith.constant 19 : i32
        %lt3A_178 = arith.cmpi slt, %scan3A_143, %lt3A_177 : i32
        %convert_element_type3A_179 = arith.extui %lt3A_178 : i1 to i32
        %cond3A_180 = arith.constant 0 : i32
        %cond3A_181 = arith.cmpi ne, %convert_element_type3A_179, %cond3A_180 : i32
        scf.if %cond3A_181 {
          %add3A_304 = arith.constant 1 : i32
          %add3A_305 = arith.addi %scan3A_143, %add3A_304 : i32
          %dma_start3A_306 = arith.constant 1 : i32
          %dma_start3A_307 = arith.constant 0 : i32
          %dma_start3A_308 = arith.constant 0 : i32
          %dma_start3A_309 = tpu.memref_slice %arg7[%dma_start3A_306, %dma_start3A_307, %dma_start3A_308] : memref<2x8x128xi32, #tpu.memory_space<vmem>> -> memref<1x8x128xi32, #tpu.memory_space<vmem>>
          %dma_start3A_310 = tpu.memref_squeeze %dma_start3A_309 : memref<1x8x128xi32, #tpu.memory_space<vmem>> -> memref<8x128xi32, #tpu.memory_space<vmem>>
          %dma_start3A_311 = arith.constant 0 : i32
          %dma_start3A_312 = arith.constant 0 : i32
          %dma_start3A_313 = tpu.memref_slice %arg4[%arg0, %arg1, %add3A_305, %dma_start3A_311, %dma_start3A_312] : memref<2x16x20x8x128xi32, #tpu.memory_space<hbm>> -> memref<1x1x1x8x128xi32, #tpu.memory_space<hbm>>
          %dma_start3A_314 = tpu.memref_squeeze %dma_start3A_313 : memref<1x1x1x8x128xi32, #tpu.memory_space<hbm>> -> memref<8x128xi32, #tpu.memory_space<hbm>>
          %dma_start3A_315 = arith.constant 0 : i32
          %dma_start3A_316 = arith.constant 0 : i32
          %dma_start3A_317 = tpu.memref_slice %arg7[%dma_start3A_306, %dma_start3A_315, %dma_start3A_316] : memref<2x8x128xi32, #tpu.memory_space<vmem>> -> memref<1x8x128xi32, #tpu.memory_space<vmem>>
          %dma_start3A_318 = tpu.memref_squeeze %dma_start3A_317 : memref<1x8x128xi32, #tpu.memory_space<vmem>> -> memref<8x128xi32, #tpu.memory_space<vmem>>
          %dma_start3A_319 = arith.constant 0 : i32
          %dma_start3A_320 = arith.constant 0 : i32
          %dma_start3A_321 = tpu.memref_slice %arg4[%arg0, %arg1, %add3A_305, %dma_start3A_319, %dma_start3A_320] : memref<2x16x20x8x128xi32, #tpu.memory_space<hbm>> -> memref<1x1x1x8x128xi32, #tpu.memory_space<hbm>>
          %dma_start3A_322 = tpu.memref_squeeze %dma_start3A_321 : memref<1x1x1x8x128xi32, #tpu.memory_space<hbm>> -> memref<8x128xi32, #tpu.memory_space<hbm>>
          tpu.enqueue_dma source(%dma_start3A_322 : memref<8x128xi32, #tpu.memory_space<hbm>>) target(%dma_start3A_318 : memref<8x128xi32, #tpu.memory_space<vmem>>) target_semaphore(%arg19 : memref<!tpu.dma_semaphore, #tpu.memory_space<semaphore_mem>>)
          %add3A_323 = arith.constant 1 : i32
          %add3A_324 = arith.addi %scan3A_143, %add3A_323 : i32
          %dma_start3A_325 = arith.constant 1 : i32
          %dma_start3A_326 = arith.constant 0 : i32
          %dma_start3A_327 = arith.constant 0 : i32
          %dma_start3A_328 = tpu.memref_slice %arg8[%dma_start3A_325, %dma_start3A_326, %dma_start3A_327] : memref<2x8x128xi32, #tpu.memory_space<vmem>> -> memref<1x8x128xi32, #tpu.memory_space<vmem>>
          %dma_start3A_329 = tpu.memref_squeeze %dma_start3A_328 : memref<1x8x128xi32, #tpu.memory_space<vmem>> -> memref<8x128xi32, #tpu.memory_space<vmem>>
          %dma_start3A_330 = arith.constant 0 : i32
          %dma_start3A_331 = arith.constant 0 : i32
          %dma_start3A_332 = tpu.memref_slice %arg5[%arg0, %arg1, %add3A_324, %dma_start3A_330, %dma_start3A_331] : memref<2x16x20x8x128xi32, #tpu.memory_space<hbm>> -> memref<1x1x1x8x128xi32, #tpu.memory_space<hbm>>
          %dma_start3A_333 = tpu.memref_squeeze %dma_start3A_332 : memref<1x1x1x8x128xi32, #tpu.memory_space<hbm>> -> memref<8x128xi32, #tpu.memory_space<hbm>>
          %dma_start3A_334 = arith.constant 0 : i32
          %dma_start3A_335 = arith.constant 0 : i32
          %dma_start3A_336 = tpu.memref_slice %arg8[%dma_start3A_325, %dma_start3A_334, %dma_start3A_335] : memref<2x8x128xi32, #tpu.memory_space<vmem>> -> memref<1x8x128xi32, #tpu.memory_space<vmem>>
          %dma_start3A_337 = tpu.memref_squeeze %dma_start3A_336 : memref<1x8x128xi32, #tpu.memory_space<vmem>> -> memref<8x128xi32, #tpu.memory_space<vmem>>
          %dma_start3A_338 = arith.constant 0 : i32
          %dma_start3A_339 = arith.constant 0 : i32
          %dma_start3A_340 = tpu.memref_slice %arg5[%arg0, %arg1, %add3A_324, %dma_start3A_338, %dma_start3A_339] : memref<2x16x20x8x128xi32, #tpu.memory_space<hbm>> -> memref<1x1x1x8x128xi32, #tpu.memory_space<hbm>>
          %dma_start3A_341 = tpu.memref_squeeze %dma_start3A_340 : memref<1x1x1x8x128xi32, #tpu.memory_space<hbm>> -> memref<8x128xi32, #tpu.memory_space<hbm>>
          tpu.enqueue_dma source(%dma_start3A_341 : memref<8x128xi32, #tpu.memory_space<hbm>>) target(%dma_start3A_337 : memref<8x128xi32, #tpu.memory_space<vmem>>) target_semaphore(%arg19 : memref<!tpu.dma_semaphore, #tpu.memory_space<semaphore_mem>>)
        } else {
        }
        %dma_wait3A_182 = arith.constant 0 : i32
        %dma_wait3A_183 = arith.constant 0 : i32
        %dma_wait3A_184 = arith.constant 0 : i32
        %dma_wait3A_185 = tpu.memref_slice %arg7[%dma_wait3A_182, %dma_wait3A_183, %dma_wait3A_184] : memref<2x8x128xi32, #tpu.memory_space<vmem>> -> memref<1x1x128xi32, #tpu.memory_space<vmem>>
        %dma_wait3A_186 = tpu.memref_squeeze %dma_wait3A_185 : memref<1x1x128xi32, #tpu.memory_space<vmem>> -> memref<128xi32, #tpu.memory_space<vmem>>
        %dma_wait3A_187 = arith.constant 0 : i32
        %dma_wait3A_188 = arith.constant 0 : i32
        %dma_wait3A_189 = tpu.memref_slice %arg2[%dma_wait3A_187, %dma_wait3A_188] : memref<20480x128xf32, #tpu.memory_space<hbm>> -> memref<20480x128xf32, #tpu.memory_space<hbm>>
        tpu.wait_indirect_dma semaphore(%arg15 : memref<!tpu.dma_semaphore, #tpu.memory_space<semaphore_mem>>) src(%dma_wait3A_189 : memref<20480x128xf32, #tpu.memory_space<hbm>>) dst(%arg9 : memref<128x128xf32, #tpu.memory_space<vmem>>)
        %dma_start3A_190 = arith.constant 0 : i32
        %dma_start3A_191 = arith.constant 2 : i32
        %dma_start3A_192 = arith.constant 0 : i32
        %dma_start3A_193 = tpu.memref_slice %arg7[%dma_start3A_190, %dma_start3A_191, %dma_start3A_192] : memref<2x8x128xi32, #tpu.memory_space<vmem>> -> memref<1x1x128xi32, #tpu.memory_space<vmem>>
        %dma_start3A_194 = tpu.memref_squeeze %dma_start3A_193 : memref<1x1x128xi32, #tpu.memory_space<vmem>> -> memref<128xi32, #tpu.memory_space<vmem>>
        %dma_start3A_195 = arith.constant 0 : i32
        %dma_start3A_196 = arith.constant 0 : i32
        %dma_start3A_197 = tpu.memref_slice %arg2[%dma_start3A_195, %dma_start3A_196] : memref<20480x128xf32, #tpu.memory_space<hbm>> -> memref<20480x128xf32, #tpu.memory_space<hbm>>
        tpu.enqueue_indirect_dma source(%dma_start3A_197 : memref<20480x128xf32, #tpu.memory_space<hbm>>) target(%arg9 : memref<128x128xf32, #tpu.memory_space<vmem>>) offsets(%dma_start3A_194 : memref<128xi32, #tpu.memory_space<vmem>>) semaphore(%arg15 : memref<!tpu.dma_semaphore, #tpu.memory_space<semaphore_mem>>)
        %dma_wait3A_198 = arith.constant 0 : i32
        %dma_wait3A_199 = arith.constant 1 : i32
        %dma_wait3A_200 = arith.constant 0 : i32
        %dma_wait3A_201 = tpu.memref_slice %arg7[%dma_wait3A_198, %dma_wait3A_199, %dma_wait3A_200] : memref<2x8x128xi32, #tpu.memory_space<vmem>> -> memref<1x1x128xi32, #tpu.memory_space<vmem>>
        %dma_wait3A_202 = tpu.memref_squeeze %dma_wait3A_201 : memref<1x1x128xi32, #tpu.memory_space<vmem>> -> memref<128xi32, #tpu.memory_space<vmem>>
        %dma_wait3A_203 = arith.constant 0 : i32
        %dma_wait3A_204 = arith.constant 0 : i32
        %dma_wait3A_205 = tpu.memref_slice %arg2[%dma_wait3A_203, %dma_wait3A_204] : memref<20480x128xf32, #tpu.memory_space<hbm>> -> memref<20480x128xf32, #tpu.memory_space<hbm>>
        tpu.wait_indirect_dma semaphore(%arg16 : memref<!tpu.dma_semaphore, #tpu.memory_space<semaphore_mem>>) src(%dma_wait3A_205 : memref<20480x128xf32, #tpu.memory_space<hbm>>) dst(%arg10 : memref<128x128xf32, #tpu.memory_space<vmem>>)
        %dma_start3A_206 = arith.constant 0 : i32
        %dma_start3A_207 = arith.constant 3 : i32
        %dma_start3A_208 = arith.constant 0 : i32
        %dma_start3A_209 = tpu.memref_slice %arg7[%dma_start3A_206, %dma_start3A_207, %dma_start3A_208] : memref<2x8x128xi32, #tpu.memory_space<vmem>> -> memref<1x1x128xi32, #tpu.memory_space<vmem>>
        %dma_start3A_210 = tpu.memref_squeeze %dma_start3A_209 : memref<1x1x128xi32, #tpu.memory_space<vmem>> -> memref<128xi32, #tpu.memory_space<vmem>>
        %dma_start3A_211 = arith.constant 0 : i32
        %dma_start3A_212 = arith.constant 0 : i32
        %dma_start3A_213 = tpu.memref_slice %arg2[%dma_start3A_211, %dma_start3A_212] : memref<20480x128xf32, #tpu.memory_space<hbm>> -> memref<20480x128xf32, #tpu.memory_space<hbm>>
        tpu.enqueue_indirect_dma source(%dma_start3A_213 : memref<20480x128xf32, #tpu.memory_space<hbm>>) target(%arg10 : memref<128x128xf32, #tpu.memory_space<vmem>>) offsets(%dma_start3A_210 : memref<128xi32, #tpu.memory_space<vmem>>) semaphore(%arg16 : memref<!tpu.dma_semaphore, #tpu.memory_space<semaphore_mem>>)
        %dma_wait3A_214 = arith.constant 0 : i32
        %dma_wait3A_215 = arith.constant 2 : i32
        %dma_wait3A_216 = arith.constant 0 : i32
        %dma_wait3A_217 = tpu.memref_slice %arg7[%dma_wait3A_214, %dma_wait3A_215, %dma_wait3A_216] : memref<2x8x128xi32, #tpu.memory_space<vmem>> -> memref<1x1x128xi32, #tpu.memory_space<vmem>>
        %dma_wait3A_218 = tpu.memref_squeeze %dma_wait3A_217 : memref<1x1x128xi32, #tpu.memory_space<vmem>> -> memref<128xi32, #tpu.memory_space<vmem>>
        %dma_wait3A_219 = arith.constant 0 : i32
        %dma_wait3A_220 = arith.constant 0 : i32
        %dma_wait3A_221 = tpu.memref_slice %arg2[%dma_wait3A_219, %dma_wait3A_220] : memref<20480x128xf32, #tpu.memory_space<hbm>> -> memref<20480x128xf32, #tpu.memory_space<hbm>>
        tpu.wait_indirect_dma semaphore(%arg15 : memref<!tpu.dma_semaphore, #tpu.memory_space<semaphore_mem>>) src(%dma_wait3A_221 : memref<20480x128xf32, #tpu.memory_space<hbm>>) dst(%arg9 : memref<128x128xf32, #tpu.memory_space<vmem>>)
        %dma_start3A_222 = arith.constant 0 : i32
        %dma_start3A_223 = arith.constant 4 : i32
        %dma_start3A_224 = arith.constant 0 : i32
        %dma_start3A_225 = tpu.memref_slice %arg7[%dma_start3A_222, %dma_start3A_223, %dma_start3A_224] : memref<2x8x128xi32, #tpu.memory_space<vmem>> -> memref<1x1x128xi32, #tpu.memory_space<vmem>>
        %dma_start3A_226 = tpu.memref_squeeze %dma_start3A_225 : memref<1x1x128xi32, #tpu.memory_space<vmem>> -> memref<128xi32, #tpu.memory_space<vmem>>
        %dma_start3A_227 = arith.constant 0 : i32
        %dma_start3A_228 = arith.constant 0 : i32
        %dma_start3A_229 = tpu.memref_slice %arg2[%dma_start3A_227, %dma_start3A_228] : memref<20480x128xf32, #tpu.memory_space<hbm>> -> memref<20480x128xf32, #tpu.memory_space<hbm>>
        tpu.enqueue_indirect_dma source(%dma_start3A_229 : memref<20480x128xf32, #tpu.memory_space<hbm>>) target(%arg9 : memref<128x128xf32, #tpu.memory_space<vmem>>) offsets(%dma_start3A_226 : memref<128xi32, #tpu.memory_space<vmem>>) semaphore(%arg15 : memref<!tpu.dma_semaphore, #tpu.memory_space<semaphore_mem>>)
        %dma_wait3A_230 = arith.constant 0 : i32
        %dma_wait3A_231 = arith.constant 3 : i32
        %dma_wait3A_232 = arith.constant 0 : i32
        %dma_wait3A_233 = tpu.memref_slice %arg7[%dma_wait3A_230, %dma_wait3A_231, %dma_wait3A_232] : memref<2x8x128xi32, #tpu.memory_space<vmem>> -> memref<1x1x128xi32, #tpu.memory_space<vmem>>
        %dma_wait3A_234 = tpu.memref_squeeze %dma_wait3A_233 : memref<1x1x128xi32, #tpu.memory_space<vmem>> -> memref<128xi32, #tpu.memory_space<vmem>>
        %dma_wait3A_235 = arith.constant 0 : i32
        %dma_wait3A_236 = arith.constant 0 : i32
        %dma_wait3A_237 = tpu.memref_slice %arg2[%dma_wait3A_235, %dma_wait3A_236] : memref<20480x128xf32, #tpu.memory_space<hbm>> -> memref<20480x128xf32, #tpu.memory_space<hbm>>
        tpu.wait_indirect_dma semaphore(%arg16 : memref<!tpu.dma_semaphore, #tpu.memory_space<semaphore_mem>>) src(%dma_wait3A_237 : memref<20480x128xf32, #tpu.memory_space<hbm>>) dst(%arg10 : memref<128x128xf32, #tpu.memory_space<vmem>>)
        %dma_start3A_238 = arith.constant 0 : i32
        %dma_start3A_239 = arith.constant 5 : i32
        %dma_start3A_240 = arith.constant 0 : i32
        %dma_start3A_241 = tpu.memref_slice %arg7[%dma_start3A_238, %dma_start3A_239, %dma_start3A_240] : memref<2x8x128xi32, #tpu.memory_space<vmem>> -> memref<1x1x128xi32, #tpu.memory_space<vmem>>
        %dma_start3A_242 = tpu.memref_squeeze %dma_start3A_241 : memref<1x1x128xi32, #tpu.memory_space<vmem>> -> memref<128xi32, #tpu.memory_space<vmem>>
        %dma_start3A_243 = arith.constant 0 : i32
        %dma_start3A_244 = arith.constant 0 : i32
        %dma_start3A_245 = tpu.memref_slice %arg2[%dma_start3A_243, %dma_start3A_244] : memref<20480x128xf32, #tpu.memory_space<hbm>> -> memref<20480x128xf32, #tpu.memory_space<hbm>>
        tpu.enqueue_indirect_dma source(%dma_start3A_245 : memref<20480x128xf32, #tpu.memory_space<hbm>>) target(%arg10 : memref<128x128xf32, #tpu.memory_space<vmem>>) offsets(%dma_start3A_242 : memref<128xi32, #tpu.memory_space<vmem>>) semaphore(%arg16 : memref<!tpu.dma_semaphore, #tpu.memory_space<semaphore_mem>>)
        %dma_wait3A_246 = arith.constant 0 : i32
        %dma_wait3A_247 = arith.constant 4 : i32
        %dma_wait3A_248 = arith.constant 0 : i32
        %dma_wait3A_249 = tpu.memref_slice %arg7[%dma_wait3A_246, %dma_wait3A_247, %dma_wait3A_248] : memref<2x8x128xi32, #tpu.memory_space<vmem>> -> memref<1x1x128xi32, #tpu.memory_space<vmem>>
        %dma_wait3A_250 = tpu.memref_squeeze %dma_wait3A_249 : memref<1x1x128xi32, #tpu.memory_space<vmem>> -> memref<128xi32, #tpu.memory_space<vmem>>
        %dma_wait3A_251 = arith.constant 0 : i32
        %dma_wait3A_252 = arith.constant 0 : i32
        %dma_wait3A_253 = tpu.memref_slice %arg2[%dma_wait3A_251, %dma_wait3A_252] : memref<20480x128xf32, #tpu.memory_space<hbm>> -> memref<20480x128xf32, #tpu.memory_space<hbm>>
        tpu.wait_indirect_dma semaphore(%arg15 : memref<!tpu.dma_semaphore, #tpu.memory_space<semaphore_mem>>) src(%dma_wait3A_253 : memref<20480x128xf32, #tpu.memory_space<hbm>>) dst(%arg9 : memref<128x128xf32, #tpu.memory_space<vmem>>)
        %dma_start3A_254 = arith.constant 0 : i32
        %dma_start3A_255 = arith.constant 6 : i32
        %dma_start3A_256 = arith.constant 0 : i32
        %dma_start3A_257 = tpu.memref_slice %arg7[%dma_start3A_254, %dma_start3A_255, %dma_start3A_256] : memref<2x8x128xi32, #tpu.memory_space<vmem>> -> memref<1x1x128xi32, #tpu.memory_space<vmem>>
        %dma_start3A_258 = tpu.memref_squeeze %dma_start3A_257 : memref<1x1x128xi32, #tpu.memory_space<vmem>> -> memref<128xi32, #tpu.memory_space<vmem>>
        %dma_start3A_259 = arith.constant 0 : i32
        %dma_start3A_260 = arith.constant 0 : i32
        %dma_start3A_261 = tpu.memref_slice %arg2[%dma_start3A_259, %dma_start3A_260] : memref<20480x128xf32, #tpu.memory_space<hbm>> -> memref<20480x128xf32, #tpu.memory_space<hbm>>
        tpu.enqueue_indirect_dma source(%dma_start3A_261 : memref<20480x128xf32, #tpu.memory_space<hbm>>) target(%arg9 : memref<128x128xf32, #tpu.memory_space<vmem>>) offsets(%dma_start3A_258 : memref<128xi32, #tpu.memory_space<vmem>>) semaphore(%arg15 : memref<!tpu.dma_semaphore, #tpu.memory_space<semaphore_mem>>)
        %dma_wait3A_262 = arith.constant 0 : i32
        %dma_wait3A_263 = arith.constant 5 : i32
        %dma_wait3A_264 = arith.constant 0 : i32
        %dma_wait3A_265 = tpu.memref_slice %arg7[%dma_wait3A_262, %dma_wait3A_263, %dma_wait3A_264] : memref<2x8x128xi32, #tpu.memory_space<vmem>> -> memref<1x1x128xi32, #tpu.memory_space<vmem>>
        %dma_wait3A_266 = tpu.memref_squeeze %dma_wait3A_265 : memref<1x1x128xi32, #tpu.memory_space<vmem>> -> memref<128xi32, #tpu.memory_space<vmem>>
        %dma_wait3A_267 = arith.constant 0 : i32
        %dma_wait3A_268 = arith.constant 0 : i32
        %dma_wait3A_269 = tpu.memref_slice %arg2[%dma_wait3A_267, %dma_wait3A_268] : memref<20480x128xf32, #tpu.memory_space<hbm>> -> memref<20480x128xf32, #tpu.memory_space<hbm>>
        tpu.wait_indirect_dma semaphore(%arg16 : memref<!tpu.dma_semaphore, #tpu.memory_space<semaphore_mem>>) src(%dma_wait3A_269 : memref<20480x128xf32, #tpu.memory_space<hbm>>) dst(%arg10 : memref<128x128xf32, #tpu.memory_space<vmem>>)
        %dma_start3A_270 = arith.constant 0 : i32
        %dma_start3A_271 = arith.constant 7 : i32
        %dma_start3A_272 = arith.constant 0 : i32
        %dma_start3A_273 = tpu.memref_slice %arg7[%dma_start3A_270, %dma_start3A_271, %dma_start3A_272] : memref<2x8x128xi32, #tpu.memory_space<vmem>> -> memref<1x1x128xi32, #tpu.memory_space<vmem>>
        %dma_start3A_274 = tpu.memref_squeeze %dma_start3A_273 : memref<1x1x128xi32, #tpu.memory_space<vmem>> -> memref<128xi32, #tpu.memory_space<vmem>>
        %dma_start3A_275 = arith.constant 0 : i32
        %dma_start3A_276 = arith.constant 0 : i32
        %dma_start3A_277 = tpu.memref_slice %arg2[%dma_start3A_275, %dma_start3A_276] : memref<20480x128xf32, #tpu.memory_space<hbm>> -> memref<20480x128xf32, #tpu.memory_space<hbm>>
        tpu.enqueue_indirect_dma source(%dma_start3A_277 : memref<20480x128xf32, #tpu.memory_space<hbm>>) target(%arg10 : memref<128x128xf32, #tpu.memory_space<vmem>>) offsets(%dma_start3A_274 : memref<128xi32, #tpu.memory_space<vmem>>) semaphore(%arg16 : memref<!tpu.dma_semaphore, #tpu.memory_space<semaphore_mem>>)
        %dma_wait3A_278 = arith.constant 0 : i32
        %dma_wait3A_279 = arith.constant 6 : i32
        %dma_wait3A_280 = arith.constant 0 : i32
        %dma_wait3A_281 = tpu.memref_slice %arg7[%dma_wait3A_278, %dma_wait3A_279, %dma_wait3A_280] : memref<2x8x128xi32, #tpu.memory_space<vmem>> -> memref<1x1x128xi32, #tpu.memory_space<vmem>>
        %dma_wait3A_282 = tpu.memref_squeeze %dma_wait3A_281 : memref<1x1x128xi32, #tpu.memory_space<vmem>> -> memref<128xi32, #tpu.memory_space<vmem>>
        %dma_wait3A_283 = arith.constant 0 : i32
        %dma_wait3A_284 = arith.constant 0 : i32
        %dma_wait3A_285 = tpu.memref_slice %arg2[%dma_wait3A_283, %dma_wait3A_284] : memref<20480x128xf32, #tpu.memory_space<hbm>> -> memref<20480x128xf32, #tpu.memory_space<hbm>>
        tpu.wait_indirect_dma semaphore(%arg15 : memref<!tpu.dma_semaphore, #tpu.memory_space<semaphore_mem>>) src(%dma_wait3A_285 : memref<20480x128xf32, #tpu.memory_space<hbm>>) dst(%arg9 : memref<128x128xf32, #tpu.memory_space<vmem>>)
        %lt3A_286 = arith.constant 19 : i32
        %lt3A_287 = arith.cmpi slt, %scan3A_143, %lt3A_286 : i32
        %convert_element_type3A_288 = arith.extui %lt3A_287 : i1 to i32
        %cond3A_289 = arith.constant 0 : i32
        %cond3A_290 = arith.cmpi ne, %convert_element_type3A_288, %cond3A_289 : i32
        scf.if %cond3A_290 {
          %add3A_304 = arith.constant 1 : i32
          %add3A_305 = arith.addi %scan3A_143, %add3A_304 : i32
          %dma_wait3A_306 = arith.constant 1 : i32
          %dma_wait3A_307 = arith.constant 0 : i32
          %dma_wait3A_308 = arith.constant 0 : i32
          %dma_wait3A_309 = tpu.memref_slice %arg7[%dma_wait3A_306, %dma_wait3A_307, %dma_wait3A_308] : memref<2x8x128xi32, #tpu.memory_space<vmem>> -> memref<1x8x128xi32, #tpu.memory_space<vmem>>
          %dma_wait3A_310 = tpu.memref_squeeze %dma_wait3A_309 : memref<1x8x128xi32, #tpu.memory_space<vmem>> -> memref<8x128xi32, #tpu.memory_space<vmem>>
          %dma_wait3A_311 = arith.constant 0 : i32
          %dma_wait3A_312 = arith.constant 0 : i32
          %dma_wait3A_313 = tpu.memref_slice %arg4[%arg0, %arg1, %add3A_305, %dma_wait3A_311, %dma_wait3A_312] : memref<2x16x20x8x128xi32, #tpu.memory_space<hbm>> -> memref<1x1x1x8x128xi32, #tpu.memory_space<hbm>>
          %dma_wait3A_314 = tpu.memref_squeeze %dma_wait3A_313 : memref<1x1x1x8x128xi32, #tpu.memory_space<hbm>> -> memref<8x128xi32, #tpu.memory_space<hbm>>
          %dma_wait3A_315 = arith.constant 0 : i32
          %dma_wait3A_316 = arith.constant 0 : i32
          %dma_wait3A_317 = tpu.memref_slice %arg7[%dma_wait3A_306, %dma_wait3A_315, %dma_wait3A_316] : memref<2x8x128xi32, #tpu.memory_space<vmem>> -> memref<1x8x128xi32, #tpu.memory_space<vmem>>
          %dma_wait3A_318 = tpu.memref_squeeze %dma_wait3A_317 : memref<1x8x128xi32, #tpu.memory_space<vmem>> -> memref<8x128xi32, #tpu.memory_space<vmem>>
          %dma_wait3A_319 = arith.constant 0 : i32
          %dma_wait3A_320 = arith.constant 0 : i32
          %dma_wait3A_321 = tpu.memref_slice %arg4[%arg0, %arg1, %add3A_305, %dma_wait3A_319, %dma_wait3A_320] : memref<2x16x20x8x128xi32, #tpu.memory_space<hbm>> -> memref<1x1x1x8x128xi32, #tpu.memory_space<hbm>>
          %dma_wait3A_322 = tpu.memref_squeeze %dma_wait3A_321 : memref<1x1x1x8x128xi32, #tpu.memory_space<hbm>> -> memref<8x128xi32, #tpu.memory_space<hbm>>
          tpu.wait_dma2 semaphore(%arg19 : memref<!tpu.dma_semaphore, #tpu.memory_space<semaphore_mem>>) src(%dma_wait3A_322 : memref<8x128xi32, #tpu.memory_space<hbm>>) dst(%dma_wait3A_318 : memref<8x128xi32, #tpu.memory_space<vmem>>)
          %add3A_323 = arith.constant 1 : i32
          %add3A_324 = arith.addi %scan3A_143, %add3A_323 : i32
          %dma_wait3A_325 = arith.constant 1 : i32
          %dma_wait3A_326 = arith.constant 0 : i32
          %dma_wait3A_327 = arith.constant 0 : i32
          %dma_wait3A_328 = tpu.memref_slice %arg8[%dma_wait3A_325, %dma_wait3A_326, %dma_wait3A_327] : memref<2x8x128xi32, #tpu.memory_space<vmem>> -> memref<1x8x128xi32, #tpu.memory_space<vmem>>
          %dma_wait3A_329 = tpu.memref_squeeze %dma_wait3A_328 : memref<1x8x128xi32, #tpu.memory_space<vmem>> -> memref<8x128xi32, #tpu.memory_space<vmem>>
          %dma_wait3A_330 = arith.constant 0 : i32
          %dma_wait3A_331 = arith.constant 0 : i32
          %dma_wait3A_332 = tpu.memref_slice %arg5[%arg0, %arg1, %add3A_324, %dma_wait3A_330, %dma_wait3A_331] : memref<2x16x20x8x128xi32, #tpu.memory_space<hbm>> -> memref<1x1x1x8x128xi32, #tpu.memory_space<hbm>>
          %dma_wait3A_333 = tpu.memref_squeeze %dma_wait3A_332 : memref<1x1x1x8x128xi32, #tpu.memory_space<hbm>> -> memref<8x128xi32, #tpu.memory_space<hbm>>
          %dma_wait3A_334 = arith.constant 0 : i32
          %dma_wait3A_335 = arith.constant 0 : i32
          %dma_wait3A_336 = tpu.memref_slice %arg8[%dma_wait3A_325, %dma_wait3A_334, %dma_wait3A_335] : memref<2x8x128xi32, #tpu.memory_space<vmem>> -> memref<1x8x128xi32, #tpu.memory_space<vmem>>
          %dma_wait3A_337 = tpu.memref_squeeze %dma_wait3A_336 : memref<1x8x128xi32, #tpu.memory_space<vmem>> -> memref<8x128xi32, #tpu.memory_space<vmem>>
          %dma_wait3A_338 = arith.constant 0 : i32
          %dma_wait3A_339 = arith.constant 0 : i32
          %dma_wait3A_340 = tpu.memref_slice %arg5[%arg0, %arg1, %add3A_324, %dma_wait3A_338, %dma_wait3A_339] : memref<2x16x20x8x128xi32, #tpu.memory_space<hbm>> -> memref<1x1x1x8x128xi32, #tpu.memory_space<hbm>>
          %dma_wait3A_341 = tpu.memref_squeeze %dma_wait3A_340 : memref<1x1x1x8x128xi32, #tpu.memory_space<hbm>> -> memref<8x128xi32, #tpu.memory_space<hbm>>
          tpu.wait_dma2 semaphore(%arg19 : memref<!tpu.dma_semaphore, #tpu.memory_space<semaphore_mem>>) src(%dma_wait3A_341 : memref<8x128xi32, #tpu.memory_space<hbm>>) dst(%dma_wait3A_337 : memref<8x128xi32, #tpu.memory_space<vmem>>)
          %dma_start3A_342 = arith.constant 1 : i32
          %dma_start3A_343 = arith.constant 0 : i32
          %dma_start3A_344 = arith.constant 0 : i32
          %dma_start3A_345 = tpu.memref_slice %arg7[%dma_start3A_342, %dma_start3A_343, %dma_start3A_344] : memref<2x8x128xi32, #tpu.memory_space<vmem>> -> memref<1x1x128xi32, #tpu.memory_space<vmem>>
          %dma_start3A_346 = tpu.memref_squeeze %dma_start3A_345 : memref<1x1x128xi32, #tpu.memory_space<vmem>> -> memref<128xi32, #tpu.memory_space<vmem>>
          %dma_start3A_347 = arith.constant 0 : i32
          %dma_start3A_348 = arith.constant 0 : i32
          %dma_start3A_349 = tpu.memref_slice %arg2[%dma_start3A_347, %dma_start3A_348] : memref<20480x128xf32, #tpu.memory_space<hbm>> -> memref<20480x128xf32, #tpu.memory_space<hbm>>
          tpu.enqueue_indirect_dma source(%dma_start3A_349 : memref<20480x128xf32, #tpu.memory_space<hbm>>) target(%arg9 : memref<128x128xf32, #tpu.memory_space<vmem>>) offsets(%dma_start3A_346 : memref<128xi32, #tpu.memory_space<vmem>>) semaphore(%arg15 : memref<!tpu.dma_semaphore, #tpu.memory_space<semaphore_mem>>)
        } else {
        }
        %dma_wait3A_291 = arith.constant 0 : i32
        %dma_wait3A_292 = arith.constant 7 : i32
        %dma_wait3A_293 = arith.constant 0 : i32
        %dma_wait3A_294 = tpu.memref_slice %arg7[%dma_wait3A_291, %dma_wait3A_292, %dma_wait3A_293] : memref<2x8x128xi32, #tpu.memory_space<vmem>> -> memref<1x1x128xi32, #tpu.memory_space<vmem>>
        %dma_wait3A_295 = tpu.memref_squeeze %dma_wait3A_294 : memref<1x1x128xi32, #tpu.memory_space<vmem>> -> memref<128xi32, #tpu.memory_space<vmem>>
        %dma_wait3A_296 = arith.constant 0 : i32
        %dma_wait3A_297 = arith.constant 0 : i32
        %dma_wait3A_298 = tpu.memref_slice %arg2[%dma_wait3A_296, %dma_wait3A_297] : memref<20480x128xf32, #tpu.memory_space<hbm>> -> memref<20480x128xf32, #tpu.memory_space<hbm>>
        tpu.wait_indirect_dma semaphore(%arg16 : memref<!tpu.dma_semaphore, #tpu.memory_space<semaphore_mem>>) src(%dma_wait3A_298 : memref<20480x128xf32, #tpu.memory_space<hbm>>) dst(%arg10 : memref<128x128xf32, #tpu.memory_space<vmem>>)
        %lt3A_299 = arith.constant 19 : i32
        %lt3A_300 = arith.cmpi slt, %scan3A_143, %lt3A_299 : i32
        %convert_element_type3A_301 = arith.extui %lt3A_300 : i1 to i32
        %cond3A_302 = arith.constant 0 : i32
        %cond3A_303 = arith.cmpi ne, %convert_element_type3A_301, %cond3A_302 : i32
        scf.if %cond3A_303 {
          %dma_start3A_304 = arith.constant 1 : i32
          %dma_start3A_305 = arith.constant 1 : i32
          %dma_start3A_306 = arith.constant 0 : i32
          %dma_start3A_307 = tpu.memref_slice %arg7[%dma_start3A_304, %dma_start3A_305, %dma_start3A_306] : memref<2x8x128xi32, #tpu.memory_space<vmem>> -> memref<1x1x128xi32, #tpu.memory_space<vmem>>
          %dma_start3A_308 = tpu.memref_squeeze %dma_start3A_307 : memref<1x1x128xi32, #tpu.memory_space<vmem>> -> memref<128xi32, #tpu.memory_space<vmem>>
          %dma_start3A_309 = arith.constant 0 : i32
          %dma_start3A_310 = arith.constant 0 : i32
          %dma_start3A_311 = tpu.memref_slice %arg2[%dma_start3A_309, %dma_start3A_310] : memref<20480x128xf32, #tpu.memory_space<hbm>> -> memref<20480x128xf32, #tpu.memory_space<hbm>>
          tpu.enqueue_indirect_dma source(%dma_start3A_311 : memref<20480x128xf32, #tpu.memory_space<hbm>>) target(%arg10 : memref<128x128xf32, #tpu.memory_space<vmem>>) offsets(%dma_start3A_308 : memref<128xi32, #tpu.memory_space<vmem>>) semaphore(%arg16 : memref<!tpu.dma_semaphore, #tpu.memory_space<semaphore_mem>>)
        } else {
        }
      } else {
      }
      %jit3A_156 = arith.constant 2 : i32
      %eq3A_157 = arith.constant 0 : i32
      %eq3A_158 = arith.cmpi eq, %jit3A_156, %eq3A_157 : i32
      %jit3A_159 = arith.constant 1 : i32
      %select_n3A_160 = arith.select %eq3A_158, %jit3A_159, %jit3A_156 : i32
      %rem3A_161 = arith.remsi %scan3A_143, %select_n3A_160 : i32
      %ne3A_162 = arith.constant 0 : i32
      %ne3A_163 = arith.cmpi ne, %rem3A_161, %ne3A_162 : i32
      %lt3A_164 = arith.constant 0 : i32
      %lt3A_165 = arith.cmpi slt, %rem3A_161, %lt3A_164 : i32
      %lt3A_166 = arith.constant 0 : i32
      %lt3A_167 = arith.cmpi slt, %select_n3A_160, %lt3A_166 : i32
      %ne3A_168 = arith.xori %lt3A_165, %lt3A_167 : i1
      %and3A_169 = arith.andi %ne3A_168, %ne3A_163 : i1
      %add3A_170 = arith.addi %rem3A_161, %select_n3A_160 : i32
      %select_n3A_171 = arith.select %and3A_169, %add3A_170, %rem3A_161 : i32
      %eq3A_172 = arith.constant 1 : i32
      %eq3A_173 = arith.cmpi eq, %select_n3A_171, %eq3A_172 : i32
      %convert_element_type3A_174 = arith.extui %eq3A_173 : i1 to i32
      %cond3A_175 = arith.constant 0 : i32
      %cond3A_176 = arith.cmpi ne, %convert_element_type3A_174, %cond3A_175 : i32
      scf.if %cond3A_176 {
        %lt3A_177 = arith.constant 19 : i32
        %lt3A_178 = arith.cmpi slt, %scan3A_143, %lt3A_177 : i32
        %convert_element_type3A_179 = arith.extui %lt3A_178 : i1 to i32
        %cond3A_180 = arith.constant 0 : i32
        %cond3A_181 = arith.cmpi ne, %convert_element_type3A_179, %cond3A_180 : i32
        scf.if %cond3A_181 {
          %add3A_304 = arith.constant 1 : i32
          %add3A_305 = arith.addi %scan3A_143, %add3A_304 : i32
          %dma_start3A_306 = arith.constant 0 : i32
          %dma_start3A_307 = arith.constant 0 : i32
          %dma_start3A_308 = arith.constant 0 : i32
          %dma_start3A_309 = tpu.memref_slice %arg7[%dma_start3A_306, %dma_start3A_307, %dma_start3A_308] : memref<2x8x128xi32, #tpu.memory_space<vmem>> -> memref<1x8x128xi32, #tpu.memory_space<vmem>>
          %dma_start3A_310 = tpu.memref_squeeze %dma_start3A_309 : memref<1x8x128xi32, #tpu.memory_space<vmem>> -> memref<8x128xi32, #tpu.memory_space<vmem>>
          %dma_start3A_311 = arith.constant 0 : i32
          %dma_start3A_312 = arith.constant 0 : i32
          %dma_start3A_313 = tpu.memref_slice %arg4[%arg0, %arg1, %add3A_305, %dma_start3A_311, %dma_start3A_312] : memref<2x16x20x8x128xi32, #tpu.memory_space<hbm>> -> memref<1x1x1x8x128xi32, #tpu.memory_space<hbm>>
          %dma_start3A_314 = tpu.memref_squeeze %dma_start3A_313 : memref<1x1x1x8x128xi32, #tpu.memory_space<hbm>> -> memref<8x128xi32, #tpu.memory_space<hbm>>
          %dma_start3A_315 = arith.constant 0 : i32
          %dma_start3A_316 = arith.constant 0 : i32
          %dma_start3A_317 = tpu.memref_slice %arg7[%dma_start3A_306, %dma_start3A_315, %dma_start3A_316] : memref<2x8x128xi32, #tpu.memory_space<vmem>> -> memref<1x8x128xi32, #tpu.memory_space<vmem>>
          %dma_start3A_318 = tpu.memref_squeeze %dma_start3A_317 : memref<1x8x128xi32, #tpu.memory_space<vmem>> -> memref<8x128xi32, #tpu.memory_space<vmem>>
          %dma_start3A_319 = arith.constant 0 : i32
          %dma_start3A_320 = arith.constant 0 : i32
          %dma_start3A_321 = tpu.memref_slice %arg4[%arg0, %arg1, %add3A_305, %dma_start3A_319, %dma_start3A_320] : memref<2x16x20x8x128xi32, #tpu.memory_space<hbm>> -> memref<1x1x1x8x128xi32, #tpu.memory_space<hbm>>
          %dma_start3A_322 = tpu.memref_squeeze %dma_start3A_321 : memref<1x1x1x8x128xi32, #tpu.memory_space<hbm>> -> memref<8x128xi32, #tpu.memory_space<hbm>>
          tpu.enqueue_dma source(%dma_start3A_322 : memref<8x128xi32, #tpu.memory_space<hbm>>) target(%dma_start3A_318 : memref<8x128xi32, #tpu.memory_space<vmem>>) target_semaphore(%arg19 : memref<!tpu.dma_semaphore, #tpu.memory_space<semaphore_mem>>)
          %add3A_323 = arith.constant 1 : i32
          %add3A_324 = arith.addi %scan3A_143, %add3A_323 : i32
          %dma_start3A_325 = arith.constant 0 : i32
          %dma_start3A_326 = arith.constant 0 : i32
          %dma_start3A_327 = arith.constant 0 : i32
          %dma_start3A_328 = tpu.memref_slice %arg8[%dma_start3A_325, %dma_start3A_326, %dma_start3A_327] : memref<2x8x128xi32, #tpu.memory_space<vmem>> -> memref<1x8x128xi32, #tpu.memory_space<vmem>>
          %dma_start3A_329 = tpu.memref_squeeze %dma_start3A_328 : memref<1x8x128xi32, #tpu.memory_space<vmem>> -> memref<8x128xi32, #tpu.memory_space<vmem>>
          %dma_start3A_330 = arith.constant 0 : i32
          %dma_start3A_331 = arith.constant 0 : i32
          %dma_start3A_332 = tpu.memref_slice %arg5[%arg0, %arg1, %add3A_324, %dma_start3A_330, %dma_start3A_331] : memref<2x16x20x8x128xi32, #tpu.memory_space<hbm>> -> memref<1x1x1x8x128xi32, #tpu.memory_space<hbm>>
          %dma_start3A_333 = tpu.memref_squeeze %dma_start3A_332 : memref<1x1x1x8x128xi32, #tpu.memory_space<hbm>> -> memref<8x128xi32, #tpu.memory_space<hbm>>
          %dma_start3A_334 = arith.constant 0 : i32
          %dma_start3A_335 = arith.constant 0 : i32
          %dma_start3A_336 = tpu.memref_slice %arg8[%dma_start3A_325, %dma_start3A_334, %dma_start3A_335] : memref<2x8x128xi32, #tpu.memory_space<vmem>> -> memref<1x8x128xi32, #tpu.memory_space<vmem>>
          %dma_start3A_337 = tpu.memref_squeeze %dma_start3A_336 : memref<1x8x128xi32, #tpu.memory_space<vmem>> -> memref<8x128xi32, #tpu.memory_space<vmem>>
          %dma_start3A_338 = arith.constant 0 : i32
          %dma_start3A_339 = arith.constant 0 : i32
          %dma_start3A_340 = tpu.memref_slice %arg5[%arg0, %arg1, %add3A_324, %dma_start3A_338, %dma_start3A_339] : memref<2x16x20x8x128xi32, #tpu.memory_space<hbm>> -> memref<1x1x1x8x128xi32, #tpu.memory_space<hbm>>
          %dma_start3A_341 = tpu.memref_squeeze %dma_start3A_340 : memref<1x1x1x8x128xi32, #tpu.memory_space<hbm>> -> memref<8x128xi32, #tpu.memory_space<hbm>>
          tpu.enqueue_dma source(%dma_start3A_341 : memref<8x128xi32, #tpu.memory_space<hbm>>) target(%dma_start3A_337 : memref<8x128xi32, #tpu.memory_space<vmem>>) target_semaphore(%arg19 : memref<!tpu.dma_semaphore, #tpu.memory_space<semaphore_mem>>)
        } else {
        }
        %dma_wait3A_182 = arith.constant 1 : i32
        %dma_wait3A_183 = arith.constant 0 : i32
        %dma_wait3A_184 = arith.constant 0 : i32
        %dma_wait3A_185 = tpu.memref_slice %arg7[%dma_wait3A_182, %dma_wait3A_183, %dma_wait3A_184] : memref<2x8x128xi32, #tpu.memory_space<vmem>> -> memref<1x1x128xi32, #tpu.memory_space<vmem>>
        %dma_wait3A_186 = tpu.memref_squeeze %dma_wait3A_185 : memref<1x1x128xi32, #tpu.memory_space<vmem>> -> memref<128xi32, #tpu.memory_space<vmem>>
        %dma_wait3A_187 = arith.constant 0 : i32
        %dma_wait3A_188 = arith.constant 0 : i32
        %dma_wait3A_189 = tpu.memref_slice %arg2[%dma_wait3A_187, %dma_wait3A_188] : memref<20480x128xf32, #tpu.memory_space<hbm>> -> memref<20480x128xf32, #tpu.memory_space<hbm>>
        tpu.wait_indirect_dma semaphore(%arg15 : memref<!tpu.dma_semaphore, #tpu.memory_space<semaphore_mem>>) src(%dma_wait3A_189 : memref<20480x128xf32, #tpu.memory_space<hbm>>) dst(%arg9 : memref<128x128xf32, #tpu.memory_space<vmem>>)
        %dma_start3A_190 = arith.constant 1 : i32
        %dma_start3A_191 = arith.constant 2 : i32
        %dma_start3A_192 = arith.constant 0 : i32
        %dma_start3A_193 = tpu.memref_slice %arg7[%dma_start3A_190, %dma_start3A_191, %dma_start3A_192] : memref<2x8x128xi32, #tpu.memory_space<vmem>> -> memref<1x1x128xi32, #tpu.memory_space<vmem>>
        %dma_start3A_194 = tpu.memref_squeeze %dma_start3A_193 : memref<1x1x128xi32, #tpu.memory_space<vmem>> -> memref<128xi32, #tpu.memory_space<vmem>>
        %dma_start3A_195 = arith.constant 0 : i32
        %dma_start3A_196 = arith.constant 0 : i32
        %dma_start3A_197 = tpu.memref_slice %arg2[%dma_start3A_195, %dma_start3A_196] : memref<20480x128xf32, #tpu.memory_space<hbm>> -> memref<20480x128xf32, #tpu.memory_space<hbm>>
        tpu.enqueue_indirect_dma source(%dma_start3A_197 : memref<20480x128xf32, #tpu.memory_space<hbm>>) target(%arg9 : memref<128x128xf32, #tpu.memory_space<vmem>>) offsets(%dma_start3A_194 : memref<128xi32, #tpu.memory_space<vmem>>) semaphore(%arg15 : memref<!tpu.dma_semaphore, #tpu.memory_space<semaphore_mem>>)
        %dma_wait3A_198 = arith.constant 1 : i32
        %dma_wait3A_199 = arith.constant 1 : i32
        %dma_wait3A_200 = arith.constant 0 : i32
        %dma_wait3A_201 = tpu.memref_slice %arg7[%dma_wait3A_198, %dma_wait3A_199, %dma_wait3A_200] : memref<2x8x128xi32, #tpu.memory_space<vmem>> -> memref<1x1x128xi32, #tpu.memory_space<vmem>>
        %dma_wait3A_202 = tpu.memref_squeeze %dma_wait3A_201 : memref<1x1x128xi32, #tpu.memory_space<vmem>> -> memref<128xi32, #tpu.memory_space<vmem>>
        %dma_wait3A_203 = arith.constant 0 : i32
        %dma_wait3A_204 = arith.constant 0 : i32
        %dma_wait3A_205 = tpu.memref_slice %arg2[%dma_wait3A_203, %dma_wait3A_204] : memref<20480x128xf32, #tpu.memory_space<hbm>> -> memref<20480x128xf32, #tpu.memory_space<hbm>>
        tpu.wait_indirect_dma semaphore(%arg16 : memref<!tpu.dma_semaphore, #tpu.memory_space<semaphore_mem>>) src(%dma_wait3A_205 : memref<20480x128xf32, #tpu.memory_space<hbm>>) dst(%arg10 : memref<128x128xf32, #tpu.memory_space<vmem>>)
        %dma_start3A_206 = arith.constant 1 : i32
        %dma_start3A_207 = arith.constant 3 : i32
        %dma_start3A_208 = arith.constant 0 : i32
        %dma_start3A_209 = tpu.memref_slice %arg7[%dma_start3A_206, %dma_start3A_207, %dma_start3A_208] : memref<2x8x128xi32, #tpu.memory_space<vmem>> -> memref<1x1x128xi32, #tpu.memory_space<vmem>>
        %dma_start3A_210 = tpu.memref_squeeze %dma_start3A_209 : memref<1x1x128xi32, #tpu.memory_space<vmem>> -> memref<128xi32, #tpu.memory_space<vmem>>
        %dma_start3A_211 = arith.constant 0 : i32
        %dma_start3A_212 = arith.constant 0 : i32
        %dma_start3A_213 = tpu.memref_slice %arg2[%dma_start3A_211, %dma_start3A_212] : memref<20480x128xf32, #tpu.memory_space<hbm>> -> memref<20480x128xf32, #tpu.memory_space<hbm>>
        tpu.enqueue_indirect_dma source(%dma_start3A_213 : memref<20480x128xf32, #tpu.memory_space<hbm>>) target(%arg10 : memref<128x128xf32, #tpu.memory_space<vmem>>) offsets(%dma_start3A_210 : memref<128xi32, #tpu.memory_space<vmem>>) semaphore(%arg16 : memref<!tpu.dma_semaphore, #tpu.memory_space<semaphore_mem>>)
        %dma_wait3A_214 = arith.constant 1 : i32
        %dma_wait3A_215 = arith.constant 2 : i32
        %dma_wait3A_216 = arith.constant 0 : i32
        %dma_wait3A_217 = tpu.memref_slice %arg7[%dma_wait3A_214, %dma_wait3A_215, %dma_wait3A_216] : memref<2x8x128xi32, #tpu.memory_space<vmem>> -> memref<1x1x128xi32, #tpu.memory_space<vmem>>
        %dma_wait3A_218 = tpu.memref_squeeze %dma_wait3A_217 : memref<1x1x128xi32, #tpu.memory_space<vmem>> -> memref<128xi32, #tpu.memory_space<vmem>>
        %dma_wait3A_219 = arith.constant 0 : i32
        %dma_wait3A_220 = arith.constant 0 : i32
        %dma_wait3A_221 = tpu.memref_slice %arg2[%dma_wait3A_219, %dma_wait3A_220] : memref<20480x128xf32, #tpu.memory_space<hbm>> -> memref<20480x128xf32, #tpu.memory_space<hbm>>
        tpu.wait_indirect_dma semaphore(%arg15 : memref<!tpu.dma_semaphore, #tpu.memory_space<semaphore_mem>>) src(%dma_wait3A_221 : memref<20480x128xf32, #tpu.memory_space<hbm>>) dst(%arg9 : memref<128x128xf32, #tpu.memory_space<vmem>>)
        %dma_start3A_222 = arith.constant 1 : i32
        %dma_start3A_223 = arith.constant 4 : i32
        %dma_start3A_224 = arith.constant 0 : i32
        %dma_start3A_225 = tpu.memref_slice %arg7[%dma_start3A_222, %dma_start3A_223, %dma_start3A_224] : memref<2x8x128xi32, #tpu.memory_space<vmem>> -> memref<1x1x128xi32, #tpu.memory_space<vmem>>
        %dma_start3A_226 = tpu.memref_squeeze %dma_start3A_225 : memref<1x1x128xi32, #tpu.memory_space<vmem>> -> memref<128xi32, #tpu.memory_space<vmem>>
        %dma_start3A_227 = arith.constant 0 : i32
        %dma_start3A_228 = arith.constant 0 : i32
        %dma_start3A_229 = tpu.memref_slice %arg2[%dma_start3A_227, %dma_start3A_228] : memref<20480x128xf32, #tpu.memory_space<hbm>> -> memref<20480x128xf32, #tpu.memory_space<hbm>>
        tpu.enqueue_indirect_dma source(%dma_start3A_229 : memref<20480x128xf32, #tpu.memory_space<hbm>>) target(%arg9 : memref<128x128xf32, #tpu.memory_space<vmem>>) offsets(%dma_start3A_226 : memref<128xi32, #tpu.memory_space<vmem>>) semaphore(%arg15 : memref<!tpu.dma_semaphore, #tpu.memory_space<semaphore_mem>>)
        %dma_wait3A_230 = arith.constant 1 : i32
        %dma_wait3A_231 = arith.constant 3 : i32
        %dma_wait3A_232 = arith.constant 0 : i32
        %dma_wait3A_233 = tpu.memref_slice %arg7[%dma_wait3A_230, %dma_wait3A_231, %dma_wait3A_232] : memref<2x8x128xi32, #tpu.memory_space<vmem>> -> memref<1x1x128xi32, #tpu.memory_space<vmem>>
        %dma_wait3A_234 = tpu.memref_squeeze %dma_wait3A_233 : memref<1x1x128xi32, #tpu.memory_space<vmem>> -> memref<128xi32, #tpu.memory_space<vmem>>
        %dma_wait3A_235 = arith.constant 0 : i32
        %dma_wait3A_236 = arith.constant 0 : i32
        %dma_wait3A_237 = tpu.memref_slice %arg2[%dma_wait3A_235, %dma_wait3A_236] : memref<20480x128xf32, #tpu.memory_space<hbm>> -> memref<20480x128xf32, #tpu.memory_space<hbm>>
        tpu.wait_indirect_dma semaphore(%arg16 : memref<!tpu.dma_semaphore, #tpu.memory_space<semaphore_mem>>) src(%dma_wait3A_237 : memref<20480x128xf32, #tpu.memory_space<hbm>>) dst(%arg10 : memref<128x128xf32, #tpu.memory_space<vmem>>)
        %dma_start3A_238 = arith.constant 1 : i32
        %dma_start3A_239 = arith.constant 5 : i32
        %dma_start3A_240 = arith.constant 0 : i32
        %dma_start3A_241 = tpu.memref_slice %arg7[%dma_start3A_238, %dma_start3A_239, %dma_start3A_240] : memref<2x8x128xi32, #tpu.memory_space<vmem>> -> memref<1x1x128xi32, #tpu.memory_space<vmem>>
        %dma_start3A_242 = tpu.memref_squeeze %dma_start3A_241 : memref<1x1x128xi32, #tpu.memory_space<vmem>> -> memref<128xi32, #tpu.memory_space<vmem>>
        %dma_start3A_243 = arith.constant 0 : i32
        %dma_start3A_244 = arith.constant 0 : i32
        %dma_start3A_245 = tpu.memref_slice %arg2[%dma_start3A_243, %dma_start3A_244] : memref<20480x128xf32, #tpu.memory_space<hbm>> -> memref<20480x128xf32, #tpu.memory_space<hbm>>
        tpu.enqueue_indirect_dma source(%dma_start3A_245 : memref<20480x128xf32, #tpu.memory_space<hbm>>) target(%arg10 : memref<128x128xf32, #tpu.memory_space<vmem>>) offsets(%dma_start3A_242 : memref<128xi32, #tpu.memory_space<vmem>>) semaphore(%arg16 : memref<!tpu.dma_semaphore, #tpu.memory_space<semaphore_mem>>)
        %dma_wait3A_246 = arith.constant 1 : i32
        %dma_wait3A_247 = arith.constant 4 : i32
        %dma_wait3A_248 = arith.constant 0 : i32
        %dma_wait3A_249 = tpu.memref_slice %arg7[%dma_wait3A_246, %dma_wait3A_247, %dma_wait3A_248] : memref<2x8x128xi32, #tpu.memory_space<vmem>> -> memref<1x1x128xi32, #tpu.memory_space<vmem>>
        %dma_wait3A_250 = tpu.memref_squeeze %dma_wait3A_249 : memref<1x1x128xi32, #tpu.memory_space<vmem>> -> memref<128xi32, #tpu.memory_space<vmem>>
        %dma_wait3A_251 = arith.constant 0 : i32
        %dma_wait3A_252 = arith.constant 0 : i32
        %dma_wait3A_253 = tpu.memref_slice %arg2[%dma_wait3A_251, %dma_wait3A_252] : memref<20480x128xf32, #tpu.memory_space<hbm>> -> memref<20480x128xf32, #tpu.memory_space<hbm>>
        tpu.wait_indirect_dma semaphore(%arg15 : memref<!tpu.dma_semaphore, #tpu.memory_space<semaphore_mem>>) src(%dma_wait3A_253 : memref<20480x128xf32, #tpu.memory_space<hbm>>) dst(%arg9 : memref<128x128xf32, #tpu.memory_space<vmem>>)
        %dma_start3A_254 = arith.constant 1 : i32
        %dma_start3A_255 = arith.constant 6 : i32
        %dma_start3A_256 = arith.constant 0 : i32
        %dma_start3A_257 = tpu.memref_slice %arg7[%dma_start3A_254, %dma_start3A_255, %dma_start3A_256] : memref<2x8x128xi32, #tpu.memory_space<vmem>> -> memref<1x1x128xi32, #tpu.memory_space<vmem>>
        %dma_start3A_258 = tpu.memref_squeeze %dma_start3A_257 : memref<1x1x128xi32, #tpu.memory_space<vmem>> -> memref<128xi32, #tpu.memory_space<vmem>>
        %dma_start3A_259 = arith.constant 0 : i32
        %dma_start3A_260 = arith.constant 0 : i32
        %dma_start3A_261 = tpu.memref_slice %arg2[%dma_start3A_259, %dma_start3A_260] : memref<20480x128xf32, #tpu.memory_space<hbm>> -> memref<20480x128xf32, #tpu.memory_space<hbm>>
        tpu.enqueue_indirect_dma source(%dma_start3A_261 : memref<20480x128xf32, #tpu.memory_space<hbm>>) target(%arg9 : memref<128x128xf32, #tpu.memory_space<vmem>>) offsets(%dma_start3A_258 : memref<128xi32, #tpu.memory_space<vmem>>) semaphore(%arg15 : memref<!tpu.dma_semaphore, #tpu.memory_space<semaphore_mem>>)
        %dma_wait3A_262 = arith.constant 1 : i32
        %dma_wait3A_263 = arith.constant 5 : i32
        %dma_wait3A_264 = arith.constant 0 : i32
        %dma_wait3A_265 = tpu.memref_slice %arg7[%dma_wait3A_262, %dma_wait3A_263, %dma_wait3A_264] : memref<2x8x128xi32, #tpu.memory_space<vmem>> -> memref<1x1x128xi32, #tpu.memory_space<vmem>>
        %dma_wait3A_266 = tpu.memref_squeeze %dma_wait3A_265 : memref<1x1x128xi32, #tpu.memory_space<vmem>> -> memref<128xi32, #tpu.memory_space<vmem>>
        %dma_wait3A_267 = arith.constant 0 : i32
        %dma_wait3A_268 = arith.constant 0 : i32
        %dma_wait3A_269 = tpu.memref_slice %arg2[%dma_wait3A_267, %dma_wait3A_268] : memref<20480x128xf32, #tpu.memory_space<hbm>> -> memref<20480x128xf32, #tpu.memory_space<hbm>>
        tpu.wait_indirect_dma semaphore(%arg16 : memref<!tpu.dma_semaphore, #tpu.memory_space<semaphore_mem>>) src(%dma_wait3A_269 : memref<20480x128xf32, #tpu.memory_space<hbm>>) dst(%arg10 : memref<128x128xf32, #tpu.memory_space<vmem>>)
        %dma_start3A_270 = arith.constant 1 : i32
        %dma_start3A_271 = arith.constant 7 : i32
        %dma_start3A_272 = arith.constant 0 : i32
        %dma_start3A_273 = tpu.memref_slice %arg7[%dma_start3A_270, %dma_start3A_271, %dma_start3A_272] : memref<2x8x128xi32, #tpu.memory_space<vmem>> -> memref<1x1x128xi32, #tpu.memory_space<vmem>>
        %dma_start3A_274 = tpu.memref_squeeze %dma_start3A_273 : memref<1x1x128xi32, #tpu.memory_space<vmem>> -> memref<128xi32, #tpu.memory_space<vmem>>
        %dma_start3A_275 = arith.constant 0 : i32
        %dma_start3A_276 = arith.constant 0 : i32
        %dma_start3A_277 = tpu.memref_slice %arg2[%dma_start3A_275, %dma_start3A_276] : memref<20480x128xf32, #tpu.memory_space<hbm>> -> memref<20480x128xf32, #tpu.memory_space<hbm>>
        tpu.enqueue_indirect_dma source(%dma_start3A_277 : memref<20480x128xf32, #tpu.memory_space<hbm>>) target(%arg10 : memref<128x128xf32, #tpu.memory_space<vmem>>) offsets(%dma_start3A_274 : memref<128xi32, #tpu.memory_space<vmem>>) semaphore(%arg16 : memref<!tpu.dma_semaphore, #tpu.memory_space<semaphore_mem>>)
        %dma_wait3A_278 = arith.constant 1 : i32
        %dma_wait3A_279 = arith.constant 6 : i32
        %dma_wait3A_280 = arith.constant 0 : i32
        %dma_wait3A_281 = tpu.memref_slice %arg7[%dma_wait3A_278, %dma_wait3A_279, %dma_wait3A_280] : memref<2x8x128xi32, #tpu.memory_space<vmem>> -> memref<1x1x128xi32, #tpu.memory_space<vmem>>
        %dma_wait3A_282 = tpu.memref_squeeze %dma_wait3A_281 : memref<1x1x128xi32, #tpu.memory_space<vmem>> -> memref<128xi32, #tpu.memory_space<vmem>>
        %dma_wait3A_283 = arith.constant 0 : i32
        %dma_wait3A_284 = arith.constant 0 : i32
        %dma_wait3A_285 = tpu.memref_slice %arg2[%dma_wait3A_283, %dma_wait3A_284] : memref<20480x128xf32, #tpu.memory_space<hbm>> -> memref<20480x128xf32, #tpu.memory_space<hbm>>
        tpu.wait_indirect_dma semaphore(%arg15 : memref<!tpu.dma_semaphore, #tpu.memory_space<semaphore_mem>>) src(%dma_wait3A_285 : memref<20480x128xf32, #tpu.memory_space<hbm>>) dst(%arg9 : memref<128x128xf32, #tpu.memory_space<vmem>>)
        %lt3A_286 = arith.constant 19 : i32
        %lt3A_287 = arith.cmpi slt, %scan3A_143, %lt3A_286 : i32
        %convert_element_type3A_288 = arith.extui %lt3A_287 : i1 to i32
        %cond3A_289 = arith.constant 0 : i32
        %cond3A_290 = arith.cmpi ne, %convert_element_type3A_288, %cond3A_289 : i32
        scf.if %cond3A_290 {
          %add3A_304 = arith.constant 1 : i32
          %add3A_305 = arith.addi %scan3A_143, %add3A_304 : i32
          %dma_wait3A_306 = arith.constant 0 : i32
          %dma_wait3A_307 = arith.constant 0 : i32
          %dma_wait3A_308 = arith.constant 0 : i32
          %dma_wait3A_309 = tpu.memref_slice %arg7[%dma_wait3A_306, %dma_wait3A_307, %dma_wait3A_308] : memref<2x8x128xi32, #tpu.memory_space<vmem>> -> memref<1x8x128xi32, #tpu.memory_space<vmem>>
          %dma_wait3A_310 = tpu.memref_squeeze %dma_wait3A_309 : memref<1x8x128xi32, #tpu.memory_space<vmem>> -> memref<8x128xi32, #tpu.memory_space<vmem>>
          %dma_wait3A_311 = arith.constant 0 : i32
          %dma_wait3A_312 = arith.constant 0 : i32
          %dma_wait3A_313 = tpu.memref_slice %arg4[%arg0, %arg1, %add3A_305, %dma_wait3A_311, %dma_wait3A_312] : memref<2x16x20x8x128xi32, #tpu.memory_space<hbm>> -> memref<1x1x1x8x128xi32, #tpu.memory_space<hbm>>
          %dma_wait3A_314 = tpu.memref_squeeze %dma_wait3A_313 : memref<1x1x1x8x128xi32, #tpu.memory_space<hbm>> -> memref<8x128xi32, #tpu.memory_space<hbm>>
          %dma_wait3A_315 = arith.constant 0 : i32
          %dma_wait3A_316 = arith.constant 0 : i32
          %dma_wait3A_317 = tpu.memref_slice %arg7[%dma_wait3A_306, %dma_wait3A_315, %dma_wait3A_316] : memref<2x8x128xi32, #tpu.memory_space<vmem>> -> memref<1x8x128xi32, #tpu.memory_space<vmem>>
          %dma_wait3A_318 = tpu.memref_squeeze %dma_wait3A_317 : memref<1x8x128xi32, #tpu.memory_space<vmem>> -> memref<8x128xi32, #tpu.memory_space<vmem>>
          %dma_wait3A_319 = arith.constant 0 : i32
          %dma_wait3A_320 = arith.constant 0 : i32
          %dma_wait3A_321 = tpu.memref_slice %arg4[%arg0, %arg1, %add3A_305, %dma_wait3A_319, %dma_wait3A_320] : memref<2x16x20x8x128xi32, #tpu.memory_space<hbm>> -> memref<1x1x1x8x128xi32, #tpu.memory_space<hbm>>
          %dma_wait3A_322 = tpu.memref_squeeze %dma_wait3A_321 : memref<1x1x1x8x128xi32, #tpu.memory_space<hbm>> -> memref<8x128xi32, #tpu.memory_space<hbm>>
          tpu.wait_dma2 semaphore(%arg19 : memref<!tpu.dma_semaphore, #tpu.memory_space<semaphore_mem>>) src(%dma_wait3A_322 : memref<8x128xi32, #tpu.memory_space<hbm>>) dst(%dma_wait3A_318 : memref<8x128xi32, #tpu.memory_space<vmem>>)
          %add3A_323 = arith.constant 1 : i32
          %add3A_324 = arith.addi %scan3A_143, %add3A_323 : i32
          %dma_wait3A_325 = arith.constant 0 : i32
          %dma_wait3A_326 = arith.constant 0 : i32
          %dma_wait3A_327 = arith.constant 0 : i32
          %dma_wait3A_328 = tpu.memref_slice %arg8[%dma_wait3A_325, %dma_wait3A_326, %dma_wait3A_327] : memref<2x8x128xi32, #tpu.memory_space<vmem>> -> memref<1x8x128xi32, #tpu.memory_space<vmem>>
          %dma_wait3A_329 = tpu.memref_squeeze %dma_wait3A_328 : memref<1x8x128xi32, #tpu.memory_space<vmem>> -> memref<8x128xi32, #tpu.memory_space<vmem>>
          %dma_wait3A_330 = arith.constant 0 : i32
          %dma_wait3A_331 = arith.constant 0 : i32
          %dma_wait3A_332 = tpu.memref_slice %arg5[%arg0, %arg1, %add3A_324, %dma_wait3A_330, %dma_wait3A_331] : memref<2x16x20x8x128xi32, #tpu.memory_space<hbm>> -> memref<1x1x1x8x128xi32, #tpu.memory_space<hbm>>
          %dma_wait3A_333 = tpu.memref_squeeze %dma_wait3A_332 : memref<1x1x1x8x128xi32, #tpu.memory_space<hbm>> -> memref<8x128xi32, #tpu.memory_space<hbm>>
          %dma_wait3A_334 = arith.constant 0 : i32
          %dma_wait3A_335 = arith.constant 0 : i32
          %dma_wait3A_336 = tpu.memref_slice %arg8[%dma_wait3A_325, %dma_wait3A_334, %dma_wait3A_335] : memref<2x8x128xi32, #tpu.memory_space<vmem>> -> memref<1x8x128xi32, #tpu.memory_space<vmem>>
          %dma_wait3A_337 = tpu.memref_squeeze %dma_wait3A_336 : memref<1x8x128xi32, #tpu.memory_space<vmem>> -> memref<8x128xi32, #tpu.memory_space<vmem>>
          %dma_wait3A_338 = arith.constant 0 : i32
          %dma_wait3A_339 = arith.constant 0 : i32
          %dma_wait3A_340 = tpu.memref_slice %arg5[%arg0, %arg1, %add3A_324, %dma_wait3A_338, %dma_wait3A_339] : memref<2x16x20x8x128xi32, #tpu.memory_space<hbm>> -> memref<1x1x1x8x128xi32, #tpu.memory_space<hbm>>
          %dma_wait3A_341 = tpu.memref_squeeze %dma_wait3A_340 : memref<1x1x1x8x128xi32, #tpu.memory_space<hbm>> -> memref<8x128xi32, #tpu.memory_space<hbm>>
          tpu.wait_dma2 semaphore(%arg19 : memref<!tpu.dma_semaphore, #tpu.memory_space<semaphore_mem>>) src(%dma_wait3A_341 : memref<8x128xi32, #tpu.memory_space<hbm>>) dst(%dma_wait3A_337 : memref<8x128xi32, #tpu.memory_space<vmem>>)
          %dma_start3A_342 = arith.constant 0 : i32
          %dma_start3A_343 = arith.constant 0 : i32
          %dma_start3A_344 = arith.constant 0 : i32
          %dma_start3A_345 = tpu.memref_slice %arg7[%dma_start3A_342, %dma_start3A_343, %dma_start3A_344] : memref<2x8x128xi32, #tpu.memory_space<vmem>> -> memref<1x1x128xi32, #tpu.memory_space<vmem>>
          %dma_start3A_346 = tpu.memref_squeeze %dma_start3A_345 : memref<1x1x128xi32, #tpu.memory_space<vmem>> -> memref<128xi32, #tpu.memory_space<vmem>>
          %dma_start3A_347 = arith.constant 0 : i32
          %dma_start3A_348 = arith.constant 0 : i32
          %dma_start3A_349 = tpu.memref_slice %arg2[%dma_start3A_347, %dma_start3A_348] : memref<20480x128xf32, #tpu.memory_space<hbm>> -> memref<20480x128xf32, #tpu.memory_space<hbm>>
          tpu.enqueue_indirect_dma source(%dma_start3A_349 : memref<20480x128xf32, #tpu.memory_space<hbm>>) target(%arg9 : memref<128x128xf32, #tpu.memory_space<vmem>>) offsets(%dma_start3A_346 : memref<128xi32, #tpu.memory_space<vmem>>) semaphore(%arg15 : memref<!tpu.dma_semaphore, #tpu.memory_space<semaphore_mem>>)
        } else {
        }
        %dma_wait3A_291 = arith.constant 1 : i32
        %dma_wait3A_292 = arith.constant 7 : i32
        %dma_wait3A_293 = arith.constant 0 : i32
        %dma_wait3A_294 = tpu.memref_slice %arg7[%dma_wait3A_291, %dma_wait3A_292, %dma_wait3A_293] : memref<2x8x128xi32, #tpu.memory_space<vmem>> -> memref<1x1x128xi32, #tpu.memory_space<vmem>>
        %dma_wait3A_295 = tpu.memref_squeeze %dma_wait3A_294 : memref<1x1x128xi32, #tpu.memory_space<vmem>> -> memref<128xi32, #tpu.memory_space<vmem>>
        %dma_wait3A_296 = arith.constant 0 : i32
        %dma_wait3A_297 = arith.constant 0 : i32
        %dma_wait3A_298 = tpu.memref_slice %arg2[%dma_wait3A_296, %dma_wait3A_297] : memref<20480x128xf32, #tpu.memory_space<hbm>> -> memref<20480x128xf32, #tpu.memory_space<hbm>>
        tpu.wait_indirect_dma semaphore(%arg16 : memref<!tpu.dma_semaphore, #tpu.memory_space<semaphore_mem>>) src(%dma_wait3A_298 : memref<20480x128xf32, #tpu.memory_space<hbm>>) dst(%arg10 : memref<128x128xf32, #tpu.memory_space<vmem>>)
        %lt3A_299 = arith.constant 19 : i32
        %lt3A_300 = arith.cmpi slt, %scan3A_143, %lt3A_299 : i32
        %convert_element_type3A_301 = arith.extui %lt3A_300 : i1 to i32
        %cond3A_302 = arith.constant 0 : i32
        %cond3A_303 = arith.cmpi ne, %convert_element_type3A_301, %cond3A_302 : i32
        scf.if %cond3A_303 {
          %dma_start3A_304 = arith.constant 0 : i32
          %dma_start3A_305 = arith.constant 1 : i32
          %dma_start3A_306 = arith.constant 0 : i32
          %dma_start3A_307 = tpu.memref_slice %arg7[%dma_start3A_304, %dma_start3A_305, %dma_start3A_306] : memref<2x8x128xi32, #tpu.memory_space<vmem>> -> memref<1x1x128xi32, #tpu.memory_space<vmem>>
          %dma_start3A_308 = tpu.memref_squeeze %dma_start3A_307 : memref<1x1x128xi32, #tpu.memory_space<vmem>> -> memref<128xi32, #tpu.memory_space<vmem>>
          %dma_start3A_309 = arith.constant 0 : i32
          %dma_start3A_310 = arith.constant 0 : i32
          %dma_start3A_311 = tpu.memref_slice %arg2[%dma_start3A_309, %dma_start3A_310] : memref<20480x128xf32, #tpu.memory_space<hbm>> -> memref<20480x128xf32, #tpu.memory_space<hbm>>
          tpu.enqueue_indirect_dma source(%dma_start3A_311 : memref<20480x128xf32, #tpu.memory_space<hbm>>) target(%arg10 : memref<128x128xf32, #tpu.memory_space<vmem>>) offsets(%dma_start3A_308 : memref<128xi32, #tpu.memory_space<vmem>>) semaphore(%arg16 : memref<!tpu.dma_semaphore, #tpu.memory_space<semaphore_mem>>)
        } else {
        }
      } else {
      }
    }
    %scan3A_139 = arith.constant 20 : i32
    %barrier3A_140 = arith.constant 0 : index
    tpu.barrier barrier_id(%barrier3A_140)
    %mul3A_141 = arith.constant 10240 : i32
    %mul3A_142 = arith.muli %arg0, %mul3A_141 : i32
    %add3A = arith.addi %mul3A_142, %mul3A_0 : i32
    "tpu.region"() ({
      %run_scoped3A = tpu.sem_alloc : memref<!tpu.dma_semaphore, #tpu.memory_space<semaphore_mem>>
      %dma_start3A_143 = arith.constant 0 : i32
      %dma_start3A_144 = tpu.memref_slice %arg6[%add3A, %dma_start3A_143] : memref<20480x128xf32, #tpu.memory_space<hbm>> -> memref<640x128xf32, #tpu.memory_space<hbm>>
      %dma_start3A_145 = arith.constant 0 : i32
      %dma_start3A_146 = tpu.memref_slice %arg13[%mul3A_0, %dma_start3A_145] : memref<10240x128xf32, #tpu.memory_space<vmem_shared>> -> memref<640x128xf32, #tpu.memory_space<vmem_shared>>
      tpu.enqueue_dma source(%dma_start3A_146 : memref<640x128xf32, #tpu.memory_space<vmem_shared>>) target(%dma_start3A_144 : memref<640x128xf32, #tpu.memory_space<hbm>>) target_semaphore(%run_scoped3A : memref<!tpu.dma_semaphore, #tpu.memory_space<semaphore_mem>>)
      %dma_wait3A_147 = arith.constant 0 : i32
      %dma_wait3A_148 = tpu.memref_slice %arg6[%add3A, %dma_wait3A_147] : memref<20480x128xf32, #tpu.memory_space<hbm>> -> memref<640x128xf32, #tpu.memory_space<hbm>>
      %dma_wait3A_149 = arith.constant 0 : i32
      %dma_wait3A_150 = tpu.memref_slice %arg13[%mul3A_0, %dma_wait3A_149] : memref<10240x128xf32, #tpu.memory_space<vmem_shared>> -> memref<640x128xf32, #tpu.memory_space<vmem_shared>>
      tpu.wait_dma2 semaphore(%run_scoped3A : memref<!tpu.dma_semaphore, #tpu.memory_space<semaphore_mem>>) src(%dma_wait3A_150 : memref<640x128xf32, #tpu.memory_space<vmem_shared>>) dst(%dma_wait3A_148 : memref<640x128xf32, #tpu.memory_space<hbm>>)
      tpu.yield
    }) : () -> ()
    return
  }
}

module attributes {stable_mosaic.version = 14 : i64} {
  func.func @body(%arg0: i32, %arg1: memref<1280x128xf32, #tpu.memory_space<vmem>>, %arg2: memref<1280x128xf32, #tpu.memory_space<vmem>>) attributes {dimension_semantics = [#tpu.dimension_semantics<arbitrary>], iteration_bounds = array<i64: 16>, scalar_prefetch = 0 : i64, scratch_operands = 0 : i64, tpu.core_type = #tpu.core_type<tc>, window_params = [{transform_indices = @transform_0, window_bounds = array<i64: 1280, 128>}, {transform_indices = @transform_1, window_bounds = array<i64: 1280, 128>}]} {
    %get3A = arith.constant 0 : index
    %get3A_0 = arith.constant 0 : index
    %get3A_1 = vector.load %arg1[%get3A, %get3A_0] : memref<1280x128xf32, #tpu.memory_space<vmem>>, vector<1280x128xf32>
    %mul3A = arith.mulf %get3A_1, %get3A_1 : vector<1280x128xf32>
    %reduce_sum3A = arith.constant dense<0.000000e+00> : vector<1280xf32>
    %reduce_sum3A_2 = vector.multi_reduction <add>, %mul3A, %reduce_sum3A [1] : vector<1280x128xf32> to vector<1280xf32>
    %broadcast_in_dim3A = vector.shape_cast %reduce_sum3A_2 : vector<1280xf32> to vector<1280x1xf32>
    %sqrt3A = math.sqrt %broadcast_in_dim3A : vector<1280x1xf32>
    %max3A = arith.constant 9.99999996E-13 : f32
    %max3A_3 = vector.broadcast %max3A : f32 to vector<1280x1xf32>
    %max3A_4 = arith.maximumf %sqrt3A, %max3A_3 : vector<1280x1xf32>
    %div3A = vector.broadcast %max3A_4 : vector<1280x1xf32> to vector<1280x128xf32>
    %div3A_5 = arith.divf %get3A_1, %div3A : vector<1280x128xf32>
    %swap3A = arith.constant 0 : index
    %swap3A_6 = arith.constant 0 : index
    %swap3A_7 = vector.load %arg2[%swap3A, %swap3A_6] : memref<1280x128xf32, #tpu.memory_space<vmem>>, vector<1280x128xf32>
    tpu.vector_store %arg2[%swap3A, %swap3A_6], %div3A_5 {strides = array<i32>} : memref<1280x128xf32, #tpu.memory_space<vmem>>, vector<1280x128xf32>,
    return
  }
  func.func @transform_0(%arg0: i32) -> (i32, i32) {
    %c0_i32 = arith.constant 0 : i32
    %c0_i32_0 = arith.constant 0 : i32
    return %arg0, %c0_i32 : i32, i32
  }
  func.func @transform_1(%arg0: i32) -> (i32, i32) {
    %c0_i32 = arith.constant 0 : i32
    %c0_i32_0 = arith.constant 0 : i32
    return %arg0, %c0_i32 : i32, i32
  }
}

module attributes {stable_mosaic.version = 14 : i64} {
  func.func @body(%arg0: i32, %arg1: memref<1280x128xf32, #tpu.memory_space<vmem>>, %arg2: memref<1280x1xf32, #tpu.memory_space<vmem>>, %arg3: memref<128x128xf32, #tpu.memory_space<vmem>>, %arg4: memref<1x128xf32, #tpu.memory_space<vmem>>, %arg5: memref<1280x128xf32, #tpu.memory_space<vmem>>) attributes {dimension_semantics = [#tpu.dimension_semantics<arbitrary>], iteration_bounds = array<i64: 16>, scalar_prefetch = 0 : i64, scratch_operands = 0 : i64, tpu.core_type = #tpu.core_type<tc>, window_params = [{transform_indices = @transform_0, window_bounds = array<i64: 1280, 128>}, {transform_indices = @transform_1, window_bounds = array<i64: 1280, 1>}, {pipeline_mode = #tpu.pipeline_mode<synchronous>, transform_indices = @transform_2, window_bounds = array<i64: 128, 128>}, {pipeline_mode = #tpu.pipeline_mode<synchronous>, transform_indices = @transform_3, window_bounds = array<i64: 1, 128>}, {transform_indices = @transform_4, window_bounds = array<i64: 1280, 128>}]} {
    %get3A = arith.constant 0 : index
    %get3A_0 = arith.constant 0 : index
    %get3A_1 = vector.load %arg2[%get3A, %get3A_0] : memref<1280x1xf32, #tpu.memory_space<vmem>>, vector<1280x1xf32>
    %max3A = arith.constant 1.000000e+00 : f32
    %max3A_2 = vector.broadcast %max3A : f32 to vector<1280x1xf32>
    %max3A_3 = arith.maximumf %get3A_1, %max3A_2 : vector<1280x1xf32>
    %div3A = arith.constant 1.000000e+00 : f32
    %div3A_4 = vector.broadcast %div3A : f32 to vector<1280x1xf32>
    %div3A_5 = arith.divf %div3A_4, %max3A_3 : vector<1280x1xf32>
    %get3A_6 = arith.constant 0 : index
    %get3A_7 = arith.constant 0 : index
    %get3A_8 = vector.load %arg1[%get3A_6, %get3A_7] : memref<1280x128xf32, #tpu.memory_space<vmem>>, vector<1280x128xf32>
    %mul3A = vector.broadcast %div3A_5 : vector<1280x1xf32> to vector<1280x128xf32>
    %mul3A_9 = arith.mulf %get3A_8, %mul3A : vector<1280x128xf32>
    %get3A_10 = arith.constant 0 : index
    %get3A_11 = arith.constant 0 : index
    %get3A_12 = vector.load %arg3[%get3A_10, %get3A_11] : memref<128x128xf32, #tpu.memory_space<vmem>>, vector<128x128xf32>
    %dot_general3A = arith.constant dense<0.000000e+00> : vector<1280x128xf32>
    %dot_general3A_13 = tpu.matmul %mul3A_9, %get3A_12, %dot_general3A {dimension_numbers = #tpu.dot_dimension_numbers<[1], [0], [0], [1], [0, 0, 1, 1], [], []>, transpose_lhs_hint = false} : vector<1280x128xf32>, vector<128x128xf32>, vector<1280x128xf32> -> vector<1280x128xf32>
    %get3A_14 = arith.constant 0 : index
    %get3A_15 = arith.constant 0 : index
    %get3A_16 = vector.load %arg4[%get3A_14, %get3A_15] : memref<1x128xf32, #tpu.memory_space<vmem>>, vector<1x128xf32>
    %add3A = vector.broadcast %get3A_16 : vector<1x128xf32> to vector<1280x128xf32>
    %add3A_17 = arith.addf %dot_general3A_13, %add3A : vector<1280x128xf32>
    %max3A_18 = arith.constant 0.000000e+00 : f32
    %max3A_19 = vector.broadcast %max3A_18 : f32 to vector<1280x128xf32>
    %max3A_20 = arith.maximumf %add3A_17, %max3A_19 : vector<1280x128xf32>
    %swap3A = arith.constant 0 : index
    %swap3A_21 = arith.constant 0 : index
    %swap3A_22 = vector.load %arg5[%swap3A, %swap3A_21] : memref<1280x128xf32, #tpu.memory_space<vmem>>, vector<1280x128xf32>
    tpu.vector_store %arg5[%swap3A, %swap3A_21], %max3A_20 {strides = array<i32>} : memref<1280x128xf32, #tpu.memory_space<vmem>>, vector<1280x128xf32>,
    return
  }
  func.func @transform_0(%arg0: i32) -> (i32, i32) {
    %c0_i32 = arith.constant 0 : i32
    %c0_i32_0 = arith.constant 0 : i32
    return %arg0, %c0_i32 : i32, i32
  }
  func.func @transform_1(%arg0: i32) -> (i32, i32) {
    %c0_i32 = arith.constant 0 : i32
    %c0_i32_0 = arith.constant 0 : i32
    return %arg0, %c0_i32 : i32, i32
  }
  func.func @transform_2(%arg0: i32) -> (i32, i32) {
    %c0_i32 = arith.constant 0 : i32
    %c0_i32_0 = arith.constant 0 : i32
    %c0_i32_1 = arith.constant 0 : i32
    return %c0_i32, %c0_i32_0 : i32, i32
  }
  func.func @transform_3(%arg0: i32) -> (i32, i32) {
    %c0_i32 = arith.constant 0 : i32
    %c0_i32_0 = arith.constant 0 : i32
    %c0_i32_1 = arith.constant 0 : i32
    return %c0_i32, %c0_i32_0 : i32, i32
  }
  func.func @transform_4(%arg0: i32) -> (i32, i32) {
    %c0_i32 = arith.constant 0 : i32
    %c0_i32_0 = arith.constant 0 : i32
    return %arg0, %c0_i32 : i32, i32
  }
}

</mosaic_0001>

<sc_bundles>
// kernel: kernel.10.cloned.1.call-start
scs
__scs_entry_jumppad:
0x0: {  	(pc) =	sbr.rel $0x88, $3  }
0x1: {  	(tag) =	ssettag $0x0;
	lr =	simm.s32 $0x1  }
0x2: {  	[smem:$0x3F9B] =	sst lr;
	_ =	strace $0xD0000000  }
0x3: {  	_ = 	snop  }
0x4: {  	_ = 	snop  }
0x5: {  	_ = 	snop  }
0x6: {  	_ = 	snop  }
0x7: {  	_ = 	snop  }
__scs_overlays_trampoline_lowered:
0x8: {  	[smem:$0x3FAA] =	sst s0  }
0x9: {  	[smem:$0x3FAB] =	sst s1  }
0xa: {  	[smem:$0x3FAC] =	sst s2  }
0xb: {  	[smem:$0x3FAD] =	sst s3  }
0xc: {  	[smem:$0x3FAE] =	sst s4  }
0xd: {  	[smem:$0x3FAF] =	sst s5  }
0xe: {  	[smem:$0x3FB0] =	sst s6  }
0xf: {  	[smem:$0x3FB1] =	sst s7  }
0x10: {  	[smem:$0x3FB2] =	sst s8  }
0x11: {  	[smem:$0x3FB3] =	sst s9;
	s0 =	simm.s32 @!p0 $0x0  }
0x12: {  	s1 =	sld [smem:$0x3F99];
	s0 =	simm.s32 @p0 $0x1  }
0x13: {  	[smem:$0x3FB4] =	sst s0;
	s0 =	simm.s32 @!p1 $0x0  }
0x14: {  	s2 =	sld [smem:$0x3F98];
	s0 =	simm.s32 @p1 $0x1  }
0x15: {  	[smem:$0x3FB5] =	sst s0;
	s0 =	simm.s32 @!p2 $0x0  }
0x16: {  	s3 =	sld [smem:$0x3FDB];
	s0 =	simm.s32 @p2 $0x1  }
0x17: {  	s4 =	simm.s32 $0x1BF5;
	[smem:$0x3FB7] =	sst s0  }
0x18: {  	s0 =	sld [smem:$0x3F9A];
	_ =	swait.ge [sflag:s4], $0x0  }
0x19: {  	s7 =	sld [smem:$0x3F9B]  }
0x1a: {  	s8 =	sadd.s32 $0xFFFFE003, lr  }
0x1b: {  	s9 =	sadd.s32 $0xFFFFFEF7, lr;
	s5 =	simm.s32 $0xFFFFFFFF;
	p2 =	slt.u32 s8, $0xFFFFF086  }
0x1c: {  	p1 =	slt.u32 s9, $0xF7A;
	s5 =	simm.s32 @!p2 $0x0  }
0x1d: {  	s5 =	simm.s32 @p1 $0x1;
	p0 =	seq.s32 s7, s2  }
0x1e: {  	s7 =	smul.u32 @!p0 $0xF7A, s2;
	p2 =	seq.s32 @!p0 s5, $0x0  }
0x1f: {  	s9 =	smul.u32 $0xF7A, s1;
	s8 =	simm.s32 @!p0 $0x1BF5;
	p2 =	por !p2, p0  }
0x20: {  	[sflag:s8] =	ssyncset.s32 @!p0 $0xFFFFF086;
	s6 =	sadd.s32 @!p0 s3, s7;
	s7 =	simm.s32 @!p0 $0x108  }
0x21: {  	s3 =	sadd.s32 s3, s9;
	s6 =	sadd.s32 @!p0 $0x88, s6;
	s7 =	simm.s32 @p2 $0x1082  }
0x22: {  	[simem:s7], [sflag:s8] =	dma.local @!p0 [hbm:s6], $0xF7A  }
0x23: {  	s9 =	sor.u32 $0xD0000000, s2;
	s6 =	simm.s32 $0x108;
	_ =	swait.ge @!p0 [sflag:s8], $0x0  }
0x24: {  	s3 =	sadd.s32 $0x88, s3;
	s6 =	simm.s32 @!p1 $0x1082;
	[sflag:s4] =	ssyncset.s32 $0xFFFFF086  }
0x25: {  	[simem:s6], [sflag:s4] =	dma.local [hbm:s3], $0xF7A  }
0x26: {  	[smem:$0x3F9B] =	sst s1;
	(tag) =	ssettag s2;
	_ =	strace s9  }
0x27: {  	s1 =	sld [smem:$0x3FAB]  }
0x28: {  	s2 =	sld [smem:$0x3FAC]  }
0x29: {  	s4 =	sld [smem:$0x3FAE]  }
0x2a: {  	p0 =	seq.s32 s5, $0x0;
	s5 =	sld [smem:$0x3FAF]  }
0x2b: {  	s6 =	sld [smem:$0x3FB0]  }
0x2c: {  	s7 =	sld [smem:$0x3FB1]  }
0x2d: {  	s3 =	simm.s32 $0x108;
	s8 =	sld [smem:$0x3FB2]  }
0x2e: {  	s3 =	simm.s32 @!p0 $0x1082;
	s9 =	sld [smem:$0x3FB3]  }
0x2f: {  	lr =	sadd.s32 s0, s3;
	s0 =	sld [smem:$0x3FAA]  }
0x30: {  	s3 =	sld [smem:$0x3FAD]  }
0x31: {  	[smem:$0x3FB6] =	sst s10  }
0x32: {  	s10 =	sld [smem:$0x3FB4];
	_ =	sdelay $0x3  }
0x33: {  	p0 =	seq.s32 s10, $0x1;
	s10 =	sld [smem:$0x3FB6];
	_ =	sdelay $0x3  }
0x34: {  	[smem:$0x3FB6] =	sst s10  }
0x35: {  	s10 =	sld [smem:$0x3FB5];
	_ =	sdelay $0x3  }
0x36: {  	p1 =	seq.s32 s10, $0x1;
	s10 =	sld [smem:$0x3FB6];
	_ =	sdelay $0x3  }
0x37: {  	[smem:$0x3FB6] =	sst s10  }
0x38: {  	s10 =	sld [smem:$0x3FB7]  }
0x39: {  	_ = 	snop;
	(pc) =	sbr.ind lr, $3  }
0x3a: {  	_ = 	snop  }
0x3b: {  	_ = 	snop  }
0x3c: {  	p2 =	seq.s32 s10, $0x1;
	s10 =	sld [smem:$0x3FB6]  }
0x3d: {  	_ =	shalt  }
0x3e: {  	_ =	shalt  }
0x3f: {  	_ =	shalt  }
0x40: {  	_ =	shalt  }
0x41: {  	_ =	shalt  }
0x42: {  	_ =	shalt  }
0x43: {  	_ =	shalt  }
0x44: {  	_ =	shalt  }
0x45: {  	_ =	shalt  }
0x46: {  	_ =	shalt  }
0x47: {  	_ =	shalt  }
0x48: {  	_ =	shalt  }
0x49: {  	_ =	shalt  }
0x4a: {  	_ =	shalt  }
0x4b: {  	_ =	shalt  }
0x4c: {  	_ =	shalt  }
0x4d: {  	_ =	shalt  }
0x4e: {  	_ =	shalt  }
0x4f: {  	_ =	shalt  }
0x50: {  	_ =	shalt  }
0x51: {  	_ =	shalt  }
0x52: {  	_ =	shalt  }
0x53: {  	_ =	shalt  }
0x54: {  	_ =	shalt  }
0x55: {  	_ =	shalt  }
0x56: {  	_ =	shalt  }
0x57: {  	_ =	shalt  }
0x58: {  	_ =	shalt  }
0x59: {  	_ =	shalt  }
0x5a: {  	_ =	shalt  }
0x5b: {  	_ =	shalt  }
0x5c: {  	_ =	shalt  }
0x5d: {  	_ =	shalt  }
0x5e: {  	_ =	shalt  }
0x5f: {  	_ =	shalt  }
0x60: {  	_ =	shalt  }
0x61: {  	_ =	shalt  }
0x62: {  	_ =	shalt  }
0x63: {  	_ =	shalt  }
0x64: {  	_ =	shalt  }
0x65: {  	_ =	shalt  }
0x66: {  	_ =	shalt  }
0x67: {  	_ =	shalt  }
0x68: {  	_ =	shalt  }
0x69: {  	_ =	shalt  }
0x6a: {  	_ =	shalt  }
0x6b: {  	_ =	shalt  }
0x6c: {  	_ =	shalt  }
0x6d: {  	_ =	shalt  }
0x6e: {  	_ =	shalt  }
0x6f: {  	_ =	shalt  }
0x70: {  	_ =	shalt  }
0x71: {  	_ =	shalt  }
0x72: {  	_ =	shalt  }
0x73: {  	_ =	shalt  }
0x74: {  	_ =	shalt  }
0x75: {  	_ =	shalt  }
0x76: {  	_ =	shalt  }
0x77: {  	_ =	shalt  }
0x78: {  	_ =	shalt  }
0x79: {  	_ =	shalt  }
0x7a: {  	_ =	shalt  }
0x7b: {  	_ =	shalt  }
0x7c: {  	_ =	shalt  }
0x7d: {  	_ =	shalt  }
0x7e: {  	_ =	shalt  }
0x7f: {  	_ =	shalt  }
0x80: {  	_ =	shalt  }
0x81: {  	_ =	shalt  }
0x82: {  	_ =	shalt  }
0x83: {  	_ =	shalt  }
0x84: {  	_ =	shalt  }
0x85: {  	_ =	shalt  }
0x86: {  	_ =	shalt  }
0x87: {  	_ =	shalt  }
.Lfunc_end0:
.L_simem_size_0:
called_computation.1_lowered:
.L_overlay_start_0:
0x88: {  	s2 =	sld [smem:$0x3FD9]  }
0x89: {  	s3 =	sld [smem:$0x3FFE];
	_ =	sdelay $0x1  }
0x8a: {  	s1 =	srdreg.scid  }
0x8b: {  	s0 =	sand.u32 $0x1, s1  }
0x8c: {  	s14 =	sshll.u32 s0, $0xA;
	s2 =	sadd.s32 s3, s2  }
0x8d: {  	s2 =	sadd.s32 s2, s14  }
0x8e: {  	[smem:$0x3FC2] =	sst s2  }
0x8f: {  	_ = 	snop  }
0x90: {  	s2 =	sld [smem:$0x3FD0];
	_ =	sdelay $0x2  }
0x91: {  	s15 =	simm.s32 $0xA;
	s4 =	simm.s32 $0x10  }
0x92: {  	[smem:s4], [sflag:s15] =	dma.local [hbm:s2], $0x1  }
0x93: {  	_ =	swait.eq [sflag:s15], $0x1  }
0x94: {  	[sflag:s15] =	ssyncset.done $0x0  }
0x95: {  	s16 =	sld [smem:$0x10];
	[sflag:s15] =	ssyncadd.s32 $0xFFFFFFFF  }
0x96: {  	s17 =	sld [smem:$0x11];
	(tm) =	ssettm $0x1  }
0x97: {  	s18 =	sld [smem:$0x3FFB];
	_ =	sdelay $0x3  }
0x98: {  	_ =	strace s18  }
0x99: {  	s4 =	sld [smem:$0x3FFC];
	_ =	sdelay $0x3  }
0x9a: {  	_ =	strace s4  }
0x9b: {  	s4 =	sld [smem:$0x3FFD];
	_ =	sdelay $0x3  }
0x9c: {  	_ =	strace s4  }
0x9d: {  	_ =	strace $0x8FFFFFFF  }
0x9e: {  	s19 =	sld [smem:$0x3FDB];
	_ =	sdelay $0x1  }
0x9f: {  	s5 =	simm.s32 $_scs_section_size  }
0xa0: {  	s6 =	simm.s32 $_size__tile_overlayer_lowered;
	s7 =	simm.s32 $_tile_overlayer_lowered  }
0xa1: {  	s22 =	simm.s32 $0x1BFF;
	s21 =	sshll.u32 s7, $0x1;
	s4 =	sadd.s32 s5, s19  }
0xa2: {  	s8 =	simm.s32 $0x0;
	s20 =	sshll.u32 s6, $0x1;
	s6 =	sadd.s32 s21, s4  }
0xa3: {  	[timem:s8], [sflag:s22] =	dma.local [hbm:s6], s20  }
0xa4: {  	_ =	swait.ge [sflag:s22], s20  }
0xa5: {  	s5 =	ssub.s32 $0x0, s20;
	[sflag:s22] =	ssyncset.done $0x0  }
0xa6: {  	[sflag:s22] =	ssyncadd.s32 s5;
	_ =	sdelay $0x1  }
0xa7: {  	s23 =	simm.s32 $0x1B8B  }
0xa8: {  	_ =	swait.ge [sflag:s23], $0x1  }
0xa9: {  	[sflag:s23] =	ssyncset.done $0x0  }
0xaa: {  	s25 =	simm.s32 $0x1B8E;
	s24 =	sld [smem:$0x3FFE];
	[sflag:s23] =	ssyncadd.s32 $0xFFFFFFFF  }
0xab: {  	s26 =	simm.s32 $execute0_lowered;
	[smem:$0x3FD2] =	sst s25  }
0xac: {  	s6 =	sshll.u32 s26, $0x1;
	_ =	strace $0x80000049;
	[dreg:$0x1] =	wrdreg $0xFFFFFFFF  }
0xad: {  	s28 =	simm.s32 $_size_execute0_lowered;
	s4 =	sadd.s32 s4, s6;
	[dreg:$0x0] =	wrdreg $0x0  }
0xae: {  	s6 =	sshll.u32 s28, $0x1;
	[dreg:$0x2] =	wrdreg s4  }
0xaf: {  	[dreg:$0x3] =	wrdreg s6  }
0xb0: {  	[dreg:$0x4] =	wrdreg $0xC0  }
0xb1: {  	_ =	task [dreg:s8], $0x5FFFF  }
0xb2: {  	[dreg:$0x1] =	wrdreg $0xFFFFFFFF  }
0xb3: {  	[dreg:$0x0] =	wrdreg $0x60  }
0xb4: {  	[dreg:$0x2] =	wrdreg s24  }
0xb5: {  	[dreg:$0x3] =	wrdreg s16  }
0xb6: {  	[dreg:$0x4] =	wrdreg s17  }
0xb7: {  	[dreg:$0x5] =	wrdreg $0x93000  }
0xb8: {  	[dreg:$0x6] =	wrdreg $0x9  }
0xb9: {  	_ =	task.clear_ibuf [dreg:s8], $0x7FFFF;
	_ =	strace $0x90000049  }
0xba: {  	s29 =	simm.s32 $0x9;
	_ =	strace $0x8000004B  }
0xbb: {  	_ =	swait.ge [sflag:s29], $0x1  }
0xbc: {  	[sflag:s29] =	ssyncadd.s32 $0xFFFFFFFF  }
0xbd: {  	_ =	strace $0x9000004B  }
0xbe: {  	_ =	sfence  }
0xbf: {  	s30 =	sld [smem:$0x0];
	_ =	sdelay $0x2  }
0xc0: {  	s31 =	sshll.u32 s1, $0xD;
	s1 =	sshrl.u32 s1, $0x2  }
0xc1: {  	s3 =	sand.u32 $0x4000, s31;
	s1 =	sadd.s32 s1, s30  }
0xc2: {  	s0 =	sor.u32 s3, s0;
	s1 =	sshll.u32 s1, $0x11  }
0xc3: {  	s0 =	sor.u32 s1, s0  }
0xc4: {  	s0 =	sadd.s32 $0x8F2B, s0  }
0xc5: {  	[sflag:s0] =	ssyncadd.remote.s32 $0x1  }
0xc6: {  	_ =	sfence.sel $0xFFFF  }
0xc7: {  	[dreg:$0x0] =	wrdreg $0xFFFFFFFF;
	(pc) =	sbr.abs _section_cstart, $3  }
0xc8: {  	[dreg:$0x1] =	wrdreg $0xFFFFFFFF  }
0xc9: {  	_ =	task.clear_ibuf [dreg:s8], $0x2FFFF;
	_ =	strace $0x9FFFFFFF  }
0xca: {  	(tm) =	ssettm $0x7FFFFFFF  }
0xcb: {  	_ =	shalt  }
tec
execute0_lowered:
.L_overlay_start_1:
0x0: {  	(tag) =	ssettag $0x1  }
0x1: {  	s0 =	rddreg [dreg:$0x0]  }
0x2: {  	s1 =	rddreg [dreg:$0x1]  }
0x3: {  	s4 =	rddreg [dreg:$0x2]  }
0x4: {  	s5 =	rddreg [dreg:$0x3]  }
0x5: {  	s2 =	simm.s32 $0x0;
	s13 =	stileid.u32;
	s3 =	srdreg.scid  }
0x6: {  	s15 =	simm.s32 $0x3;
	s16 =	simm.s32 $0x80;
	s17 =	simm.s32 $0x1000  }
0x7: {  	s18 =	simm.s32 $0x5000;
	s28 =	simm.s32 $0x780;
	s30 =	simm.s32 $0x400  }
0x8: {  	s31 =	simm.s32 $0xC00;
	s14 =	simm.s32 $0x200;
	s6 =	smul.u32 $0x2800, s13  }
0x9: {  	[smem:$0x7FF] =	sst s2;
	s7 =	sand.u32 $0x1, s3;
	s10 =	smul.u32 $0x50000, s13  }
0xa: {  	s3 =	sadd.s32 $0x7A800, s0;
	s12 =	smul.u32 $0x5000, s13;
	s22 =	sshll.u32 s13, $0x6  }
0xb: {  	_ =	strace $0x8000004A;
	s8 =	smul.u32 $0x28000, s7;
	s19 =	ssub.s32 $0x2, s7  }
0xc: {  	s7 =	smul.u32 $0x50000, s7;
	[dreg:$0x6] =	wrdreg s22;
	s9 =	sadd.s32 s6, s0  }
0xd: {  	s11 =	sshrl.u32 s19, $0x1;
	s10 =	sshrl.u32 s10, $0x2;
	s6 =	sadd.s32 s6, s8  }
0xe: {  	s20 =	ssub.s32 s19, s11;
	s5 =	sadd.s32 s10, s5;
	s21 =	sadd.s32 $0x52800, s9  }
0xf: {  	s7 =	sadd.s32 s12, s7;
	s8 =	sor.u32 $0x1C04, s22;
	[dreg:$0x5] =	wrdreg s21  }
0x10: {  	s22 =	simm.s32 $0x2;
	s0 =	sadd.s32 s6, s0;
	[dreg:$0x7] =	wrdreg s8  }
0x11: {  	s23 =	sshrl.u32 s7, $0x3;
	s7 =	sor.u32 $0x400, s7;
	s25 =	smax.u32 s20, $0x1  }
0x12: {  	s13 =	sshrl.u32 s5, $0x3;
	s20 =	simm.s32 $0x1;
	s21 =	simm.s32 $0x500  }
0x13: {  	s6 =	simm.s32 $0x300;
	s5 =	simm.s32 $0x0;
	s24 =	sadd.s32 s1, s23  }
0x14: {  	s8 =	sadd.s32 s4, s23;
	s7 =	sshrl.u32 s7, $0x3;
	[dreg:$0xb] =	wrdreg s25  }
0x15: {  	s0 =	sadd.s32 $0xCA800, s0;
	s23 =	simm.s32 $0x580;
	[dreg:$0x8] =	wrdreg s24  }
.Ltmp0:
0x16: {  	s25 =	simm.s32 $0x680;
	[dreg:$0x9] =	wrdreg s8;
	(pc) =	sbr.rel .LBB2_1-.Ltmp0, $4  }
0x17: {  	[dreg:$0xa] =	wrdreg s0;
	s26 =	sadd.s32 s7, s4;
	s29 =	sadd.s32 s7, s1  }
0x18: {  	s24 =	simm.s32 $0x600;
	s0 =	simm.s32 $0x100;
	s1 =	simm.s32 $0x180  }
0x19: {  	s4 =	simm.s32 $0x280;
	s7 =	simm.s32 $0x380;
	[dreg:$0xc] =	wrdreg s26  }
0x1a: {  	v0 =	vimm.f32 $1.000000000e+00;
	v1 =	vimm.f32 $0.0e+00;
	s8 =	simm.s32 $0x480;
	[dreg:$0xd] =	wrdreg s29;
	s26 =	simm.s32 $0x700  }
.LBB2_6:
0x1b: {  	[bflag:$0x0] =	sbarrier.arrive $0xFFFF  }
0x1c: {  	s9 =	rddreg [dreg:$0x6]  }
0x1d: {  	s19 =	simm.s32 $0x5;
	s10 =	rddreg [dreg:$0xa];
	s9 =	sor.u32 $0x1C05, s9  }
0x1e: {  	[hbm:s10], [sflag:s9] =	dma.local [spmem:s13], $0x2800  }
0x1f: {  	_ =	swait.ge [sflag:s19], $0x2800  }
0x20: {  	s5 =	sadd.s32 $0x1, s5;
	s29 =	rddreg [dreg:$0xb]  }
0x21: {  	p0 =	sne.s32 s5, s29  }
.Ltmp1:
0x22: {  	_ = 	snop;
	(pc) =	sbr.rel @!p0 .LBB2_7-.Ltmp1, $3  }
0x23: {  	_ =	sdelay $0x1  }
0x24: {  	[sflag:s19] =	ssyncset.done $0x0  }
0x25: {  	[sflag:s19] =	ssyncadd.s32 $0xFFFFD800  }
.LBB2_1:
0x26: {  	s9 =	rddreg [dreg:$0x5]  }
0x27: {  	s10 =	rddreg [dreg:$0x7]  }
0x28: {  	[spmem:s13], [sflag:s10] =	dma.local [hbm:s9], $0x2800  }
0x29: {  	s9 =	rddreg [dreg:$0x8]  }
0x2a: {  	[tilespmem:s2], [sflag:$0x3] =	stream.linear.gather [hbm4b:s9+s2], $0x400, $0x38;
	[tilespmem:$0x1D300] =	vst v63  }
0x2b: {  	s19 =	simm.s32 $0x800;
	s12 =	rddreg [dreg:$0x9]  }
0x2c: {  	[tilespmem:s19], [sflag:$0x3] =	stream.linear.gather [hbm4b:s12+s2], $0x400, $0x38;
	[tilespmem:$0x1D300] =	vst v63  }
0x2d: {  	[tilespmem:$0x9000] =	vst v0  }
0x2e: {  	[tilespmem:$0x9010] =	vst v0  }
0x2f: {  	[tilespmem:$0x9020] =	vst v0  }
0x30: {  	[tilespmem:$0x9030] =	vst v0  }
0x31: {  	[tilespmem:$0x9040] =	vst v0  }
0x32: {  	[tilespmem:$0x9050] =	vst v0  }
0x33: {  	[tilespmem:$0x9060] =	vst v0  }
0x34: {  	[tilespmem:$0x9070] =	vst v0  }
0x35: {  	[tilespmem:$0x9080] =	vst v1  }
0x36: {  	[tilespmem:$0x9090] =	vst v1  }
0x37: {  	[tilespmem:$0x90A0] =	vst v1  }
0x38: {  	[tilespmem:$0x90B0] =	vst v1  }
0x39: {  	[tilespmem:$0x90C0] =	vst v1  }
0x3a: {  	[tilespmem:$0x90D0] =	vst v1  }
0x3b: {  	[tilespmem:$0x90E0] =	vst v1  }
0x3c: {  	[tilespmem:$0x90F0] =	vst v1  }
0x3d: {  	[tilespmem:$0x9100] =	vst v1  }
0x3e: {  	[tilespmem:$0x9110] =	vst v1  }
0x3f: {  	[tilespmem:$0x9120] =	vst v1  }
0x40: {  	[tilespmem:$0x9130] =	vst v1  }
0x41: {  	[tilespmem:$0x9140] =	vst v1  }
0x42: {  	[tilespmem:$0x9150] =	vst v1  }
0x43: {  	[tilespmem:$0x9160] =	vst v1  }
0x44: {  	[tilespmem:$0x9170] =	vst v1  }
0x45: {  	[tilespmem:$0x9180] =	vst v1  }
0x46: {  	[tilespmem:$0x9190] =	vst v1  }
0x47: {  	[tilespmem:$0x91A0] =	vst v1  }
0x48: {  	[tilespmem:$0x91B0] =	vst v1  }
0x49: {  	[tilespmem:$0x91C0] =	vst v1  }
0x4a: {  	[tilespmem:$0x91D0] =	vst v1  }
0x4b: {  	[tilespmem:$0x91E0] =	vst v1  }
0x4c: {  	[tilespmem:$0x91F0] =	vst v1  }
0x4d: {  	[tilespmem:$0x9200] =	vst v1  }
0x4e: {  	[tilespmem:$0x9210] =	vst v1  }
0x4f: {  	[tilespmem:$0x9220] =	vst v1  }
0x50: {  	[tilespmem:$0x9230] =	vst v1  }
0x51: {  	[tilespmem:$0x9240] =	vst v1  }
0x52: {  	[tilespmem:$0x9250] =	vst v1  }
0x53: {  	[tilespmem:$0x9260] =	vst v1  }
0x54: {  	[tilespmem:$0x9270] =	vst v1  }
0x55: {  	[tilespmem:$0x9280] =	vst v1  }
0x56: {  	[tilespmem:$0x9290] =	vst v1  }
0x57: {  	[tilespmem:$0x92A0] =	vst v1  }
0x58: {  	[tilespmem:$0x92B0] =	vst v1  }
0x59: {  	[tilespmem:$0x92C0] =	vst v1  }
0x5a: {  	[tilespmem:$0x92D0] =	vst v1  }
0x5b: {  	[tilespmem:$0x92E0] =	vst v1  }
0x5c: {  	[tilespmem:$0x92F0] =	vst v1  }
0x5d: {  	_ =	swait.ge [sflag:s15], $0x400  }
0x5e: {  	[sflag:s15] =	ssyncset.done $0x0  }
0x5f: {  	[sflag:s15] =	ssyncadd.s32 $0xFFFFFC00  }
0x60: {  	_ =	swait.ge [sflag:s15], $0x400  }
0x61: {  	[sflag:s15] =	ssyncset.done $0x0  }
0x62: {  	[sflag:s15] =	ssyncadd.s32 $0xFFFFFC00  }
0x63: {  	[tilespmem:s17], [sflag:$0x1] =	stream.indirect.gather [hbm4b:s3+s16], $0x80, s2, s16, $0xb8;
	[tilespmem:$0x1D300] =	vst v63  }
0x64: {  	s29 =	simm.s32 $0x4  }
0x65: {  	[tilespmem:s18], [sflag:$0x2] =	stream.indirect.gather [hbm4b:s3+s16], $0x80, s16, s16, $0xb8;
	[tilespmem:$0x1D300] =	vst v63  }
0x66: {  	_ =	swait.ge [sflag:s29], $0x2800  }
.Ltmp2:
0x67: {  	[sflag:s29] =	ssyncset.done $0x0;
	(pc) =	sbr.rel .LBB2_2-.Ltmp2, $4  }
0x68: {  	[sflag:s29] =	ssyncadd.s32 $0xFFFFD800  }
0x69: {  	[bflag:$0x0] =	sbarrier.arrive $0xFFFF  }
0x6a: {  	s12 =	rddreg [dreg:$0xd]  }
0x6b: {  	s10 =	simm.s32 $0x0;
	s11 =	rddreg [dreg:$0xc]  }
.LBB2_4:
0x6c: {  	p0 =	seq.s32 s10, $0x13  }
0x6d: {  	s9 =	simm.s32 @!p0 $0x0  }
0x6e: {  	[tilespmem:s9], [sflag:$0x3] =	stream.linear.gather @!p0 [hbm4b:s12+s9], $0x400, $0x38;
	[tilespmem:$0x1D300] =	vst v63  }
0x6f: {  	s19 =	simm.s32 @!p0 $0x800  }
0x70: {  	[tilespmem:s19], [sflag:$0x3] =	stream.linear.gather @!p0 [hbm4b:s11+s9], $0x400, $0x38;
	[tilespmem:$0x1D300] =	vst v63  }
0x71: {  	_ =	swait.ge [sflag:s20], $0x4000  }
0x72: {  	[sflag:s20] =	ssyncset.done $0x0  }
0x73: {  	[sflag:s20] =	ssyncadd.s32 $0xFFFFC000  }
0x74: {  	[tilespmem:s17], [sflag:$0x1] =	stream.indirect.gather [hbm4b:s3+s16], $0x80, s21, s16, $0xb8;
	[tilespmem:$0x1D300] =	vst v63  }
0x75: {  	_ =	swait.ge [sflag:s22], $0x4000  }
0x76: {  	[sflag:s22] =	ssyncset.done $0x0  }
0x77: {  	[sflag:s22] =	ssyncadd.s32 $0xFFFFC000  }
0x78: {  	[tilespmem:s18], [sflag:$0x2] =	stream.indirect.gather [hbm4b:s3+s16], $0x80, s23, s16, $0xb8;
	[tilespmem:$0x1D300] =	vst v63  }
0x79: {  	_ =	swait.ge [sflag:s20], $0x4000  }
0x7a: {  	[sflag:s20] =	ssyncset.done $0x0  }
0x7b: {  	[sflag:s20] =	ssyncadd.s32 $0xFFFFC000  }
0x7c: {  	[tilespmem:s17], [sflag:$0x1] =	stream.indirect.gather [hbm4b:s3+s16], $0x80, s24, s16, $0xb8;
	[tilespmem:$0x1D300] =	vst v63  }
0x7d: {  	_ =	swait.ge [sflag:s22], $0x4000  }
0x7e: {  	[sflag:s22] =	ssyncset.done $0x0  }
0x7f: {  	[sflag:s22] =	ssyncadd.s32 $0xFFFFC000  }
0x80: {  	[tilespmem:s18], [sflag:$0x2] =	stream.indirect.gather [hbm4b:s3+s16], $0x80, s25, s16, $0xb8;
	[tilespmem:$0x1D300] =	vst v63  }
0x81: {  	_ =	swait.ge [sflag:s20], $0x4000  }
0x82: {  	[sflag:s20] =	ssyncset.done $0x0  }
0x83: {  	[sflag:s20] =	ssyncadd.s32 $0xFFFFC000  }
0x84: {  	[tilespmem:s17], [sflag:$0x1] =	stream.indirect.gather [hbm4b:s3+s16], $0x80, s26, s16, $0xb8;
	[tilespmem:$0x1D300] =	vst v63  }
0x85: {  	_ =	swait.ge [sflag:s22], $0x4000  }
0x86: {  	[sflag:s22] =	ssyncset.done $0x0  }
0x87: {  	[sflag:s22] =	ssyncadd.s32 $0xFFFFC000  }
0x88: {  	[tilespmem:s18], [sflag:$0x2] =	stream.indirect.gather [hbm4b:s3+s16], $0x80, s28, s16, $0xb8;
	[tilespmem:$0x1D300] =	vst v63  }
0x89: {  	_ =	swait.ge [sflag:s20], $0x4000  }
0x8a: {  	[sflag:s20] =	ssyncset.done $0x0  }
0x8b: {  	s19 =	simm.s32 @p0 $0x2;
	[sflag:s20] =	ssyncadd.s32 $0xFFFFC000  }
0x8c: {  	_ =	swait.ge @p0 [sflag:s19], $0x4000  }
0x8d: {  	[sflag:s19] =	ssyncset.done @p0 $0x0  }
0x8e: {  	[sflag:s19] =	ssyncadd.s32 @p0 $0xFFFFC000;
	s19 =	simm.s32 @!p0 $0x3  }
0x8f: {  	_ =	swait.ge @!p0 [sflag:s19], $0x400  }
0x90: {  	[sflag:s19] =	ssyncset.done @!p0 $0x0  }
0x91: {  	[sflag:s19] =	ssyncadd.s32 @!p0 $0xFFFFFC00  }
0x92: {  	_ =	swait.ge @!p0 [sflag:s19], $0x400  }
0x93: {  	[sflag:s19] =	ssyncset.done @!p0 $0x0  }
0x94: {  	s29 =	simm.s32 @!p0 $0x1000;
	[sflag:s19] =	ssyncadd.s32 @!p0 $0xFFFFFC00;
	s19 =	simm.s32 @!p0 $0x80  }
0x95: {  	[tilespmem:s29], [sflag:$0x1] =	stream.indirect.gather @!p0 [hbm4b:s3+s19], $0x80, s9, s19, $0xb8;
	[tilespmem:$0x1D300] =	vst v63  }
0x96: {  	s9 =	simm.s32 @!p0 $0x2  }
0x97: {  	_ =	swait.ge @!p0 [sflag:s9], $0x4000  }
0x98: {  	[sflag:s9] =	ssyncset.done @!p0 $0x0  }
0x99: {  	[sflag:s9] =	ssyncadd.s32 @!p0 $0xFFFFC000;
	s9 =	simm.s32 @!p0 $0x5000  }
0x9a: {  	[tilespmem:s9], [sflag:$0x2] =	stream.indirect.gather @!p0 [hbm4b:s3+s19], $0x80, s19, s19, $0xb8;
	[tilespmem:$0x1D300] =	vst v63  }
.LBB2_5:
0x9b: {  	s10 =	sadd.s32 $0x1, s10  }
0x9c: {  	p0 =	sne.s32 s10, $0x14  }
.Ltmp3:
0x9d: {  	_ = 	snop;
	(pc) =	sbr.rel @!p0 .LBB2_6-.Ltmp3, $2  }
0x9e: {  	_ =	sdelay $0x2  }
0x9f: {  	s11 =	sadd.s32 $0x80, s11;
	s12 =	sadd.s32 $0x80, s12  }
.LBB2_2:
0xa0: {  	s9 =	sand.u32 $0x1, s10  }
0xa1: {  	p0 =	seq.s32 s9, $0x1  }
.Ltmp4:
0xa2: {  	_ = 	snop;
	(pc) =	sbr.rel @p0 .LBB2_4-.Ltmp4, $1  }
0xa3: {  	_ =	sdelay $0x3  }
0xa4: {  	[tilespmem:s30], [sflag:$0x3] =	stream.linear.gather [hbm4b:s12+s2], $0x400, $0x38;
	[tilespmem:$0x1D300] =	vst v63  }
0xa5: {  	_ = 	snop  }
0xa6: {  	[tilespmem:s31], [sflag:$0x3] =	stream.linear.gather [hbm4b:s11+s2], $0x400, $0x38;
	[tilespmem:$0x1D300] =	vst v63  }
0xa7: {  	_ =	swait.ge [sflag:s20], $0x4000  }
0xa8: {  	[sflag:s20] =	ssyncset.done $0x0  }
0xa9: {  	[sflag:s20] =	ssyncadd.s32 $0xFFFFC000  }
0xaa: {  	[tilespmem:s17], [sflag:$0x1] =	stream.indirect.gather [hbm4b:s3+s16], $0x80, s0, s16, $0xb8;
	[tilespmem:$0x1D300] =	vst v63  }
0xab: {  	_ =	swait.ge [sflag:s22], $0x4000  }
0xac: {  	[sflag:s22] =	ssyncset.done $0x0  }
0xad: {  	[sflag:s22] =	ssyncadd.s32 $0xFFFFC000  }
0xae: {  	[tilespmem:s18], [sflag:$0x2] =	stream.indirect.gather [hbm4b:s3+s16], $0x80, s1, s16, $0xb8;
	[tilespmem:$0x1D300] =	vst v63  }
0xaf: {  	_ =	swait.ge [sflag:s20], $0x4000  }
0xb0: {  	[sflag:s20] =	ssyncset.done $0x0  }
0xb1: {  	[sflag:s20] =	ssyncadd.s32 $0xFFFFC000  }
0xb2: {  	[tilespmem:s17], [sflag:$0x1] =	stream.indirect.gather [hbm4b:s3+s16], $0x80, s14, s16, $0xb8;
	[tilespmem:$0x1D300] =	vst v63  }
0xb3: {  	_ =	swait.ge [sflag:s22], $0x4000  }
0xb4: {  	[sflag:s22] =	ssyncset.done $0x0  }
0xb5: {  	[sflag:s22] =	ssyncadd.s32 $0xFFFFC000  }
0xb6: {  	[tilespmem:s18], [sflag:$0x2] =	stream.indirect.gather [hbm4b:s3+s16], $0x80, s4, s16, $0xb8;
	[tilespmem:$0x1D300] =	vst v63  }
0xb7: {  	_ =	swait.ge [sflag:s20], $0x4000  }
0xb8: {  	[sflag:s20] =	ssyncset.done $0x0  }
0xb9: {  	[sflag:s20] =	ssyncadd.s32 $0xFFFFC000  }
0xba: {  	[tilespmem:s17], [sflag:$0x1] =	stream.indirect.gather [hbm4b:s3+s16], $0x80, s6, s16, $0xb8;
	[tilespmem:$0x1D300] =	vst v63  }
0xbb: {  	_ =	swait.ge [sflag:s22], $0x4000  }
0xbc: {  	[sflag:s22] =	ssyncset.done $0x0  }
0xbd: {  	[sflag:s22] =	ssyncadd.s32 $0xFFFFC000  }
0xbe: {  	[tilespmem:s18], [sflag:$0x2] =	stream.indirect.gather [hbm4b:s3+s16], $0x80, s7, s16, $0xb8;
	[tilespmem:$0x1D300] =	vst v63  }
0xbf: {  	_ =	swait.ge [sflag:s20], $0x4000  }
0xc0: {  	[sflag:s20] =	ssyncset.done $0x0  }
0xc1: {  	[sflag:s20] =	ssyncadd.s32 $0xFFFFC000  }
0xc2: {  	_ =	swait.ge [sflag:s15], $0x400  }
0xc3: {  	[sflag:s15] =	ssyncset.done $0x0  }
0xc4: {  	[sflag:s15] =	ssyncadd.s32 $0xFFFFFC00  }
0xc5: {  	_ =	swait.ge [sflag:s15], $0x400  }
0xc6: {  	[sflag:s15] =	ssyncset.done $0x0  }
0xc7: {  	[sflag:s15] =	ssyncadd.s32 $0xFFFFFC00  }
0xc8: {  	[tilespmem:s17], [sflag:$0x1] =	stream.indirect.gather [hbm4b:s3+s16], $0x80, s30, s16, $0xb8;
	[tilespmem:$0x1D300] =	vst v63  }
.Ltmp5:
0xc9: {  	_ = 	snop;
	(pc) =	sbr.rel .LBB2_5-.Ltmp5, $4  }
0xca: {  	_ =	swait.ge [sflag:s22], $0x4000  }
0xcb: {  	[sflag:s22] =	ssyncset.done $0x0  }
0xcc: {  	[sflag:s22] =	ssyncadd.s32 $0xFFFFC000  }
0xcd: {  	[tilespmem:s18], [sflag:$0x2] =	stream.indirect.gather [hbm4b:s3+s16], $0x80, s8, s16, $0xb8;
	[tilespmem:$0x1D300] =	vst v63  }
.LBB2_7:
0xce: {  	_ =	sfence.sel $0x180000  }
0xcf: {  	[bflag:$0x0] =	sbarrier.arrive $0xFFFF  }
0xd0: {  	_ =	strace $0x9000004A  }
0xd1: {  	s0 =	stileid.u32;
	[bflag:$0x2] =	sbarrier.arrive $0xFFFF  }
0xd2: {  	p0 =	sne.s32 s0, $0x0;
	s0 =	rddreg [dreg:$0x4]  }
0xd3: {  	s0 =	sadd.s32 @!p0 $0x100000, s0  }
0xd4: {  	[sflag:s0] =	ssyncadd.tile.s32 @!p0 $0x1;
	_ =	shalt  }
.Lfunc_end2:
_tile_overlayer_lowered:
.L_overlay_start_2:
0xd5: {  	(tag) =	ssettag $0x2  }
0xd6: {  	s0 =	rddreg [dreg:$0x0];
	s2 =	stileid.u32  }
0xd7: {  	s1 =	rddreg [dreg:$0x1];
	p0 =	sne.s32 s2, $0x0  }
0xd8: {  	s3 =	rddreg [dreg:$0x2];
	[bflag:$0x3] =	sbarrier.arrive $0xFFFF;
	s2 =	simm.s32 @!p0 $0x1C05  }
0xd9: {  	[timem:s3], [sflag:s2] =	dma.local @!p0 [hbm:s0], s1  }
0xda: {  	s0 =	simm.s32 @!p0 $0x5  }
0xdb: {  	_ =	swait.ge @!p0 [sflag:s0], s1  }
0xdc: {  	s1 =	ssub.s32 @!p0 $0x0, s1;
	[sflag:s0] =	ssyncset.done @!p0 $0x0  }
0xdd: {  	[sflag:s0] =	ssyncadd.s32 @!p0 s1  }
0xde: {  	[bflag:$0x3] =	sbarrier.arrive $0xFFFF  }
0xdf: {  	_ =	shalt  }

// kernel: kernel.7.cloned.1.call-start
scs
__scs_entry_jumppad:
0x0: {  	(pc) =	sbr.rel $0x88, $3  }
0x1: {  	(tag) =	ssettag $0x0;
	lr =	simm.s32 $0x1  }
0x2: {  	[smem:$0x3F9B] =	sst lr;
	_ =	strace $0xD0000000  }
0x3: {  	_ = 	snop  }
0x4: {  	_ = 	snop  }
0x5: {  	_ = 	snop  }
0x6: {  	_ = 	snop  }
0x7: {  	_ = 	snop  }
__scs_overlays_trampoline_lowered:
0x8: {  	[smem:$0x3FAA] =	sst s0  }
0x9: {  	[smem:$0x3FAB] =	sst s1  }
0xa: {  	[smem:$0x3FAC] =	sst s2  }
0xb: {  	[smem:$0x3FAD] =	sst s3  }
0xc: {  	[smem:$0x3FAE] =	sst s4  }
0xd: {  	[smem:$0x3FAF] =	sst s5  }
0xe: {  	[smem:$0x3FB0] =	sst s6  }
0xf: {  	[smem:$0x3FB1] =	sst s7  }
0x10: {  	[smem:$0x3FB2] =	sst s8  }
0x11: {  	[smem:$0x3FB3] =	sst s9;
	s0 =	simm.s32 @!p0 $0x0  }
0x12: {  	s1 =	sld [smem:$0x3F99];
	s0 =	simm.s32 @p0 $0x1  }
0x13: {  	[smem:$0x3FB4] =	sst s0;
	s0 =	simm.s32 @!p1 $0x0  }
0x14: {  	s2 =	sld [smem:$0x3F98];
	s0 =	simm.s32 @p1 $0x1  }
0x15: {  	[smem:$0x3FB5] =	sst s0;
	s0 =	simm.s32 @!p2 $0x0  }
0x16: {  	s3 =	sld [smem:$0x3FDB];
	s0 =	simm.s32 @p2 $0x1  }
0x17: {  	s4 =	simm.s32 $0x1BF5;
	[smem:$0x3FB7] =	sst s0  }
0x18: {  	s0 =	sld [smem:$0x3F9A];
	_ =	swait.ge [sflag:s4], $0x0  }
0x19: {  	s7 =	sld [smem:$0x3F9B]  }
0x1a: {  	s8 =	sadd.s32 $0xFFFFE003, lr  }
0x1b: {  	s9 =	sadd.s32 $0xFFFFFEF7, lr;
	s5 =	simm.s32 $0xFFFFFFFF;
	p2 =	slt.u32 s8, $0xFFFFF086  }
0x1c: {  	p1 =	slt.u32 s9, $0xF7A;
	s5 =	simm.s32 @!p2 $0x0  }
0x1d: {  	s5 =	simm.s32 @p1 $0x1;
	p0 =	seq.s32 s7, s2  }
0x1e: {  	s7 =	smul.u32 @!p0 $0xF7A, s2;
	p2 =	seq.s32 @!p0 s5, $0x0  }
0x1f: {  	s9 =	smul.u32 $0xF7A, s1;
	s8 =	simm.s32 @!p0 $0x1BF5;
	p2 =	por !p2, p0  }
0x20: {  	[sflag:s8] =	ssyncset.s32 @!p0 $0xFFFFF086;
	s6 =	sadd.s32 @!p0 s3, s7;
	s7 =	simm.s32 @!p0 $0x108  }
0x21: {  	s3 =	sadd.s32 s3, s9;
	s6 =	sadd.s32 @!p0 $0x88, s6;
	s7 =	simm.s32 @p2 $0x1082  }
0x22: {  	[simem:s7], [sflag:s8] =	dma.local @!p0 [hbm:s6], $0xF7A  }
0x23: {  	s9 =	sor.u32 $0xD0000000, s2;
	s6 =	simm.s32 $0x108;
	_ =	swait.ge @!p0 [sflag:s8], $0x0  }
0x24: {  	s3 =	sadd.s32 $0x88, s3;
	s6 =	simm.s32 @!p1 $0x1082;
	[sflag:s4] =	ssyncset.s32 $0xFFFFF086  }
0x25: {  	[simem:s6], [sflag:s4] =	dma.local [hbm:s3], $0xF7A  }
0x26: {  	[smem:$0x3F9B] =	sst s1;
	(tag) =	ssettag s2;
	_ =	strace s9  }
0x27: {  	s1 =	sld [smem:$0x3FAB]  }
0x28: {  	s2 =	sld [smem:$0x3FAC]  }
0x29: {  	s4 =	sld [smem:$0x3FAE]  }
0x2a: {  	p0 =	seq.s32 s5, $0x0;
	s5 =	sld [smem:$0x3FAF]  }
0x2b: {  	s6 =	sld [smem:$0x3FB0]  }
0x2c: {  	s7 =	sld [smem:$0x3FB1]  }
0x2d: {  	s3 =	simm.s32 $0x108;
	s8 =	sld [smem:$0x3FB2]  }
0x2e: {  	s3 =	simm.s32 @!p0 $0x1082;
	s9 =	sld [smem:$0x3FB3]  }
0x2f: {  	lr =	sadd.s32 s0, s3;
	s0 =	sld [smem:$0x3FAA]  }
0x30: {  	s3 =	sld [smem:$0x3FAD]  }
0x31: {  	[smem:$0x3FB6] =	sst s10  }
0x32: {  	s10 =	sld [smem:$0x3FB4];
	_ =	sdelay $0x3  }
0x33: {  	p0 =	seq.s32 s10, $0x1;
	s10 =	sld [smem:$0x3FB6];
	_ =	sdelay $0x3  }
0x34: {  	[smem:$0x3FB6] =	sst s10  }
0x35: {  	s10 =	sld [smem:$0x3FB5];
	_ =	sdelay $0x3  }
0x36: {  	p1 =	seq.s32 s10, $0x1;
	s10 =	sld [smem:$0x3FB6];
	_ =	sdelay $0x3  }
0x37: {  	[smem:$0x3FB6] =	sst s10  }
0x38: {  	s10 =	sld [smem:$0x3FB7]  }
0x39: {  	_ = 	snop;
	(pc) =	sbr.ind lr, $3  }
0x3a: {  	_ = 	snop  }
0x3b: {  	_ = 	snop  }
0x3c: {  	p2 =	seq.s32 s10, $0x1;
	s10 =	sld [smem:$0x3FB6]  }
0x3d: {  	_ =	shalt  }
0x3e: {  	_ =	shalt  }
0x3f: {  	_ =	shalt  }
0x40: {  	_ =	shalt  }
0x41: {  	_ =	shalt  }
0x42: {  	_ =	shalt  }
0x43: {  	_ =	shalt  }
0x44: {  	_ =	shalt  }
0x45: {  	_ =	shalt  }
0x46: {  	_ =	shalt  }
0x47: {  	_ =	shalt  }
0x48: {  	_ =	shalt  }
0x49: {  	_ =	shalt  }
0x4a: {  	_ =	shalt  }
0x4b: {  	_ =	shalt  }
0x4c: {  	_ =	shalt  }
0x4d: {  	_ =	shalt  }
0x4e: {  	_ =	shalt  }
0x4f: {  	_ =	shalt  }
0x50: {  	_ =	shalt  }
0x51: {  	_ =	shalt  }
0x52: {  	_ =	shalt  }
0x53: {  	_ =	shalt  }
0x54: {  	_ =	shalt  }
0x55: {  	_ =	shalt  }
0x56: {  	_ =	shalt  }
0x57: {  	_ =	shalt  }
0x58: {  	_ =	shalt  }
0x59: {  	_ =	shalt  }
0x5a: {  	_ =	shalt  }
0x5b: {  	_ =	shalt  }
0x5c: {  	_ =	shalt  }
0x5d: {  	_ =	shalt  }
0x5e: {  	_ =	shalt  }
0x5f: {  	_ =	shalt  }
0x60: {  	_ =	shalt  }
0x61: {  	_ =	shalt  }
0x62: {  	_ =	shalt  }
0x63: {  	_ =	shalt  }
0x64: {  	_ =	shalt  }
0x65: {  	_ =	shalt  }
0x66: {  	_ =	shalt  }
0x67: {  	_ =	shalt  }
0x68: {  	_ =	shalt  }
0x69: {  	_ =	shalt  }
0x6a: {  	_ =	shalt  }
0x6b: {  	_ =	shalt  }
0x6c: {  	_ =	shalt  }
0x6d: {  	_ =	shalt  }
0x6e: {  	_ =	shalt  }
0x6f: {  	_ =	shalt  }
0x70: {  	_ =	shalt  }
0x71: {  	_ =	shalt  }
0x72: {  	_ =	shalt  }
0x73: {  	_ =	shalt  }
0x74: {  	_ =	shalt  }
0x75: {  	_ =	shalt  }
0x76: {  	_ =	shalt  }
0x77: {  	_ =	shalt  }
0x78: {  	_ =	shalt  }
0x79: {  	_ =	shalt  }
0x7a: {  	_ =	shalt  }
0x7b: {  	_ =	shalt  }
0x7c: {  	_ =	shalt  }
0x7d: {  	_ =	shalt  }
0x7e: {  	_ =	shalt  }
0x7f: {  	_ =	shalt  }
0x80: {  	_ =	shalt  }
0x81: {  	_ =	shalt  }
0x82: {  	_ =	shalt  }
0x83: {  	_ =	shalt  }
0x84: {  	_ =	shalt  }
0x85: {  	_ =	shalt  }
0x86: {  	_ =	shalt  }
0x87: {  	_ =	shalt  }
.Lfunc_end0:
.L_simem_size_0:
called_computation_lowered:
.L_overlay_start_0:
0x88: {  	s2 =	sld [smem:$0x3FD9]  }
0x89: {  	s3 =	sld [smem:$0x3FFE];
	_ =	sdelay $0x1  }
0x8a: {  	s1 =	srdreg.scid  }
0x8b: {  	s0 =	sand.u32 $0x1, s1  }
0x8c: {  	s14 =	sshll.u32 s0, $0xA;
	s2 =	sadd.s32 s3, s2  }
0x8d: {  	s2 =	sadd.s32 s2, s14  }
0x8e: {  	[smem:$0x3FC2] =	sst s2  }
0x8f: {  	_ = 	snop  }
0x90: {  	s2 =	sld [smem:$0x3FD0];
	_ =	sdelay $0x2  }
0x91: {  	s15 =	simm.s32 $0xA;
	s4 =	simm.s32 $0x10  }
0x92: {  	[smem:s4], [sflag:s15] =	dma.local [hbm:s2], $0x1  }
0x93: {  	_ =	swait.eq [sflag:s15], $0x1  }
0x94: {  	[sflag:s15] =	ssyncset.done $0x0  }
0x95: {  	s16 =	sld [smem:$0x10];
	[sflag:s15] =	ssyncadd.s32 $0xFFFFFFFF  }
0x96: {  	s17 =	sld [smem:$0x11];
	(tm) =	ssettm $0x1  }
0x97: {  	s18 =	sld [smem:$0x3FFB];
	_ =	sdelay $0x3  }
0x98: {  	_ =	strace s18  }
0x99: {  	s4 =	sld [smem:$0x3FFC];
	_ =	sdelay $0x3  }
0x9a: {  	_ =	strace s4  }
0x9b: {  	s4 =	sld [smem:$0x3FFD];
	_ =	sdelay $0x3  }
0x9c: {  	_ =	strace s4  }
0x9d: {  	_ =	strace $0x8FFFFFFF  }
0x9e: {  	s19 =	sld [smem:$0x3FDB];
	_ =	sdelay $0x1  }
0x9f: {  	s5 =	simm.s32 $_scs_section_size  }
0xa0: {  	s6 =	simm.s32 $_size__tile_overlayer_lowered;
	s7 =	simm.s32 $_tile_overlayer_lowered  }
0xa1: {  	s22 =	simm.s32 $0x1BFF;
	s21 =	sshll.u32 s7, $0x1;
	s4 =	sadd.s32 s5, s19  }
0xa2: {  	s8 =	simm.s32 $0x0;
	s20 =	sshll.u32 s6, $0x1;
	s6 =	sadd.s32 s21, s4  }
0xa3: {  	[timem:s8], [sflag:s22] =	dma.local [hbm:s6], s20  }
0xa4: {  	_ =	swait.ge [sflag:s22], s20  }
0xa5: {  	s5 =	ssub.s32 $0x0, s20;
	[sflag:s22] =	ssyncset.done $0x0  }
0xa6: {  	[sflag:s22] =	ssyncadd.s32 s5;
	_ =	sdelay $0x1  }
0xa7: {  	s23 =	simm.s32 $0x1B8B  }
0xa8: {  	_ =	swait.ge [sflag:s23], $0x1  }
0xa9: {  	[sflag:s23] =	ssyncset.done $0x0  }
0xaa: {  	s25 =	simm.s32 $0x1B8E;
	s24 =	sld [smem:$0x3FFE];
	[sflag:s23] =	ssyncadd.s32 $0xFFFFFFFF  }
0xab: {  	s26 =	simm.s32 $execute0_lowered;
	[smem:$0x3FD2] =	sst s25  }
0xac: {  	s6 =	sshll.u32 s26, $0x1;
	_ =	strace $0x80000046;
	[dreg:$0x1] =	wrdreg $0xFFFFFFFF  }
0xad: {  	s28 =	simm.s32 $_size_execute0_lowered;
	s4 =	sadd.s32 s4, s6;
	[dreg:$0x0] =	wrdreg $0x0  }
0xae: {  	s6 =	sshll.u32 s28, $0x1;
	[dreg:$0x2] =	wrdreg s4  }
0xaf: {  	[dreg:$0x3] =	wrdreg s6  }
0xb0: {  	[dreg:$0x4] =	wrdreg $0xC0  }
0xb1: {  	_ =	task [dreg:s8], $0x5FFFF  }
0xb2: {  	[dreg:$0x1] =	wrdreg $0xFFFFFFFF  }
0xb3: {  	[dreg:$0x0] =	wrdreg $0x60  }
0xb4: {  	[dreg:$0x2] =	wrdreg s24  }
0xb5: {  	[dreg:$0x3] =	wrdreg s16  }
0xb6: {  	[dreg:$0x4] =	wrdreg s17  }
0xb7: {  	[dreg:$0x5] =	wrdreg $0x93000  }
0xb8: {  	[dreg:$0x6] =	wrdreg $0x1D3000  }
0xb9: {  	[dreg:$0x7] =	wrdreg $0x9  }
0xba: {  	_ =	task.clear_ibuf [dreg:s8], $0x8FFFF;
	_ =	strace $0x90000046  }
0xbb: {  	s29 =	simm.s32 $0x9;
	_ =	strace $0x80000048  }
0xbc: {  	_ =	swait.ge [sflag:s29], $0x1  }
0xbd: {  	[sflag:s29] =	ssyncadd.s32 $0xFFFFFFFF  }
0xbe: {  	_ =	strace $0x90000048  }
0xbf: {  	_ =	sfence  }
0xc0: {  	s30 =	sld [smem:$0x0];
	_ =	sdelay $0x2  }
0xc1: {  	s31 =	sshll.u32 s1, $0xD;
	s1 =	sshrl.u32 s1, $0x2  }
0xc2: {  	s3 =	sand.u32 $0x4000, s31;
	s1 =	sadd.s32 s1, s30  }
0xc3: {  	s0 =	sor.u32 s3, s0;
	s1 =	sshll.u32 s1, $0x11  }
0xc4: {  	s0 =	sor.u32 s1, s0  }
0xc5: {  	s0 =	sadd.s32 $0x8F2B, s0  }
0xc6: {  	[sflag:s0] =	ssyncadd.remote.s32 $0x1  }
0xc7: {  	_ =	sfence.sel $0xFFFF  }
0xc8: {  	[dreg:$0x0] =	wrdreg $0xFFFFFFFF;
	(pc) =	sbr.abs _section_cstart, $3  }
0xc9: {  	[dreg:$0x1] =	wrdreg $0xFFFFFFFF  }
0xca: {  	_ =	task.clear_ibuf [dreg:s8], $0x2FFFF;
	_ =	strace $0x9FFFFFFF  }
0xcb: {  	(tm) =	ssettm $0x7FFFFFFF  }
tec
execute0_lowered:
.L_overlay_start_1:
0x0: {  	(tag) =	ssettag $0x1  }
0x1: {  	s0 =	rddreg [dreg:$0x0]  }
0x2: {  	s1 =	rddreg [dreg:$0x1]  }
0x3: {  	s5 =	rddreg [dreg:$0x2]  }
0x4: {  	s6 =	rddreg [dreg:$0x3];
	s16 =	stileid.u32  }
0x5: {  	s3 =	srdreg.scid;
	s2 =	rddreg [dreg:$0x4];
	s28 =	simm.s32 $0x9000  }
0x6: {  	s30 =	simm.s32 $0x2;
	s29 =	simm.s32 $0x980;
	s8 =	smul.u32 $0x280, s16  }
0x7: {  	s31 =	simm.s32 $0x280;
	s17 =	simm.s32 $0x480;
	s10 =	smul.u32 $0x2800, s16  }
0x8: {  	s7 =	sand.u32 $0x1, s3;
	s3 =	simm.s32 $0x0;
	s12 =	smul.u32 $0x50000, s16  }
0x9: {  	s4 =	sadd.s32 $0x2800, s0;
	s15 =	smul.u32 $0x5000, s16;
	s19 =	sshll.u32 s16, $0x6  }
0xa: {  	s16 =	simm.s32 $0x200;
	s9 =	smul.u32 $0x2800, s7;
	[smem:$0x7FF] =	sst s3  }
0xb: {  	s13 =	ssub.s32 $0x2, s7;
	s7 =	smul.u32 $0x50000, s7;
	s20 =	sor.u32 $0x1C04, s19  }
0xc: {  	_ =	strace $0x80000047;
	s10 =	sadd.s32 s10, s0;
	[dreg:$0x6] =	wrdreg s19  }
0xd: {  	s14 =	sshrl.u32 s13, $0x1;
	s12 =	sshrl.u32 s12, $0x2;
	[dreg:$0x8] =	wrdreg s20  }
0xe: {  	s19 =	simm.s32 $0x5;
	s20 =	simm.s32 $0x3;
	s9 =	sadd.s32 s8, s9  }
0xf: {  	s18 =	ssub.s32 s13, s14;
	s6 =	sadd.s32 s12, s6;
	s7 =	sadd.s32 s15, s7  }
0x10: {  	s10 =	sadd.s32 $0x52800, s10;
	s12 =	sadd.s32 s8, s2;
	s13 =	simm.s32 $0x400  }
0x11: {  	s8 =	simm.s32 $0xB80;
	s11 =	sshll.u32 s9, $0x4;
	s9 =	sshrl.u32 s9, $0x3  }
0x12: {  	[dreg:$0x7] =	wrdreg s10;
	s21 =	sshrl.u32 s7, $0x3;
	s7 =	sor.u32 $0x400, s7  }
0x13: {  	s24 =	smax.u32 s18, $0x1;
	s18 =	simm.s32 $0xA80;
	[dreg:$0xb] =	wrdreg s12  }
0x14: {  	s11 =	sadd.s32 s11, s0;
	s0 =	sadd.s32 s9, s0;
	s22 =	sadd.s32 s1, s21  }
0x15: {  	s10 =	sadd.s32 s5, s21;
	s7 =	sshrl.u32 s7, $0x3;
	[dreg:$0xe] =	wrdreg s24  }
0x16: {  	s21 =	simm.s32 $0x80;
	s9 =	simm.s32 $0x0;
	[dreg:$0x9] =	wrdreg s22  }
0x17: {  	[dreg:$0xa] =	wrdreg s10;
	s23 =	sadd.s32 $0x7B200, s11;
	s0 =	sadd.s32 $0x7A800, s0  }
0x18: {  	s25 =	sadd.s32 s7, s5;
	s26 =	sadd.s32 s7, s1;
	s11 =	sshrl.u32 s6, $0x3  }
.Ltmp0:
0x19: {  	s22 =	simm.s32 $0x1000;
	[dreg:$0xc] =	wrdreg s23;
	(pc) =	sbr.rel .LBB2_1-.Ltmp0, $4  }
0x1a: {  	s10 =	simm.s32 $0x900;
	s1 =	simm.s32 $0xA00;
	[dreg:$0xd] =	wrdreg s0  }
0x1b: {  	s6 =	simm.s32 $0x380;
	s7 =	simm.s32 $0xB00;
	[dreg:$0xf] =	wrdreg s25  }
0x1c: {  	[dreg:$0x10] =	wrdreg s26;
	s23 =	simm.s32 $0x5000;
	s25 =	simm.s32 $0x1  }
0x1d: {  	v0 =	vimm.f32 $1.000000000e+00;
	v1 =	vimm.f32 $0.0e+00;
	s26 =	simm.s32 $0xC00;
	s0 =	simm.s32 $0x300;
	[dreg:$0x11] =	wrdreg s11  }
.LBB2_6:
0x1e: {  	[bflag:$0x0] =	sbarrier.arrive $0xFFFF  }
0x1f: {  	s5 =	rddreg [dreg:$0x6]  }
0x20: {  	s9 =	rddreg [dreg:$0xc]  }
0x21: {  	s14 =	rddreg [dreg:$0x11];
	s5 =	sor.u32 $0x1C05, s5  }
0x22: {  	[hbm:s9], [sflag:s5] =	dma.local [spmem:s14], $0x2800  }
0x23: {  	_ =	swait.ge [sflag:s19], $0x2800  }
0x24: {  	[sflag:s19] =	ssyncset.done $0x0;
	s12 =	rddreg [dreg:$0xb]  }
0x25: {  	s11 =	rddreg [dreg:$0xd];
	[sflag:s19] =	ssyncadd.s32 $0xFFFFD800;
	s24 =	sshrl.u32 s12, $0x3  }
0x26: {  	[hbm:s11], [sflag:s5] =	dma.local [spmem:s24], $0x50  }
0x27: {  	_ =	swait.ge [sflag:s19], $0x50  }
0x28: {  	s15 =	rddreg [dreg:$0x12]  }
0x29: {  	s24 =	rddreg [dreg:$0xe];
	s9 =	sadd.s32 $0x1, s15  }
0x2a: {  	p0 =	sne.s32 s9, s24  }
.Ltmp1:
0x2b: {  	_ = 	snop;
	(pc) =	sbr.rel @!p0 .LBB2_7-.Ltmp1, $3  }
0x2c: {  	_ =	sdelay $0x1  }
0x2d: {  	[sflag:s19] =	ssyncset.done $0x0  }
0x2e: {  	s11 =	smov.u32 s14;
	[sflag:s19] =	ssyncadd.s32 $0xFFFFFFB0  }
.LBB2_1:
0x2f: {  	[dreg:$0x12] =	wrdreg s9  }
0x30: {  	s5 =	rddreg [dreg:$0x7]  }
0x31: {  	s24 =	rddreg [dreg:$0x8]  }
0x32: {  	[spmem:s11], [sflag:s24] =	dma.local [hbm:s5], $0x2800  }
0x33: {  	s5 =	rddreg [dreg:$0x9]  }
0x34: {  	[tilespmem:s3], [sflag:$0x3] =	stream.linear.gather [hbm4b:s5+s3], $0x400, $0x38;
	[tilespmem:$0x1D580] =	vst v63  }
0x35: {  	s14 =	simm.s32 $0x800;
	s11 =	rddreg [dreg:$0xa]  }
0x36: {  	[tilespmem:s14], [sflag:$0x3] =	stream.linear.gather [hbm4b:s11+s3], $0x400, $0x38;
	[tilespmem:$0x1D580] =	vst v63  }
0x37: {  	[tilespmem:$0x9000] =	vst v0  }
0x38: {  	[tilespmem:$0x9010] =	vst v0  }
0x39: {  	[tilespmem:$0x9020] =	vst v0  }
0x3a: {  	[tilespmem:$0x9030] =	vst v0  }
0x3b: {  	[tilespmem:$0x9040] =	vst v0  }
0x3c: {  	[tilespmem:$0x9050] =	vst v0  }
0x3d: {  	[tilespmem:$0x9060] =	vst v0  }
0x3e: {  	[tilespmem:$0x9070] =	vst v0  }
0x3f: {  	[tilespmem:$0x9080] =	vst v1  }
0x40: {  	[tilespmem:$0x9090] =	vst v1  }
0x41: {  	[tilespmem:$0x90A0] =	vst v1  }
0x42: {  	[tilespmem:$0x90B0] =	vst v1  }
0x43: {  	[tilespmem:$0x90C0] =	vst v1  }
0x44: {  	[tilespmem:$0x90D0] =	vst v1  }
0x45: {  	[tilespmem:$0x90E0] =	vst v1  }
0x46: {  	[tilespmem:$0x90F0] =	vst v1  }
0x47: {  	[tilespmem:$0x9100] =	vst v1  }
0x48: {  	[tilespmem:$0x9110] =	vst v1  }
0x49: {  	[tilespmem:$0x9120] =	vst v1  }
0x4a: {  	[tilespmem:$0x9130] =	vst v1  }
0x4b: {  	[tilespmem:$0x9140] =	vst v1  }
0x4c: {  	[tilespmem:$0x9150] =	vst v1  }
0x4d: {  	[tilespmem:$0x9160] =	vst v1  }
0x4e: {  	[tilespmem:$0x9170] =	vst v1  }
0x4f: {  	[tilespmem:$0x9180] =	vst v1  }
0x50: {  	[tilespmem:$0x9190] =	vst v1  }
0x51: {  	[tilespmem:$0x91A0] =	vst v1  }
0x52: {  	[tilespmem:$0x91B0] =	vst v1  }
0x53: {  	[tilespmem:$0x91C0] =	vst v1  }
0x54: {  	[tilespmem:$0x91D0] =	vst v1  }
0x55: {  	[tilespmem:$0x91E0] =	vst v1  }
0x56: {  	[tilespmem:$0x91F0] =	vst v1  }
0x57: {  	[tilespmem:$0x9200] =	vst v1  }
0x58: {  	[tilespmem:$0x9210] =	vst v1  }
0x59: {  	[tilespmem:$0x9220] =	vst v1  }
0x5a: {  	[tilespmem:$0x9230] =	vst v1  }
0x5b: {  	[tilespmem:$0x9240] =	vst v1  }
0x5c: {  	[tilespmem:$0x9250] =	vst v1  }
0x5d: {  	[tilespmem:$0x9260] =	vst v1  }
0x5e: {  	[tilespmem:$0x9270] =	vst v1  }
0x5f: {  	[tilespmem:$0x9280] =	vst v1  }
0x60: {  	[tilespmem:$0x9290] =	vst v1  }
0x61: {  	[tilespmem:$0x92A0] =	vst v1  }
0x62: {  	[tilespmem:$0x92B0] =	vst v1  }
0x63: {  	[tilespmem:$0x92C0] =	vst v1  }
0x64: {  	[tilespmem:$0x92D0] =	vst v1  }
0x65: {  	[tilespmem:$0x92E0] =	vst v1  }
0x66: {  	s15 =	simm.s32 $0x9080;
	[tilespmem:$0x92F0] =	vst v1  }
0x67: {  	[spmem:s12] =	stream.linear.scatter [tilespmem:s15], [sflag:$0x5], $0x280, $0x38;
	[tilespmem:$0x1D580] =	vst v63  }
0x68: {  	_ =	swait.ge [sflag:s19], $0x280  }
0x69: {  	[sflag:s19] =	ssyncset.done $0x0  }
0x6a: {  	[sflag:s19] =	ssyncadd.s32 $0xFFFFFD80  }
0x6b: {  	_ =	swait.ge [sflag:s20], $0x400  }
0x6c: {  	[sflag:s20] =	ssyncset.done $0x0  }
0x6d: {  	[sflag:s20] =	ssyncadd.s32 $0xFFFFFC00  }
0x6e: {  	_ =	swait.ge [sflag:s20], $0x400  }
0x6f: {  	[sflag:s20] =	ssyncset.done $0x0  }
0x70: {  	[sflag:s20] =	ssyncadd.s32 $0xFFFFFC00  }
0x71: {  	[tilespmem:s22], [sflag:$0x1] =	stream.indirect.gather [hbm4b:s4+s21], $0x80, s3, s21, $0xb8;
	[tilespmem:$0x1D580] =	vst v63  }
0x72: {  	s24 =	simm.s32 $0x4  }
0x73: {  	[tilespmem:s23], [sflag:$0x2] =	stream.indirect.gather [hbm4b:s4+s21], $0x80, s21, s21, $0xb8;
	[tilespmem:$0x1D580] =	vst v63  }
0x74: {  	_ =	swait.ge [sflag:s24], $0x2800  }
.Ltmp2:
0x75: {  	[sflag:s24] =	ssyncset.done $0x0;
	(pc) =	sbr.rel .LBB2_2-.Ltmp2, $4  }
0x76: {  	[sflag:s24] =	ssyncadd.s32 $0xFFFFD800  }
0x77: {  	[bflag:$0x0] =	sbarrier.arrive $0xFFFF  }
0x78: {  	s9 =	rddreg [dreg:$0x10]  }
0x79: {  	s5 =	simm.s32 $0x0;
	s11 =	rddreg [dreg:$0xf]  }
.LBB2_4:
0x7a: {  	p0 =	seq.s32 s5, $0x13  }
0x7b: {  	s12 =	simm.s32 @!p0 $0x0  }
0x7c: {  	[tilespmem:s12], [sflag:$0x3] =	stream.linear.gather @!p0 [hbm4b:s9+s12], $0x400, $0x38;
	[tilespmem:$0x1D580] =	vst v63  }
0x7d: {  	s14 =	simm.s32 @!p0 $0x800  }
0x7e: {  	[tilespmem:s14], [sflag:$0x3] =	stream.linear.gather @!p0 [hbm4b:s11+s12], $0x400, $0x38;
	[tilespmem:$0x1D580] =	vst v63  }
0x7f: {  	_ =	swait.ge [sflag:s25], $0x4000  }
0x80: {  	[sflag:s25] =	ssyncset.done $0x0  }
0x81: {  	[sflag:s25] =	ssyncadd.s32 $0xFFFFC000  }
0x82: {  	[spmem:s2] =	stream.indirect.scatter.add.f32 [tilespmem:s28], [sflag:$0x5], $0x1, s26, s21, $0xb8;
	[tilespmem:$0x1D580] =	vst v63  }
0x83: {  	_ =	swait.ge [sflag:s19], $0x80  }
0x84: {  	[sflag:s19] =	ssyncset.done $0x0  }
0x85: {  	s15 =	simm.s32 $0x500;
	[sflag:s19] =	ssyncadd.s32 $0xFFFFFF80  }
0x86: {  	[tilespmem:s22], [sflag:$0x1] =	stream.indirect.gather [hbm4b:s4+s21], $0x80, s15, s21, $0xb8;
	[tilespmem:$0x1D580] =	vst v63  }
0x87: {  	_ =	swait.ge [sflag:s30], $0x4000  }
0x88: {  	[sflag:s30] =	ssyncset.done $0x0  }
0x89: {  	s24 =	simm.s32 $0xC80;
	[sflag:s30] =	ssyncadd.s32 $0xFFFFC000  }
0x8a: {  	[spmem:s2] =	stream.indirect.scatter.add.f32 [tilespmem:s28], [sflag:$0x5], $0x1, s24, s21, $0xb8;
	[tilespmem:$0x1D580] =	vst v63  }
0x8b: {  	_ =	swait.ge [sflag:s19], $0x80  }
0x8c: {  	[sflag:s19] =	ssyncset.done $0x0  }
0x8d: {  	s15 =	simm.s32 $0x580;
	[sflag:s19] =	ssyncadd.s32 $0xFFFFFF80  }
0x8e: {  	[tilespmem:s23], [sflag:$0x2] =	stream.indirect.gather [hbm4b:s4+s21], $0x80, s15, s21, $0xb8;
	[tilespmem:$0x1D580] =	vst v63  }
0x8f: {  	_ =	swait.ge [sflag:s25], $0x4000  }
0x90: {  	[sflag:s25] =	ssyncset.done $0x0  }
0x91: {  	s24 =	simm.s32 $0xD00;
	[sflag:s25] =	ssyncadd.s32 $0xFFFFC000  }
0x92: {  	[spmem:s2] =	stream.indirect.scatter.add.f32 [tilespmem:s28], [sflag:$0x5], $0x1, s24, s21, $0xb8;
	[tilespmem:$0x1D580] =	vst v63  }
0x93: {  	_ =	swait.ge [sflag:s19], $0x80  }
0x94: {  	[sflag:s19] =	ssyncset.done $0x0  }
0x95: {  	s15 =	simm.s32 $0x600;
	[sflag:s19] =	ssyncadd.s32 $0xFFFFFF80  }
0x96: {  	[tilespmem:s22], [sflag:$0x1] =	stream.indirect.gather [hbm4b:s4+s21], $0x80, s15, s21, $0xb8;
	[tilespmem:$0x1D580] =	vst v63  }
0x97: {  	_ =	swait.ge [sflag:s30], $0x4000  }
0x98: {  	[sflag:s30] =	ssyncset.done $0x0  }
0x99: {  	s24 =	simm.s32 $0xD80;
	[sflag:s30] =	ssyncadd.s32 $0xFFFFC000  }
0x9a: {  	[spmem:s2] =	stream.indirect.scatter.add.f32 [tilespmem:s28], [sflag:$0x5], $0x1, s24, s21, $0xb8;
	[tilespmem:$0x1D580] =	vst v63  }
0x9b: {  	_ =	swait.ge [sflag:s19], $0x80  }
0x9c: {  	[sflag:s19] =	ssyncset.done $0x0  }
0x9d: {  	s15 =	simm.s32 $0x680;
	[sflag:s19] =	ssyncadd.s32 $0xFFFFFF80  }
0x9e: {  	[tilespmem:s23], [sflag:$0x2] =	stream.indirect.gather [hbm4b:s4+s21], $0x80, s15, s21, $0xb8;
	[tilespmem:$0x1D580] =	vst v63  }
0x9f: {  	_ =	swait.ge [sflag:s25], $0x4000  }
0xa0: {  	[sflag:s25] =	ssyncset.done $0x0  }
0xa1: {  	s24 =	simm.s32 $0xE00;
	[sflag:s25] =	ssyncadd.s32 $0xFFFFC000  }
0xa2: {  	[spmem:s2] =	stream.indirect.scatter.add.f32 [tilespmem:s28], [sflag:$0x5], $0x1, s24, s21, $0xb8;
	[tilespmem:$0x1D580] =	vst v63  }
0xa3: {  	_ =	swait.ge [sflag:s19], $0x80  }
0xa4: {  	[sflag:s19] =	ssyncset.done $0x0  }
0xa5: {  	s15 =	simm.s32 $0x700;
	[sflag:s19] =	ssyncadd.s32 $0xFFFFFF80  }
0xa6: {  	[tilespmem:s22], [sflag:$0x1] =	stream.indirect.gather [hbm4b:s4+s21], $0x80, s15, s21, $0xb8;
	[tilespmem:$0x1D580] =	vst v63  }
0xa7: {  	_ =	swait.ge [sflag:s30], $0x4000  }
0xa8: {  	[sflag:s30] =	ssyncset.done $0x0  }
0xa9: {  	s24 =	simm.s32 $0xE80;
	[sflag:s30] =	ssyncadd.s32 $0xFFFFC000  }
0xaa: {  	[spmem:s2] =	stream.indirect.scatter.add.f32 [tilespmem:s28], [sflag:$0x5], $0x1, s24, s21, $0xb8;
	[tilespmem:$0x1D580] =	vst v63  }
0xab: {  	_ =	swait.ge [sflag:s19], $0x80  }
0xac: {  	[sflag:s19] =	ssyncset.done $0x0  }
0xad: {  	s15 =	simm.s32 $0x780;
	[sflag:s19] =	ssyncadd.s32 $0xFFFFFF80  }
0xae: {  	[tilespmem:s23], [sflag:$0x2] =	stream.indirect.gather [hbm4b:s4+s21], $0x80, s15, s21, $0xb8;
	[tilespmem:$0x1D580] =	vst v63  }
0xaf: {  	_ =	swait.ge [sflag:s25], $0x4000  }
0xb0: {  	[sflag:s25] =	ssyncset.done $0x0  }
0xb1: {  	s24 =	simm.s32 $0xF00;
	[sflag:s25] =	ssyncadd.s32 $0xFFFFC000  }
0xb2: {  	[spmem:s2] =	stream.indirect.scatter.add.f32 [tilespmem:s28], [sflag:$0x5], $0x1, s24, s21, $0xb8;
	[tilespmem:$0x1D580] =	vst v63  }
0xb3: {  	_ =	swait.ge [sflag:s19], $0x80  }
0xb4: {  	[sflag:s19] =	ssyncset.done $0x0  }
0xb5: {  	s14 =	simm.s32 @p0 $0x2;
	[sflag:s19] =	ssyncadd.s32 $0xFFFFFF80  }
0xb6: {  	_ =	swait.ge @p0 [sflag:s14], $0x4000  }
0xb7: {  	s15 =	simm.s32 @p0 $0xF80;
	[sflag:s14] =	ssyncset.done @p0 $0x0  }
0xb8: {  	s24 =	simm.s32 @p0 $0x9000;
	[sflag:s14] =	ssyncadd.s32 @p0 $0xFFFFC000;
	s14 =	simm.s32 @p0 $0x80  }
0xb9: {  	[spmem:s2] =	stream.indirect.scatter.add.f32 @p0 [tilespmem:s24], [sflag:$0x5], $0x1, s15, s14, $0xb8;
	[tilespmem:$0x1D580] =	vst v63  }
0xba: {  	s14 =	simm.s32 @p0 $0x5  }
0xbb: {  	_ =	swait.ge @p0 [sflag:s14], $0x80  }
0xbc: {  	[sflag:s14] =	ssyncset.done @p0 $0x0  }
0xbd: {  	[sflag:s14] =	ssyncadd.s32 @p0 $0xFFFFFF80;
	s14 =	simm.s32 @!p0 $0x3  }
0xbe: {  	_ =	swait.ge @!p0 [sflag:s14], $0x400  }
0xbf: {  	[sflag:s14] =	ssyncset.done @!p0 $0x0  }
0xc0: {  	[sflag:s14] =	ssyncadd.s32 @!p0 $0xFFFFFC00  }
0xc1: {  	_ =	swait.ge @!p0 [sflag:s14], $0x400  }
0xc2: {  	[sflag:s14] =	ssyncset.done @!p0 $0x0  }
0xc3: {  	s15 =	simm.s32 @!p0 $0x1000;
	[sflag:s14] =	ssyncadd.s32 @!p0 $0xFFFFFC00;
	s14 =	simm.s32 @!p0 $0x80  }
0xc4: {  	[tilespmem:s15], [sflag:$0x1] =	stream.indirect.gather @!p0 [hbm4b:s4+s14], $0x80, s12, s14, $0xb8;
	[tilespmem:$0x1D580] =	vst v63  }
0xc5: {  	s12 =	simm.s32 @!p0 $0x2  }
0xc6: {  	_ =	swait.ge @!p0 [sflag:s12], $0x4000  }
0xc7: {  	[sflag:s12] =	ssyncset.done @!p0 $0x0  }
0xc8: {  	s15 =	simm.s32 @!p0 $0x9000;
	[sflag:s12] =	ssyncadd.s32 @!p0 $0xFFFFC000;
	s12 =	simm.s32 @!p0 $0xF80  }
0xc9: {  	[spmem:s2] =	stream.indirect.scatter.add.f32 @!p0 [tilespmem:s15], [sflag:$0x5], $0x1, s12, s14, $0xb8;
	[tilespmem:$0x1D580] =	vst v63  }
0xca: {  	s12 =	simm.s32 @!p0 $0x5  }
0xcb: {  	_ =	swait.ge @!p0 [sflag:s12], $0x80  }
0xcc: {  	[sflag:s12] =	ssyncset.done @!p0 $0x0  }
0xcd: {  	[sflag:s12] =	ssyncadd.s32 @!p0 $0xFFFFFF80;
	s12 =	simm.s32 @!p0 $0x5000  }
0xce: {  	[tilespmem:s12], [sflag:$0x2] =	stream.indirect.gather @!p0 [hbm4b:s4+s14], $0x80, s14, s14, $0xb8;
	[tilespmem:$0x1D580] =	vst v63  }
.LBB2_5:
0xcf: {  	s5 =	sadd.s32 $0x1, s5  }
0xd0: {  	p0 =	sne.s32 s5, $0x14  }
.Ltmp3:
0xd1: {  	_ = 	snop;
	(pc) =	sbr.rel @!p0 .LBB2_6-.Ltmp3, $2  }
0xd2: {  	_ =	sdelay $0x2  }
0xd3: {  	s11 =	sadd.s32 $0x80, s11;
	s9 =	sadd.s32 $0x80, s9  }
.LBB2_2:
0xd4: {  	s12 =	sand.u32 $0x1, s5  }
0xd5: {  	p0 =	seq.s32 s12, $0x1  }
.Ltmp4:
0xd6: {  	_ = 	snop;
	(pc) =	sbr.rel @p0 .LBB2_4-.Ltmp4, $1  }
0xd7: {  	_ =	sdelay $0x3  }
0xd8: {  	[tilespmem:s13], [sflag:$0x3] =	stream.linear.gather [hbm4b:s9+s3], $0x400, $0x38;
	[tilespmem:$0x1D580] =	vst v63  }
0xd9: {  	_ = 	snop  }
0xda: {  	[tilespmem:s26], [sflag:$0x3] =	stream.linear.gather [hbm4b:s11+s3], $0x400, $0x38;
	[tilespmem:$0x1D580] =	vst v63  }
0xdb: {  	_ =	swait.ge [sflag:s25], $0x4000  }
0xdc: {  	[sflag:s25] =	ssyncset.done $0x0  }
0xdd: {  	s12 =	simm.s32 $0x800;
	[sflag:s25] =	ssyncadd.s32 $0xFFFFC000  }
0xde: {  	[spmem:s2] =	stream.indirect.scatter.add.f32 [tilespmem:s28], [sflag:$0x5], $0x1, s12, s21, $0xb8;
	[tilespmem:$0x1D580] =	vst v63  }
0xdf: {  	_ =	swait.ge [sflag:s19], $0x80  }
0xe0: {  	[sflag:s19] =	ssyncset.done $0x0  }
0xe1: {  	s14 =	simm.s32 $0x100;
	[sflag:s19] =	ssyncadd.s32 $0xFFFFFF80  }
0xe2: {  	[tilespmem:s22], [sflag:$0x1] =	stream.indirect.gather [hbm4b:s4+s21], $0x80, s14, s21, $0xb8;
	[tilespmem:$0x1D580] =	vst v63  }
0xe3: {  	_ =	swait.ge [sflag:s30], $0x4000  }
0xe4: {  	[sflag:s30] =	ssyncset.done $0x0  }
0xe5: {  	s15 =	simm.s32 $0x880;
	[sflag:s30] =	ssyncadd.s32 $0xFFFFC000  }
0xe6: {  	[spmem:s2] =	stream.indirect.scatter.add.f32 [tilespmem:s28], [sflag:$0x5], $0x1, s15, s21, $0xb8;
	[tilespmem:$0x1D580] =	vst v63  }
0xe7: {  	_ =	swait.ge [sflag:s19], $0x80  }
0xe8: {  	[sflag:s19] =	ssyncset.done $0x0  }
0xe9: {  	s24 =	simm.s32 $0x180;
	[sflag:s19] =	ssyncadd.s32 $0xFFFFFF80  }
0xea: {  	[tilespmem:s23], [sflag:$0x2] =	stream.indirect.gather [hbm4b:s4+s21], $0x80, s24, s21, $0xb8;
	[tilespmem:$0x1D580] =	vst v63  }
0xeb: {  	_ =	swait.ge [sflag:s25], $0x4000  }
0xec: {  	[sflag:s25] =	ssyncset.done $0x0  }
0xed: {  	[sflag:s25] =	ssyncadd.s32 $0xFFFFC000  }
0xee: {  	[spmem:s2] =	stream.indirect.scatter.add.f32 [tilespmem:s28], [sflag:$0x5], $0x1, s10, s21, $0xb8;
	[tilespmem:$0x1D580] =	vst v63  }
0xef: {  	_ =	swait.ge [sflag:s19], $0x80  }
0xf0: {  	[sflag:s19] =	ssyncset.done $0x0  }
0xf1: {  	[sflag:s19] =	ssyncadd.s32 $0xFFFFFF80  }
0xf2: {  	[tilespmem:s22], [sflag:$0x1] =	stream.indirect.gather [hbm4b:s4+s21], $0x80, s16, s21, $0xb8;
	[tilespmem:$0x1D580] =	vst v63  }
0xf3: {  	_ =	swait.ge [sflag:s30], $0x4000  }
0xf4: {  	[sflag:s30] =	ssyncset.done $0x0  }
0xf5: {  	[sflag:s30] =	ssyncadd.s32 $0xFFFFC000  }
0xf6: {  	[spmem:s2] =	stream.indirect.scatter.add.f32 [tilespmem:s28], [sflag:$0x5], $0x1, s29, s21, $0xb8;
	[tilespmem:$0x1D580] =	vst v63  }
0xf7: {  	_ =	swait.ge [sflag:s19], $0x80  }
0xf8: {  	[sflag:s19] =	ssyncset.done $0x0  }
0xf9: {  	[sflag:s19] =	ssyncadd.s32 $0xFFFFFF80  }
0xfa: {  	[tilespmem:s23], [sflag:$0x2] =	stream.indirect.gather [hbm4b:s4+s21], $0x80, s31, s21, $0xb8;
	[tilespmem:$0x1D580] =	vst v63  }
0xfb: {  	_ =	swait.ge [sflag:s25], $0x4000  }
0xfc: {  	[sflag:s25] =	ssyncset.done $0x0  }
0xfd: {  	[sflag:s25] =	ssyncadd.s32 $0xFFFFC000  }
0xfe: {  	[spmem:s2] =	stream.indirect.scatter.add.f32 [tilespmem:s28], [sflag:$0x5], $0x1, s1, s21, $0xb8;
	[tilespmem:$0x1D580] =	vst v63  }
0xff: {  	_ =	swait.ge [sflag:s19], $0x80  }
0x100: {  	[sflag:s19] =	ssyncset.done $0x0  }
0x101: {  	[sflag:s19] =	ssyncadd.s32 $0xFFFFFF80  }
0x102: {  	[tilespmem:s22], [sflag:$0x1] =	stream.indirect.gather [hbm4b:s4+s21], $0x80, s0, s21, $0xb8;
	[tilespmem:$0x1D580] =	vst v63  }
0x103: {  	_ =	swait.ge [sflag:s30], $0x4000  }
0x104: {  	[sflag:s30] =	ssyncset.done $0x0  }
0x105: {  	[sflag:s30] =	ssyncadd.s32 $0xFFFFC000  }
0x106: {  	[spmem:s2] =	stream.indirect.scatter.add.f32 [tilespmem:s28], [sflag:$0x5], $0x1, s18, s21, $0xb8;
	[tilespmem:$0x1D580] =	vst v63  }
0x107: {  	_ =	swait.ge [sflag:s19], $0x80  }
0x108: {  	[sflag:s19] =	ssyncset.done $0x0  }
0x109: {  	[sflag:s19] =	ssyncadd.s32 $0xFFFFFF80  }
0x10a: {  	[tilespmem:s23], [sflag:$0x2] =	stream.indirect.gather [hbm4b:s4+s21], $0x80, s6, s21, $0xb8;
	[tilespmem:$0x1D580] =	vst v63  }
0x10b: {  	_ =	swait.ge [sflag:s25], $0x4000  }
0x10c: {  	[sflag:s25] =	ssyncset.done $0x0  }
0x10d: {  	[sflag:s25] =	ssyncadd.s32 $0xFFFFC000  }
0x10e: {  	[spmem:s2] =	stream.indirect.scatter.add.f32 [tilespmem:s28], [sflag:$0x5], $0x1, s7, s21, $0xb8;
	[tilespmem:$0x1D580] =	vst v63  }
0x10f: {  	_ =	swait.ge [sflag:s19], $0x80  }
0x110: {  	[sflag:s19] =	ssyncset.done $0x0  }
0x111: {  	[sflag:s19] =	ssyncadd.s32 $0xFFFFFF80  }
0x112: {  	_ =	swait.ge [sflag:s20], $0x400  }
0x113: {  	[sflag:s20] =	ssyncset.done $0x0  }
0x114: {  	[sflag:s20] =	ssyncadd.s32 $0xFFFFFC00  }
0x115: {  	_ =	swait.ge [sflag:s20], $0x400  }
0x116: {  	[sflag:s20] =	ssyncset.done $0x0  }
0x117: {  	[sflag:s20] =	ssyncadd.s32 $0xFFFFFC00  }
0x118: {  	[tilespmem:s22], [sflag:$0x1] =	stream.indirect.gather [hbm4b:s4+s21], $0x80, s13, s21, $0xb8;
	[tilespmem:$0x1D580] =	vst v63  }
0x119: {  	_ =	swait.ge [sflag:s30], $0x4000  }
0x11a: {  	[sflag:s30] =	ssyncset.done $0x0  }
0x11b: {  	[sflag:s30] =	ssyncadd.s32 $0xFFFFC000  }
0x11c: {  	[spmem:s2] =	stream.indirect.scatter.add.f32 [tilespmem:s28], [sflag:$0x5], $0x1, s8, s21, $0xb8;
	[tilespmem:$0x1D580] =	vst v63  }
.Ltmp5:
0x11d: {  	_ = 	snop;
	(pc) =	sbr.rel .LBB2_5-.Ltmp5, $4  }
0x11e: {  	_ =	swait.ge [sflag:s19], $0x80  }
0x11f: {  	[sflag:s19] =	ssyncset.done $0x0  }
0x120: {  	[sflag:s19] =	ssyncadd.s32 $0xFFFFFF80  }
0x121: {  	[tilespmem:s23], [sflag:$0x2] =	stream.indirect.gather [hbm4b:s4+s21], $0x80, s17, s21, $0xb8;
	[tilespmem:$0x1D580] =	vst v63  }
.LBB2_7:
0x122: {  	_ =	sfence.sel $0x180000  }
0x123: {  	[bflag:$0x0] =	sbarrier.arrive $0xFFFF  }
0x124: {  	_ =	strace $0x90000047  }
0x125: {  	s0 =	stileid.u32;
	[bflag:$0x2] =	sbarrier.arrive $0xFFFF  }
0x126: {  	p0 =	sne.s32 s0, $0x0;
	s0 =	rddreg [dreg:$0x5]  }
0x127: {  	s0 =	sadd.s32 @!p0 $0x100000, s0  }
0x128: {  	[sflag:s0] =	ssyncadd.tile.s32 @!p0 $0x1;
	_ =	shalt  }
.Lfunc_end2:
_tile_overlayer_lowered:
.L_overlay_start_2:
0x129: {  	(tag) =	ssettag $0x2  }
0x12a: {  	s0 =	rddreg [dreg:$0x0];
	s2 =	stileid.u32  }
0x12b: {  	s1 =	rddreg [dreg:$0x1];
	p0 =	sne.s32 s2, $0x0  }
0x12c: {  	s3 =	rddreg [dreg:$0x2];
	[bflag:$0x3] =	sbarrier.arrive $0xFFFF;
	s2 =	simm.s32 @!p0 $0x1C05  }
0x12d: {  	[timem:s3], [sflag:s2] =	dma.local @!p0 [hbm:s0], s1  }
0x12e: {  	s0 =	simm.s32 @!p0 $0x5  }
0x12f: {  	_ =	swait.ge @!p0 [sflag:s0], s1  }
0x130: {  	s1 =	ssub.s32 @!p0 $0x0, s1;
	[sflag:s0] =	ssyncset.done @!p0 $0x0  }
0x131: {  	[sflag:s0] =	ssyncadd.s32 @!p0 s1  }
0x132: {  	[bflag:$0x3] =	sbarrier.arrive $0xFFFF  }
0x133: {  	_ =	shalt  }

</sc_bundles>
